<compile_context>
chip_gen: v7x
topology: tpu7x:2x2x1
jax: 0.10.2.dev20260603
libtpu: 0.0.44.dev20260713+nightly
codegen_flags: <defaults>
</compile_context>

<pallas_src>
import functools

import jax
import jax.numpy as jnp
from jax import lax
from jax.experimental import pallas as pl
from jax.experimental.pallas import tpu as pltpu
from jax.experimental.pallas import tpu_sc as plsc

_NC = 2
_NS = 16
_C = 128
_ZR = 128
_DEG_W = 8


def _sc_mesh():
    return plsc.VectorSubcoreMesh(
        core_axis_name="c", subcore_axis_name="s",
        num_cores=_NC, num_subcores=_NS)


_SC_PARAMS = pltpu.CompilerParams(use_tc_tiling_on_sc=False)


_D0 = 8


def _chunk_split(e):
    ku = pl.cdiv(pl.cdiv(e, _C), _NC * _NS)
    return pl.cdiv(ku, _D0) * _D0


def _sc_deg_call(col_ch, ones, zeros, n_pad, kd):
    rpt = n_pad // _NS

    @functools.partial(
        pl.kernel,
        out_type=jax.ShapeDtypeStruct((_NC, n_pad, _DEG_W), jnp.float32),
        mesh=_sc_mesh(),
        compiler_params=_SC_PARAMS,
        scratch_types=[
            pltpu.VMEM((kd, _C), jnp.int32),
            pltpu.VMEM((_C, _DEG_W), jnp.float32),
            pltpu.VMEM((_ZR, _DEG_W), jnp.float32),
            pltpu.VMEM_SHARED((n_pad, _DEG_W), jnp.float32),
        ],
    )
    def deg_kernel(col_hbm, ones_hbm, zeros_hbm, out_hbm, cid_v, ones_v, zbuf_v, acc):
        c = lax.axis_index("c")
        s = lax.axis_index("s")
        wid = c * _NS + s
        base = s * rpt
        pltpu.sync_copy(zeros_hbm, zbuf_v)

        def zstep(z, carry):
            pltpu.sync_copy(zbuf_v, acc.at[pl.ds(base + z * _ZR, _ZR)])
            return carry
        lax.fori_loop(0, rpt // _ZR, zstep, 0)

        pltpu.sync_copy(ones_hbm, ones_v)
        pltpu.sync_copy(col_hbm.at[pl.ds(wid * kd, kd)], cid_v)
        plsc.subcore_barrier()

        def step(j, carry):
            pltpu.sync_copy(ones_v, acc.at[cid_v.at[j]], add=True)
            return carry
        lax.fori_loop(0, kd, step, 0)
        plsc.subcore_barrier()

        def wstep(z, carry):
            ds = pl.ds(base + z * _ZR, _ZR)
            pltpu.sync_copy(acc.at[ds], zbuf_v)
            pltpu.sync_copy(zbuf_v, out_hbm.at[c, ds])
            return carry
        lax.fori_loop(0, rpt // _ZR, wstep, 0)

    return deg_kernel(col_ch, ones, zeros)


def _sc_agg_call(table, row_ch, col_ch, zeros, n_pad, ku):
    h = table.shape[1]
    rpt = n_pad // _NS

    @functools.partial(
        pl.kernel,
        out_type=jax.ShapeDtypeStruct((_NC, n_pad, h), jnp.float32),
        mesh=_sc_mesh(),
        compiler_params=_SC_PARAMS,
        scratch_types=[
            pltpu.VMEM((ku + _D0, _C), jnp.int32),
            pltpu.VMEM((ku + _D0, _C), jnp.int32),
            [pltpu.VMEM((_C, h), jnp.float32) for _ in range(_D0)],
            pltpu.VMEM((_ZR, h), jnp.float32),
            pltpu.VMEM_SHARED((n_pad, h), jnp.float32),
            pltpu.VMEM_SHARED((n_pad, h), jnp.float32),
            [pltpu.SemaphoreType.DMA for _ in range(_D0)],
        ],
    )
    def agg_kernel(tab_hbm, row_hbm, col_hbm, zeros_hbm, out_hbm,
                   rid_v, cid_v, rows, zbuf_v, acc, tabs, sems):
        c = lax.axis_index("c")
        s = lax.axis_index("s")
        base = s * rpt
        pltpu.sync_copy(zeros_hbm, zbuf_v)

        def zstep(z, carry):
            pltpu.sync_copy(zbuf_v, acc.at[pl.ds(base + z * _ZR, _ZR)])
            return carry
        lax.fori_loop(0, rpt // _ZR, zstep, 0)

        def tstep(z, carry):
            ds = pl.ds(base + z * _ZR, _ZR)
            pltpu.sync_copy(tab_hbm.at[ds], rows[0])
            pltpu.sync_copy(rows[0], tabs.at[ds])
            return carry
        lax.fori_loop(0, rpt // _ZR, tstep, 0)

        start = (c * _NS + s) * ku
        pltpu.sync_copy(row_hbm.at[pl.ds(start, ku + _D0)], rid_v)
        pltpu.sync_copy(col_hbm.at[pl.ds(start, ku + _D0)], cid_v)

        plsc.subcore_barrier()

        for b in range(_D0):
            pltpu.async_copy(tabs.at[rid_v.at[b]], rows[b], sems[b])

        def step(i, carry):
            for b in range(_D0):
                j = i * _D0 + b
                pltpu.make_async_copy(
                    tabs.at[rid_v.at[j]], rows[b], sems[b]).wait()
                pltpu.sync_copy(rows[b], acc.at[cid_v.at[j]], add=True)
                pltpu.async_copy(
                    tabs.at[rid_v.at[j + _D0]], rows[b], sems[b])
            return carry
        lax.fori_loop(0, ku // _D0, step, 0)

        for b in range(_D0):
            pltpu.make_async_copy(
                tabs.at[rid_v.at[0]], rows[b], sems[b]).wait()

        plsc.subcore_barrier()

        def wstep(z, carry):
            ds = pl.ds(base + z * _ZR, _ZR)
            pltpu.sync_copy(acc.at[ds], zbuf_v)
            pltpu.sync_copy(zbuf_v, out_hbm.at[c, ds])
            return carry
        lax.fori_loop(0, rpt // _ZR, wstep, 0)

    return agg_kernel(table, row_ch, col_ch, zeros)


def _dinv_from(degp, n):
    deg = degp[0, :n, :1] + degp[1, :n, :1]
    return jnp.where(deg > 0.0, lax.rsqrt(deg), 0.0)


def _tc_pass0(x, w1i, w1r):
    n, _ = x.shape
    h = w1i.shape[1]

    def body(x_ref, w1i_ref, w1r_ref, t1_ref, r1_ref):
        xb = x_ref[...]
        t1_ref[...] = jnp.dot(xb, w1i_ref[...], preferred_element_type=jnp.float32)
        r1_ref[...] = jnp.dot(xb, w1r_ref[...], preferred_element_type=jnp.float32)

    return pl.pallas_call(
        body,
        out_shape=[
            jax.ShapeDtypeStruct((n, h), jnp.float32),
            jax.ShapeDtypeStruct((n, h), jnp.float32),
        ],
    )(x, w1i, w1r)


def _tc_pass1b(t1, degp):
    n, h = t1.shape

    def body(t1_ref, degp_ref, t1s_ref):
        dinv = _dinv_from(degp_ref[...], n)
        t1s_ref[...] = t1_ref[...] * dinv

    return pl.pallas_call(
        body,
        out_shape=jax.ShapeDtypeStruct((n, h), jnp.float32),
    )(t1, degp)


def _tc_pass2(degp, p1, r1, b1, w2i, w2r):
    n, h = r1.shape

    def body(degp_ref, p1_ref, r1_ref, b1_ref, w2i_ref, w2r_ref, t2s_ref, r2_ref):
        dinv = _dinv_from(degp_ref[...], n)
        p = p1_ref[...]
        agg = (p[0, :n] + p[1, :n]) * dinv
        h1 = jnp.maximum(agg + r1_ref[...] + b1_ref[...], 0.0)
        t = jnp.dot(h1, w2i_ref[...], preferred_element_type=jnp.float32)
        t2s_ref[...] = t * dinv
        r2_ref[...] = jnp.dot(h1, w2r_ref[...], preferred_element_type=jnp.float32)

    return pl.pallas_call(
        body,
        out_shape=[
            jax.ShapeDtypeStruct((n, h), jnp.float32),
            jax.ShapeDtypeStruct((n, h), jnp.float32),
        ],
    )(degp, p1, r1, b1, w2i, w2r)


def _tc_pass3(degp, p2, r2, b2, fcw_t, fcb):
    n, h = r2.shape

    def body(degp_ref, p2_ref, r2_ref, b2_ref, fcw_ref, fcb_ref, out_ref):
        dinv = _dinv_from(degp_ref[...], n)
        p = p2_ref[...]
        agg = (p[0, :n] + p[1, :n]) * dinv
        h2 = jnp.maximum(agg + r2_ref[...] + b2_ref[...], 0.0)
        out = jnp.dot(h2, fcw_ref[...], preferred_element_type=jnp.float32)
        out_ref[...] = out + fcb_ref[0, 0]

    return pl.pallas_call(
        body,
        out_shape=jax.ShapeDtypeStruct((n, 1), jnp.float32),
    )(degp, p2, r2, b2, fcw_t, fcb)


def kernel(x, edge_index, init_w1, root_w1, bias1, init_w2, root_w2, bias2, fc_w, fc_b):
    n, _ = x.shape
    h = init_w1.shape[-1]
    e = edge_index.shape[1]

    n_pad = pl.cdiv(n, _NS * _ZR) * (_NS * _ZR)
    ku = _chunk_split(e)
    kd = ku
    totc = _NC * _NS * ku
    e_pad = (totc + _D0) * _C

    row = jnp.concatenate(
        [edge_index[0], jnp.zeros((e_pad - e,), jnp.int32)])
    col = jnp.concatenate(
        [edge_index[1], jnp.full((e_pad - e,), n_pad - 1, jnp.int32)])
    row_ch = row.reshape(totc + _D0, _C)
    col_ch = col.reshape(totc + _D0, _C)

    ones = jnp.ones((_C, _DEG_W), jnp.float32)
    zeros_deg = jnp.zeros((_ZR, _DEG_W), jnp.float32)
    zeros_h = jnp.zeros((_ZR, h), jnp.float32)

    w1i = init_w1[0]
    w1r = root_w1[0, 0]
    b1 = bias1.reshape(1, h)
    w2i = init_w2[0]
    w2r = root_w2[0, 0]
    b2 = bias2.reshape(1, h)
    fcw_t = fc_w.reshape(1, h).T
    fcb = fc_b.reshape(1, 1)

    pad_n = ((0, n_pad - n), (0, 0))
    t1, r1 = _tc_pass0(x, w1i, w1r)
    degp = _sc_deg_call(col_ch, ones, zeros_deg, n_pad, kd)
    t1s = jnp.pad(_tc_pass1b(t1, degp), pad_n)
    p1 = _sc_agg_call(t1s, row_ch, col_ch, zeros_h, n_pad, ku)
    t2s, r2 = _tc_pass2(degp, p1, r1, b1, w2i, w2r)
    p2 = _sc_agg_call(jnp.pad(t2s, pad_n), row_ch, col_ch, zeros_h, n_pad, ku)
    return _tc_pass3(degp, p2, r2, b2, fcw_t, fcb)

# --- scband reference (transcript-rebuilt; emitter-appended) ---
"""Pipeline reference for scband-armanet-56332791054868 (READ-ONLY COPY).

The authoritative reference and input builder live on the scoring server;
editing this copy changes nothing except your own understanding.
"""

import jax, jax.numpy as jnp
import numpy as np

N = 10000
E = 320000
D = 128
H = 32

def setup_inputs(seed: int = 0):
    key = jax.random.key(seed)
    ks = jax.random.split(key, 12)
    x = jax.random.normal(ks[0], (N, D), dtype=jnp.float32)
    edge_index = jax.random.randint(ks[1], (2, E), 0, N, dtype=jnp.int32)
    init_w1 = jax.random.normal(ks[2], (1, D, H), dtype=jnp.float32) * (1.0 / np.sqrt(D))
    root_w1 = jax.random.normal(ks[3], (1, 1, D, H), dtype=jnp.float32) * (1.0 / np.sqrt(D))
    bias1 = jnp.zeros((1, 1, 1, H), dtype=jnp.float32)
    init_w2 = jax.random.normal(ks[4], (1, H, H), dtype=jnp.float32) * (1.0 / np.sqrt(H))
    root_w2 = jax.random.normal(ks[5], (1, 1, H, H), dtype=jnp.float32) * (1.0 / np.sqrt(H))
    bias2 = jnp.zeros((1, 1, 1, H), dtype=jnp.float32)
    fc_w = jax.random.normal(ks[6], (1, H), dtype=jnp.float32) * (1.0 / np.sqrt(H))
    fc_b = jnp.zeros((1,), dtype=jnp.float32)
    return {"x": x, "edge_index": edge_index, "init_w1": init_w1, "root_w1": root_w1, "bias1": bias1, "init_w2": init_w2, "root_w2": root_w2, "bias2": bias2, "fc_w": fc_w, "fc_b": fc_b}

def _gcn_norm(edge_index, num_nodes):
    # PyG gcn_norm with add_self_loops=False, edge_weight=None (ones)
    row, col = edge_index[0], edge_index[1]
    ew = jnp.ones((row.shape[0],), dtype=jnp.float32)
    deg = jax.ops.segment_sum(ew, col, num_segments=num_nodes)
    dinv = jnp.where(deg > 0, 1.0 / jnp.sqrt(deg), 0.0)
    return dinv[row] * ew * dinv[col]

def _arma_conv(x, edge_index, norm, init_w, root_w, bias):
    # ARMAConv with num_stacks=1, num_layers=1, shared_weights=False, dropout=0, act=ReLU
    n = x.shape[0]
    row, col = edge_index[0], edge_index[1]
    xu = x[None, :, :]                      # [1, N, F_in]
    out = jnp.matmul(xu, init_w)            # [K=1, N, F_out] (t == 0 branch)
    msg = out[:, row, :] * norm[None, :, None]
    out = jax.vmap(lambda m: jax.ops.segment_sum(m, col, num_segments=n))(msg)
    root = jnp.einsum('ni,kio->kno', x, root_w[0])
    out = out + root + bias[0]
    out = jax.nn.relu(out)                  # internal act
    return jnp.mean(out, axis=0)            # mean over stacks

def reference(x, edge_index, init_w1, root_w1, bias1, init_w2, root_w2, bias2, fc_w, fc_b):
    norm = _gcn_norm(edge_index, x.shape[0])
    h = jax.nn.relu(_arma_conv(x, edge_index, norm, init_w1, root_w1, bias1))
    h = jax.nn.relu(_arma_conv(h, edge_index, norm, init_w2, root_w2, bias2))
    return jnp.matmul(h, fc_w.T) + fc_b

if __name__ == "__main__":
    import jax
    _d = setup_inputs()
    print(jax.jit(kernel)(*tuple(_d.values())))

</pallas_src>

<mosaic_0001>
#map = affine_map<(d0, d1) -> (0, 0)>
#map1 = affine_map<(d0, d1) -> (0, 0, 0)>
module attributes {stable_mosaic.version = 14 : i64} {
  func.func @agg_kernel(%arg0: i32, %arg1: i32, %arg2: memref<10240x32xf32, #tpu.memory_space<hbm>>, %arg3: memref<2568x128xi32, #tpu.memory_space<hbm>>, %arg4: memref<2568x128xi32, #tpu.memory_space<hbm>>, %arg5: memref<128x32xf32, #tpu.memory_space<hbm>>, %arg6: memref<2x10240x32xf32, #tpu.memory_space<hbm>>, %arg7: memref<88x128xi32, #tpu.memory_space<vmem>>, %arg8: memref<88x128xi32, #tpu.memory_space<vmem>>, %arg9: memref<128x32xf32, #tpu.memory_space<vmem>>, %arg10: memref<128x32xf32, #tpu.memory_space<vmem>>, %arg11: memref<128x32xf32, #tpu.memory_space<vmem>>, %arg12: memref<128x32xf32, #tpu.memory_space<vmem>>, %arg13: memref<128x32xf32, #tpu.memory_space<vmem>>, %arg14: memref<128x32xf32, #tpu.memory_space<vmem>>, %arg15: memref<128x32xf32, #tpu.memory_space<vmem>>, %arg16: memref<128x32xf32, #tpu.memory_space<vmem>>, %arg17: memref<128x32xf32, #tpu.memory_space<vmem>>, %arg18: memref<10240x32xf32, #tpu.memory_space<vmem_shared>>, %arg19: memref<10240x32xf32, #tpu.memory_space<vmem_shared>>, %arg20: memref<!tpu.dma_semaphore, #tpu.memory_space<semaphore_mem>>, %arg21: memref<!tpu.dma_semaphore, #tpu.memory_space<semaphore_mem>>, %arg22: memref<!tpu.dma_semaphore, #tpu.memory_space<semaphore_mem>>, %arg23: memref<!tpu.dma_semaphore, #tpu.memory_space<semaphore_mem>>, %arg24: memref<!tpu.dma_semaphore, #tpu.memory_space<semaphore_mem>>, %arg25: memref<!tpu.dma_semaphore, #tpu.memory_space<semaphore_mem>>, %arg26: memref<!tpu.dma_semaphore, #tpu.memory_space<semaphore_mem>>, %arg27: memref<!tpu.dma_semaphore, #tpu.memory_space<semaphore_mem>>) attributes {dimension_semantics = [#tpu.dimension_semantics<core_parallel>, #tpu.dimension_semantics<subcore_parallel>], iteration_bounds = array<i64: 2, 16>, scalar_prefetch = 0 : i64, scratch_operands = 21 : i64, tpu.core_type = #tpu.core_type<sc_vector_subcore>, window_params = [{transform_indices = #map}, {transform_indices = #map}, {transform_indices = #map}, {transform_indices = #map}, {transform_indices = #map1}]} {
    %mul3A = arith.constant 640 : i32
    %mul3A_0 = arith.muli %arg1, %mul3A : i32
    "tpu.region"() ({
      %run_scoped3A = tpu.sem_alloc : memref<!tpu.dma_semaphore, #tpu.memory_space<semaphore_mem>>
      tpu.enqueue_dma source(%arg5 : memref<128x32xf32, #tpu.memory_space<hbm>>) target(%arg17 : memref<128x32xf32, #tpu.memory_space<vmem>>) target_semaphore(%run_scoped3A : memref<!tpu.dma_semaphore, #tpu.memory_space<semaphore_mem>>)
      tpu.wait_dma2 semaphore(%run_scoped3A : memref<!tpu.dma_semaphore, #tpu.memory_space<semaphore_mem>>) src(%arg5 : memref<128x32xf32, #tpu.memory_space<hbm>>) dst(%arg17 : memref<128x32xf32, #tpu.memory_space<vmem>>)
      tpu.yield
    }) : () -> ()
    %scan3A = arith.constant 0 : i32
    %scan3A_1 = arith.constant 0 : i32
    %scan3A_2 = arith.constant 5 : i32
    %scan3A_3 = arith.addi %scan3A_1, %scan3A_2 : i32
    %scan3A_4 = arith.constant 1 : i32
    scf.for %scan3A_139 = %scan3A_1 to %scan3A_3 step %scan3A_4  : i32 {
      %mul3A_140 = arith.constant 128 : i32
      %mul3A_141 = arith.muli %scan3A_139, %mul3A_140 : i32
      %add3A_142 = arith.addi %mul3A_0, %mul3A_141 : i32
      "tpu.region"() ({
        %run_scoped3A = tpu.sem_alloc : memref<!tpu.dma_semaphore, #tpu.memory_space<semaphore_mem>>
        %dma_start3A_143 = arith.constant 0 : i32
        %dma_start3A_144 = tpu.memref_slice %arg18[%add3A_142, %dma_start3A_143] : memref<10240x32xf32, #tpu.memory_space<vmem_shared>> -> memref<128x32xf32, #tpu.memory_space<vmem_shared>>
        %dma_start3A_145 = arith.constant 0 : i32
        %dma_start3A_146 = tpu.memref_slice %arg18[%add3A_142, %dma_start3A_145] : memref<10240x32xf32, #tpu.memory_space<vmem_shared>> -> memref<128x32xf32, #tpu.memory_space<vmem_shared>>
        tpu.enqueue_dma source(%arg17 : memref<128x32xf32, #tpu.memory_space<vmem>>) target(%dma_start3A_146 : memref<128x32xf32, #tpu.memory_space<vmem_shared>>) target_semaphore(%run_scoped3A : memref<!tpu.dma_semaphore, #tpu.memory_space<semaphore_mem>>)
        %dma_wait3A_147 = arith.constant 0 : i32
        %dma_wait3A_148 = tpu.memref_slice %arg18[%add3A_142, %dma_wait3A_147] : memref<10240x32xf32, #tpu.memory_space<vmem_shared>> -> memref<128x32xf32, #tpu.memory_space<vmem_shared>>
        %dma_wait3A_149 = arith.constant 0 : i32
        %dma_wait3A_150 = tpu.memref_slice %arg18[%add3A_142, %dma_wait3A_149] : memref<10240x32xf32, #tpu.memory_space<vmem_shared>> -> memref<128x32xf32, #tpu.memory_space<vmem_shared>>
        tpu.wait_dma2 semaphore(%run_scoped3A : memref<!tpu.dma_semaphore, #tpu.memory_space<semaphore_mem>>) src(%arg17 : memref<128x32xf32, #tpu.memory_space<vmem>>) dst(%dma_wait3A_150 : memref<128x32xf32, #tpu.memory_space<vmem_shared>>)
        tpu.yield
      }) : () -> ()
    }
    %scan3A_5 = arith.constant 5 : i32
    %scan3A_6 = arith.constant 0 : i32
    %scan3A_7 = arith.constant 0 : i32
    %scan3A_8 = arith.constant 5 : i32
    %scan3A_9 = arith.addi %scan3A_7, %scan3A_8 : i32
    %scan3A_10 = arith.constant 1 : i32
    scf.for %scan3A_139 = %scan3A_7 to %scan3A_9 step %scan3A_10  : i32 {
      %mul3A_140 = arith.constant 128 : i32
      %mul3A_141 = arith.muli %scan3A_139, %mul3A_140 : i32
      %add3A_142 = arith.addi %mul3A_0, %mul3A_141 : i32
      "tpu.region"() ({
        %run_scoped3A = tpu.sem_alloc : memref<!tpu.dma_semaphore, #tpu.memory_space<semaphore_mem>>
        %dma_start3A_143 = arith.constant 0 : i32
        %dma_start3A_144 = tpu.memref_slice %arg2[%add3A_142, %dma_start3A_143] : memref<10240x32xf32, #tpu.memory_space<hbm>> -> memref<128x32xf32, #tpu.memory_space<hbm>>
        %dma_start3A_145 = arith.constant 0 : i32
        %dma_start3A_146 = tpu.memref_slice %arg2[%add3A_142, %dma_start3A_145] : memref<10240x32xf32, #tpu.memory_space<hbm>> -> memref<128x32xf32, #tpu.memory_space<hbm>>
        tpu.enqueue_dma source(%dma_start3A_146 : memref<128x32xf32, #tpu.memory_space<hbm>>) target(%arg9 : memref<128x32xf32, #tpu.memory_space<vmem>>) target_semaphore(%run_scoped3A : memref<!tpu.dma_semaphore, #tpu.memory_space<semaphore_mem>>)
        %dma_wait3A_147 = arith.constant 0 : i32
        %dma_wait3A_148 = tpu.memref_slice %arg2[%add3A_142, %dma_wait3A_147] : memref<10240x32xf32, #tpu.memory_space<hbm>> -> memref<128x32xf32, #tpu.memory_space<hbm>>
        %dma_wait3A_149 = arith.constant 0 : i32
        %dma_wait3A_150 = tpu.memref_slice %arg2[%add3A_142, %dma_wait3A_149] : memref<10240x32xf32, #tpu.memory_space<hbm>> -> memref<128x32xf32, #tpu.memory_space<hbm>>
        tpu.wait_dma2 semaphore(%run_scoped3A : memref<!tpu.dma_semaphore, #tpu.memory_space<semaphore_mem>>) src(%dma_wait3A_150 : memref<128x32xf32, #tpu.memory_space<hbm>>) dst(%arg9 : memref<128x32xf32, #tpu.memory_space<vmem>>)
        tpu.yield
      }) : () -> ()
      "tpu.region"() ({
        %run_scoped3A = tpu.sem_alloc : memref<!tpu.dma_semaphore, #tpu.memory_space<semaphore_mem>>
        %dma_start3A_143 = arith.constant 0 : i32
        %dma_start3A_144 = tpu.memref_slice %arg19[%add3A_142, %dma_start3A_143] : memref<10240x32xf32, #tpu.memory_space<vmem_shared>> -> memref<128x32xf32, #tpu.memory_space<vmem_shared>>
        %dma_start3A_145 = arith.constant 0 : i32
        %dma_start3A_146 = tpu.memref_slice %arg19[%add3A_142, %dma_start3A_145] : memref<10240x32xf32, #tpu.memory_space<vmem_shared>> -> memref<128x32xf32, #tpu.memory_space<vmem_shared>>
        tpu.enqueue_dma source(%arg9 : memref<128x32xf32, #tpu.memory_space<vmem>>) target(%dma_start3A_146 : memref<128x32xf32, #tpu.memory_space<vmem_shared>>) target_semaphore(%run_scoped3A : memref<!tpu.dma_semaphore, #tpu.memory_space<semaphore_mem>>)
        %dma_wait3A_147 = arith.constant 0 : i32
        %dma_wait3A_148 = tpu.memref_slice %arg19[%add3A_142, %dma_wait3A_147] : memref<10240x32xf32, #tpu.memory_space<vmem_shared>> -> memref<128x32xf32, #tpu.memory_space<vmem_shared>>
        %dma_wait3A_149 = arith.constant 0 : i32
        %dma_wait3A_150 = tpu.memref_slice %arg19[%add3A_142, %dma_wait3A_149] : memref<10240x32xf32, #tpu.memory_space<vmem_shared>> -> memref<128x32xf32, #tpu.memory_space<vmem_shared>>
        tpu.wait_dma2 semaphore(%run_scoped3A : memref<!tpu.dma_semaphore, #tpu.memory_space<semaphore_mem>>) src(%arg9 : memref<128x32xf32, #tpu.memory_space<vmem>>) dst(%dma_wait3A_150 : memref<128x32xf32, #tpu.memory_space<vmem_shared>>)
        tpu.yield
      }) : () -> ()
    }
    %scan3A_11 = arith.constant 5 : i32
    %mul3A_12 = arith.constant 16 : i32
    %mul3A_13 = arith.muli %arg0, %mul3A_12 : i32
    %add3A = arith.addi %mul3A_13, %arg1 : i32
    %mul3A_14 = arith.constant 80 : i32
    %mul3A_15 = arith.muli %add3A, %mul3A_14 : i32
    "tpu.region"() ({
      %run_scoped3A = tpu.sem_alloc : memref<!tpu.dma_semaphore, #tpu.memory_space<semaphore_mem>>
      %dma_start3A_139 = arith.constant 0 : i32
      %dma_start3A_140 = tpu.memref_slice %arg3[%mul3A_15, %dma_start3A_139] : memref<2568x128xi32, #tpu.memory_space<hbm>> -> memref<88x128xi32, #tpu.memory_space<hbm>>
      %dma_start3A_141 = arith.constant 0 : i32
      %dma_start3A_142 = tpu.memref_slice %arg3[%mul3A_15, %dma_start3A_141] : memref<2568x128xi32, #tpu.memory_space<hbm>> -> memref<88x128xi32, #tpu.memory_space<hbm>>
      tpu.enqueue_dma source(%dma_start3A_142 : memref<88x128xi32, #tpu.memory_space<hbm>>) target(%arg7 : memref<88x128xi32, #tpu.memory_space<vmem>>) target_semaphore(%run_scoped3A : memref<!tpu.dma_semaphore, #tpu.memory_space<semaphore_mem>>)
      %dma_wait3A_143 = arith.constant 0 : i32
      %dma_wait3A_144 = tpu.memref_slice %arg3[%mul3A_15, %dma_wait3A_143] : memref<2568x128xi32, #tpu.memory_space<hbm>> -> memref<88x128xi32, #tpu.memory_space<hbm>>
      %dma_wait3A_145 = arith.constant 0 : i32
      %dma_wait3A_146 = tpu.memref_slice %arg3[%mul3A_15, %dma_wait3A_145] : memref<2568x128xi32, #tpu.memory_space<hbm>> -> memref<88x128xi32, #tpu.memory_space<hbm>>
      tpu.wait_dma2 semaphore(%run_scoped3A : memref<!tpu.dma_semaphore, #tpu.memory_space<semaphore_mem>>) src(%dma_wait3A_146 : memref<88x128xi32, #tpu.memory_space<hbm>>) dst(%arg7 : memref<88x128xi32, #tpu.memory_space<vmem>>)
      tpu.yield
    }) : () -> ()
    "tpu.region"() ({
      %run_scoped3A = tpu.sem_alloc : memref<!tpu.dma_semaphore, #tpu.memory_space<semaphore_mem>>
      %dma_start3A_139 = arith.constant 0 : i32
      %dma_start3A_140 = tpu.memref_slice %arg4[%mul3A_15, %dma_start3A_139] : memref<2568x128xi32, #tpu.memory_space<hbm>> -> memref<88x128xi32, #tpu.memory_space<hbm>>
      %dma_start3A_141 = arith.constant 0 : i32
      %dma_start3A_142 = tpu.memref_slice %arg4[%mul3A_15, %dma_start3A_141] : memref<2568x128xi32, #tpu.memory_space<hbm>> -> memref<88x128xi32, #tpu.memory_space<hbm>>
      tpu.enqueue_dma source(%dma_start3A_142 : memref<88x128xi32, #tpu.memory_space<hbm>>) target(%arg8 : memref<88x128xi32, #tpu.memory_space<vmem>>) target_semaphore(%run_scoped3A : memref<!tpu.dma_semaphore, #tpu.memory_space<semaphore_mem>>)
      %dma_wait3A_143 = arith.constant 0 : i32
      %dma_wait3A_144 = tpu.memref_slice %arg4[%mul3A_15, %dma_wait3A_143] : memref<2568x128xi32, #tpu.memory_space<hbm>> -> memref<88x128xi32, #tpu.memory_space<hbm>>
      %dma_wait3A_145 = arith.constant 0 : i32
      %dma_wait3A_146 = tpu.memref_slice %arg4[%mul3A_15, %dma_wait3A_145] : memref<2568x128xi32, #tpu.memory_space<hbm>> -> memref<88x128xi32, #tpu.memory_space<hbm>>
      tpu.wait_dma2 semaphore(%run_scoped3A : memref<!tpu.dma_semaphore, #tpu.memory_space<semaphore_mem>>) src(%dma_wait3A_146 : memref<88x128xi32, #tpu.memory_space<hbm>>) dst(%arg8 : memref<88x128xi32, #tpu.memory_space<vmem>>)
      tpu.yield
    }) : () -> ()
    %barrier3A = arith.constant 0 : index
    tpu.barrier barrier_id(%barrier3A)
    %dma_start3A = arith.constant 0 : i32
    %dma_start3A_16 = arith.constant 0 : i32
    %dma_start3A_17 = tpu.memref_slice %arg7[%dma_start3A, %dma_start3A_16] : memref<88x128xi32, #tpu.memory_space<vmem>> -> memref<1x128xi32, #tpu.memory_space<vmem>>
    %dma_start3A_18 = tpu.memref_squeeze %dma_start3A_17 : memref<1x128xi32, #tpu.memory_space<vmem>> -> memref<128xi32, #tpu.memory_space<vmem>>
    %dma_start3A_19 = arith.constant 0 : i32
    %dma_start3A_20 = arith.constant 0 : i32
    %dma_start3A_21 = tpu.memref_slice %arg19[%dma_start3A_19, %dma_start3A_20] : memref<10240x32xf32, #tpu.memory_space<vmem_shared>> -> memref<10240x32xf32, #tpu.memory_space<vmem_shared>>
    tpu.enqueue_indirect_dma source(%dma_start3A_21 : memref<10240x32xf32, #tpu.memory_space<vmem_shared>>) target(%arg9 : memref<128x32xf32, #tpu.memory_space<vmem>>) offsets(%dma_start3A_18 : memref<128xi32, #tpu.memory_space<vmem>>) semaphore(%arg20 : memref<!tpu.dma_semaphore, #tpu.memory_space<semaphore_mem>>)
    %dma_start3A_22 = arith.constant 1 : i32
    %dma_start3A_23 = arith.constant 0 : i32
    %dma_start3A_24 = tpu.memref_slice %arg7[%dma_start3A_22, %dma_start3A_23] : memref<88x128xi32, #tpu.memory_space<vmem>> -> memref<1x128xi32, #tpu.memory_space<vmem>>
    %dma_start3A_25 = tpu.memref_squeeze %dma_start3A_24 : memref<1x128xi32, #tpu.memory_space<vmem>> -> memref<128xi32, #tpu.memory_space<vmem>>
    %dma_start3A_26 = arith.constant 0 : i32
    %dma_start3A_27 = arith.constant 0 : i32
    %dma_start3A_28 = tpu.memref_slice %arg19[%dma_start3A_26, %dma_start3A_27] : memref<10240x32xf32, #tpu.memory_space<vmem_shared>> -> memref<10240x32xf32, #tpu.memory_space<vmem_shared>>
    tpu.enqueue_indirect_dma source(%dma_start3A_28 : memref<10240x32xf32, #tpu.memory_space<vmem_shared>>) target(%arg10 : memref<128x32xf32, #tpu.memory_space<vmem>>) offsets(%dma_start3A_25 : memref<128xi32, #tpu.memory_space<vmem>>) semaphore(%arg21 : memref<!tpu.dma_semaphore, #tpu.memory_space<semaphore_mem>>)
    %dma_start3A_29 = arith.constant 2 : i32
    %dma_start3A_30 = arith.constant 0 : i32
    %dma_start3A_31 = tpu.memref_slice %arg7[%dma_start3A_29, %dma_start3A_30] : memref<88x128xi32, #tpu.memory_space<vmem>> -> memref<1x128xi32, #tpu.memory_space<vmem>>
    %dma_start3A_32 = tpu.memref_squeeze %dma_start3A_31 : memref<1x128xi32, #tpu.memory_space<vmem>> -> memref<128xi32, #tpu.memory_space<vmem>>
    %dma_start3A_33 = arith.constant 0 : i32
    %dma_start3A_34 = arith.constant 0 : i32
    %dma_start3A_35 = tpu.memref_slice %arg19[%dma_start3A_33, %dma_start3A_34] : memref<10240x32xf32, #tpu.memory_space<vmem_shared>> -> memref<10240x32xf32, #tpu.memory_space<vmem_shared>>
    tpu.enqueue_indirect_dma source(%dma_start3A_35 : memref<10240x32xf32, #tpu.memory_space<vmem_shared>>) target(%arg11 : memref<128x32xf32, #tpu.memory_space<vmem>>) offsets(%dma_start3A_32 : memref<128xi32, #tpu.memory_space<vmem>>) semaphore(%arg22 : memref<!tpu.dma_semaphore, #tpu.memory_space<semaphore_mem>>)
    %dma_start3A_36 = arith.constant 3 : i32
    %dma_start3A_37 = arith.constant 0 : i32
    %dma_start3A_38 = tpu.memref_slice %arg7[%dma_start3A_36, %dma_start3A_37] : memref<88x128xi32, #tpu.memory_space<vmem>> -> memref<1x128xi32, #tpu.memory_space<vmem>>
    %dma_start3A_39 = tpu.memref_squeeze %dma_start3A_38 : memref<1x128xi32, #tpu.memory_space<vmem>> -> memref<128xi32, #tpu.memory_space<vmem>>
    %dma_start3A_40 = arith.constant 0 : i32
    %dma_start3A_41 = arith.constant 0 : i32
    %dma_start3A_42 = tpu.memref_slice %arg19[%dma_start3A_40, %dma_start3A_41] : memref<10240x32xf32, #tpu.memory_space<vmem_shared>> -> memref<10240x32xf32, #tpu.memory_space<vmem_shared>>
    tpu.enqueue_indirect_dma source(%dma_start3A_42 : memref<10240x32xf32, #tpu.memory_space<vmem_shared>>) target(%arg12 : memref<128x32xf32, #tpu.memory_space<vmem>>) offsets(%dma_start3A_39 : memref<128xi32, #tpu.memory_space<vmem>>) semaphore(%arg23 : memref<!tpu.dma_semaphore, #tpu.memory_space<semaphore_mem>>)
    %dma_start3A_43 = arith.constant 4 : i32
    %dma_start3A_44 = arith.constant 0 : i32
    %dma_start3A_45 = tpu.memref_slice %arg7[%dma_start3A_43, %dma_start3A_44] : memref<88x128xi32, #tpu.memory_space<vmem>> -> memref<1x128xi32, #tpu.memory_space<vmem>>
    %dma_start3A_46 = tpu.memref_squeeze %dma_start3A_45 : memref<1x128xi32, #tpu.memory_space<vmem>> -> memref<128xi32, #tpu.memory_space<vmem>>
    %dma_start3A_47 = arith.constant 0 : i32
    %dma_start3A_48 = arith.constant 0 : i32
    %dma_start3A_49 = tpu.memref_slice %arg19[%dma_start3A_47, %dma_start3A_48] : memref<10240x32xf32, #tpu.memory_space<vmem_shared>> -> memref<10240x32xf32, #tpu.memory_space<vmem_shared>>
    tpu.enqueue_indirect_dma source(%dma_start3A_49 : memref<10240x32xf32, #tpu.memory_space<vmem_shared>>) target(%arg13 : memref<128x32xf32, #tpu.memory_space<vmem>>) offsets(%dma_start3A_46 : memref<128xi32, #tpu.memory_space<vmem>>) semaphore(%arg24 : memref<!tpu.dma_semaphore, #tpu.memory_space<semaphore_mem>>)
    %dma_start3A_50 = arith.constant 5 : i32
    %dma_start3A_51 = arith.constant 0 : i32
    %dma_start3A_52 = tpu.memref_slice %arg7[%dma_start3A_50, %dma_start3A_51] : memref<88x128xi32, #tpu.memory_space<vmem>> -> memref<1x128xi32, #tpu.memory_space<vmem>>
    %dma_start3A_53 = tpu.memref_squeeze %dma_start3A_52 : memref<1x128xi32, #tpu.memory_space<vmem>> -> memref<128xi32, #tpu.memory_space<vmem>>
    %dma_start3A_54 = arith.constant 0 : i32
    %dma_start3A_55 = arith.constant 0 : i32
    %dma_start3A_56 = tpu.memref_slice %arg19[%dma_start3A_54, %dma_start3A_55] : memref<10240x32xf32, #tpu.memory_space<vmem_shared>> -> memref<10240x32xf32, #tpu.memory_space<vmem_shared>>
    tpu.enqueue_indirect_dma source(%dma_start3A_56 : memref<10240x32xf32, #tpu.memory_space<vmem_shared>>) target(%arg14 : memref<128x32xf32, #tpu.memory_space<vmem>>) offsets(%dma_start3A_53 : memref<128xi32, #tpu.memory_space<vmem>>) semaphore(%arg25 : memref<!tpu.dma_semaphore, #tpu.memory_space<semaphore_mem>>)
    %dma_start3A_57 = arith.constant 6 : i32
    %dma_start3A_58 = arith.constant 0 : i32
    %dma_start3A_59 = tpu.memref_slice %arg7[%dma_start3A_57, %dma_start3A_58] : memref<88x128xi32, #tpu.memory_space<vmem>> -> memref<1x128xi32, #tpu.memory_space<vmem>>
    %dma_start3A_60 = tpu.memref_squeeze %dma_start3A_59 : memref<1x128xi32, #tpu.memory_space<vmem>> -> memref<128xi32, #tpu.memory_space<vmem>>
    %dma_start3A_61 = arith.constant 0 : i32
    %dma_start3A_62 = arith.constant 0 : i32
    %dma_start3A_63 = tpu.memref_slice %arg19[%dma_start3A_61, %dma_start3A_62] : memref<10240x32xf32, #tpu.memory_space<vmem_shared>> -> memref<10240x32xf32, #tpu.memory_space<vmem_shared>>
    tpu.enqueue_indirect_dma source(%dma_start3A_63 : memref<10240x32xf32, #tpu.memory_space<vmem_shared>>) target(%arg15 : memref<128x32xf32, #tpu.memory_space<vmem>>) offsets(%dma_start3A_60 : memref<128xi32, #tpu.memory_space<vmem>>) semaphore(%arg26 : memref<!tpu.dma_semaphore, #tpu.memory_space<semaphore_mem>>)
    %dma_start3A_64 = arith.constant 7 : i32
    %dma_start3A_65 = arith.constant 0 : i32
    %dma_start3A_66 = tpu.memref_slice %arg7[%dma_start3A_64, %dma_start3A_65] : memref<88x128xi32, #tpu.memory_space<vmem>> -> memref<1x128xi32, #tpu.memory_space<vmem>>
    %dma_start3A_67 = tpu.memref_squeeze %dma_start3A_66 : memref<1x128xi32, #tpu.memory_space<vmem>> -> memref<128xi32, #tpu.memory_space<vmem>>
    %dma_start3A_68 = arith.constant 0 : i32
    %dma_start3A_69 = arith.constant 0 : i32
    %dma_start3A_70 = tpu.memref_slice %arg19[%dma_start3A_68, %dma_start3A_69] : memref<10240x32xf32, #tpu.memory_space<vmem_shared>> -> memref<10240x32xf32, #tpu.memory_space<vmem_shared>>
    tpu.enqueue_indirect_dma source(%dma_start3A_70 : memref<10240x32xf32, #tpu.memory_space<vmem_shared>>) target(%arg16 : memref<128x32xf32, #tpu.memory_space<vmem>>) offsets(%dma_start3A_67 : memref<128xi32, #tpu.memory_space<vmem>>) semaphore(%arg27 : memref<!tpu.dma_semaphore, #tpu.memory_space<semaphore_mem>>)
    %scan3A_71 = arith.constant 0 : i32
    %scan3A_72 = arith.constant 0 : i32
    %scan3A_73 = arith.constant 10 : i32
    %scan3A_74 = arith.addi %scan3A_72, %scan3A_73 : i32
    %scan3A_75 = arith.constant 1 : i32
    scf.for %scan3A_139 = %scan3A_72 to %scan3A_74 step %scan3A_75  : i32 {
      %mul3A_140 = arith.constant 8 : i32
      %mul3A_141 = arith.muli %scan3A_139, %mul3A_140 : i32
      %add3A_142 = arith.constant 0 : i32
      %add3A_143 = arith.addi %mul3A_141, %add3A_142 : i32
      %dma_wait3A_144 = arith.constant 0 : i32
      %dma_wait3A_145 = tpu.memref_slice %arg7[%add3A_143, %dma_wait3A_144] : memref<88x128xi32, #tpu.memory_space<vmem>> -> memref<1x128xi32, #tpu.memory_space<vmem>>
      %dma_wait3A_146 = tpu.memref_squeeze %dma_wait3A_145 : memref<1x128xi32, #tpu.memory_space<vmem>> -> memref<128xi32, #tpu.memory_space<vmem>>
      %dma_wait3A_147 = arith.constant 0 : i32
      %dma_wait3A_148 = arith.constant 0 : i32
      %dma_wait3A_149 = tpu.memref_slice %arg19[%dma_wait3A_147, %dma_wait3A_148] : memref<10240x32xf32, #tpu.memory_space<vmem_shared>> -> memref<10240x32xf32, #tpu.memory_space<vmem_shared>>
      tpu.wait_indirect_dma semaphore(%arg20 : memref<!tpu.dma_semaphore, #tpu.memory_space<semaphore_mem>>) src(%dma_wait3A_149 : memref<10240x32xf32, #tpu.memory_space<vmem_shared>>) dst(%arg9 : memref<128x32xf32, #tpu.memory_space<vmem>>)
      "tpu.region"() ({
        %run_scoped3A = tpu.sem_alloc : memref<!tpu.dma_semaphore, #tpu.memory_space<semaphore_mem>>
        %dma_start3A_284 = arith.constant 0 : i32
        %dma_start3A_285 = tpu.memref_slice %arg8[%add3A_143, %dma_start3A_284] : memref<88x128xi32, #tpu.memory_space<vmem>> -> memref<1x128xi32, #tpu.memory_space<vmem>>
        %dma_start3A_286 = tpu.memref_squeeze %dma_start3A_285 : memref<1x128xi32, #tpu.memory_space<vmem>> -> memref<128xi32, #tpu.memory_space<vmem>>
        %dma_start3A_287 = arith.constant 0 : i32
        %dma_start3A_288 = arith.constant 0 : i32
        %dma_start3A_289 = tpu.memref_slice %arg18[%dma_start3A_287, %dma_start3A_288] : memref<10240x32xf32, #tpu.memory_space<vmem_shared>> -> memref<10240x32xf32, #tpu.memory_space<vmem_shared>>
        tpu.enqueue_indirect_dma source(%arg9 : memref<128x32xf32, #tpu.memory_space<vmem>>) target(%dma_start3A_289 : memref<10240x32xf32, #tpu.memory_space<vmem_shared>>) offsets(%dma_start3A_286 : memref<128xi32, #tpu.memory_space<vmem>>) semaphore(%run_scoped3A : memref<!tpu.dma_semaphore, #tpu.memory_space<semaphore_mem>>) {add = true}
        %dma_wait3A_290 = arith.constant 0 : i32
        %dma_wait3A_291 = tpu.memref_slice %arg8[%add3A_143, %dma_wait3A_290] : memref<88x128xi32, #tpu.memory_space<vmem>> -> memref<1x128xi32, #tpu.memory_space<vmem>>
        %dma_wait3A_292 = tpu.memref_squeeze %dma_wait3A_291 : memref<1x128xi32, #tpu.memory_space<vmem>> -> memref<128xi32, #tpu.memory_space<vmem>>
        %dma_wait3A_293 = arith.constant 0 : i32
        %dma_wait3A_294 = arith.constant 0 : i32
        %dma_wait3A_295 = tpu.memref_slice %arg18[%dma_wait3A_293, %dma_wait3A_294] : memref<10240x32xf32, #tpu.memory_space<vmem_shared>> -> memref<10240x32xf32, #tpu.memory_space<vmem_shared>>
        tpu.wait_indirect_dma semaphore(%run_scoped3A : memref<!tpu.dma_semaphore, #tpu.memory_space<semaphore_mem>>) src(%arg9 : memref<128x32xf32, #tpu.memory_space<vmem>>) dst(%dma_wait3A_295 : memref<10240x32xf32, #tpu.memory_space<vmem_shared>>)
        tpu.yield
      }) : () -> ()
      %add3A_150 = arith.constant 8 : i32
      %add3A_151 = arith.addi %add3A_143, %add3A_150 : i32
      %dma_start3A_152 = arith.constant 0 : i32
      %dma_start3A_153 = tpu.memref_slice %arg7[%add3A_151, %dma_start3A_152] : memref<88x128xi32, #tpu.memory_space<vmem>> -> memref<1x128xi32, #tpu.memory_space<vmem>>
      %dma_start3A_154 = tpu.memref_squeeze %dma_start3A_153 : memref<1x128xi32, #tpu.memory_space<vmem>> -> memref<128xi32, #tpu.memory_space<vmem>>
      %dma_start3A_155 = arith.constant 0 : i32
      %dma_start3A_156 = arith.constant 0 : i32
      %dma_start3A_157 = tpu.memref_slice %arg19[%dma_start3A_155, %dma_start3A_156] : memref<10240x32xf32, #tpu.memory_space<vmem_shared>> -> memref<10240x32xf32, #tpu.memory_space<vmem_shared>>
      tpu.enqueue_indirect_dma source(%dma_start3A_157 : memref<10240x32xf32, #tpu.memory_space<vmem_shared>>) target(%arg9 : memref<128x32xf32, #tpu.memory_space<vmem>>) offsets(%dma_start3A_154 : memref<128xi32, #tpu.memory_space<vmem>>) semaphore(%arg20 : memref<!tpu.dma_semaphore, #tpu.memory_space<semaphore_mem>>)
      %mul3A_158 = arith.constant 8 : i32
      %mul3A_159 = arith.muli %scan3A_139, %mul3A_158 : i32
      %add3A_160 = arith.constant 1 : i32
      %add3A_161 = arith.addi %mul3A_159, %add3A_160 : i32
      %dma_wait3A_162 = arith.constant 0 : i32
      %dma_wait3A_163 = tpu.memref_slice %arg7[%add3A_161, %dma_wait3A_162] : memref<88x128xi32, #tpu.memory_space<vmem>> -> memref<1x128xi32, #tpu.memory_space<vmem>>
      %dma_wait3A_164 = tpu.memref_squeeze %dma_wait3A_163 : memref<1x128xi32, #tpu.memory_space<vmem>> -> memref<128xi32, #tpu.memory_space<vmem>>
      %dma_wait3A_165 = arith.constant 0 : i32
      %dma_wait3A_166 = arith.constant 0 : i32
      %dma_wait3A_167 = tpu.memref_slice %arg19[%dma_wait3A_165, %dma_wait3A_166] : memref<10240x32xf32, #tpu.memory_space<vmem_shared>> -> memref<10240x32xf32, #tpu.memory_space<vmem_shared>>
      tpu.wait_indirect_dma semaphore(%arg21 : memref<!tpu.dma_semaphore, #tpu.memory_space<semaphore_mem>>) src(%dma_wait3A_167 : memref<10240x32xf32, #tpu.memory_space<vmem_shared>>) dst(%arg10 : memref<128x32xf32, #tpu.memory_space<vmem>>)
      "tpu.region"() ({
        %run_scoped3A = tpu.sem_alloc : memref<!tpu.dma_semaphore, #tpu.memory_space<semaphore_mem>>
        %dma_start3A_284 = arith.constant 0 : i32
        %dma_start3A_285 = tpu.memref_slice %arg8[%add3A_161, %dma_start3A_284] : memref<88x128xi32, #tpu.memory_space<vmem>> -> memref<1x128xi32, #tpu.memory_space<vmem>>
        %dma_start3A_286 = tpu.memref_squeeze %dma_start3A_285 : memref<1x128xi32, #tpu.memory_space<vmem>> -> memref<128xi32, #tpu.memory_space<vmem>>
        %dma_start3A_287 = arith.constant 0 : i32
        %dma_start3A_288 = arith.constant 0 : i32
        %dma_start3A_289 = tpu.memref_slice %arg18[%dma_start3A_287, %dma_start3A_288] : memref<10240x32xf32, #tpu.memory_space<vmem_shared>> -> memref<10240x32xf32, #tpu.memory_space<vmem_shared>>
        tpu.enqueue_indirect_dma source(%arg10 : memref<128x32xf32, #tpu.memory_space<vmem>>) target(%dma_start3A_289 : memref<10240x32xf32, #tpu.memory_space<vmem_shared>>) offsets(%dma_start3A_286 : memref<128xi32, #tpu.memory_space<vmem>>) semaphore(%run_scoped3A : memref<!tpu.dma_semaphore, #tpu.memory_space<semaphore_mem>>) {add = true}
        %dma_wait3A_290 = arith.constant 0 : i32
        %dma_wait3A_291 = tpu.memref_slice %arg8[%add3A_161, %dma_wait3A_290] : memref<88x128xi32, #tpu.memory_space<vmem>> -> memref<1x128xi32, #tpu.memory_space<vmem>>
        %dma_wait3A_292 = tpu.memref_squeeze %dma_wait3A_291 : memref<1x128xi32, #tpu.memory_space<vmem>> -> memref<128xi32, #tpu.memory_space<vmem>>
        %dma_wait3A_293 = arith.constant 0 : i32
        %dma_wait3A_294 = arith.constant 0 : i32
        %dma_wait3A_295 = tpu.memref_slice %arg18[%dma_wait3A_293, %dma_wait3A_294] : memref<10240x32xf32, #tpu.memory_space<vmem_shared>> -> memref<10240x32xf32, #tpu.memory_space<vmem_shared>>
        tpu.wait_indirect_dma semaphore(%run_scoped3A : memref<!tpu.dma_semaphore, #tpu.memory_space<semaphore_mem>>) src(%arg10 : memref<128x32xf32, #tpu.memory_space<vmem>>) dst(%dma_wait3A_295 : memref<10240x32xf32, #tpu.memory_space<vmem_shared>>)
        tpu.yield
      }) : () -> ()
      %add3A_168 = arith.constant 8 : i32
      %add3A_169 = arith.addi %add3A_161, %add3A_168 : i32
      %dma_start3A_170 = arith.constant 0 : i32
      %dma_start3A_171 = tpu.memref_slice %arg7[%add3A_169, %dma_start3A_170] : memref<88x128xi32, #tpu.memory_space<vmem>> -> memref<1x128xi32, #tpu.memory_space<vmem>>
      %dma_start3A_172 = tpu.memref_squeeze %dma_start3A_171 : memref<1x128xi32, #tpu.memory_space<vmem>> -> memref<128xi32, #tpu.memory_space<vmem>>
      %dma_start3A_173 = arith.constant 0 : i32
      %dma_start3A_174 = arith.constant 0 : i32
      %dma_start3A_175 = tpu.memref_slice %arg19[%dma_start3A_173, %dma_start3A_174] : memref<10240x32xf32, #tpu.memory_space<vmem_shared>> -> memref<10240x32xf32, #tpu.memory_space<vmem_shared>>
      tpu.enqueue_indirect_dma source(%dma_start3A_175 : memref<10240x32xf32, #tpu.memory_space<vmem_shared>>) target(%arg10 : memref<128x32xf32, #tpu.memory_space<vmem>>) offsets(%dma_start3A_172 : memref<128xi32, #tpu.memory_space<vmem>>) semaphore(%arg21 : memref<!tpu.dma_semaphore, #tpu.memory_space<semaphore_mem>>)
      %mul3A_176 = arith.constant 8 : i32
      %mul3A_177 = arith.muli %scan3A_139, %mul3A_176 : i32
      %add3A_178 = arith.constant 2 : i32
      %add3A_179 = arith.addi %mul3A_177, %add3A_178 : i32
      %dma_wait3A_180 = arith.constant 0 : i32
      %dma_wait3A_181 = tpu.memref_slice %arg7[%add3A_179, %dma_wait3A_180] : memref<88x128xi32, #tpu.memory_space<vmem>> -> memref<1x128xi32, #tpu.memory_space<vmem>>
      %dma_wait3A_182 = tpu.memref_squeeze %dma_wait3A_181 : memref<1x128xi32, #tpu.memory_space<vmem>> -> memref<128xi32, #tpu.memory_space<vmem>>
      %dma_wait3A_183 = arith.constant 0 : i32
      %dma_wait3A_184 = arith.constant 0 : i32
      %dma_wait3A_185 = tpu.memref_slice %arg19[%dma_wait3A_183, %dma_wait3A_184] : memref<10240x32xf32, #tpu.memory_space<vmem_shared>> -> memref<10240x32xf32, #tpu.memory_space<vmem_shared>>
      tpu.wait_indirect_dma semaphore(%arg22 : memref<!tpu.dma_semaphore, #tpu.memory_space<semaphore_mem>>) src(%dma_wait3A_185 : memref<10240x32xf32, #tpu.memory_space<vmem_shared>>) dst(%arg11 : memref<128x32xf32, #tpu.memory_space<vmem>>)
      "tpu.region"() ({
        %run_scoped3A = tpu.sem_alloc : memref<!tpu.dma_semaphore, #tpu.memory_space<semaphore_mem>>
        %dma_start3A_284 = arith.constant 0 : i32
        %dma_start3A_285 = tpu.memref_slice %arg8[%add3A_179, %dma_start3A_284] : memref<88x128xi32, #tpu.memory_space<vmem>> -> memref<1x128xi32, #tpu.memory_space<vmem>>
        %dma_start3A_286 = tpu.memref_squeeze %dma_start3A_285 : memref<1x128xi32, #tpu.memory_space<vmem>> -> memref<128xi32, #tpu.memory_space<vmem>>
        %dma_start3A_287 = arith.constant 0 : i32
        %dma_start3A_288 = arith.constant 0 : i32
        %dma_start3A_289 = tpu.memref_slice %arg18[%dma_start3A_287, %dma_start3A_288] : memref<10240x32xf32, #tpu.memory_space<vmem_shared>> -> memref<10240x32xf32, #tpu.memory_space<vmem_shared>>
        tpu.enqueue_indirect_dma source(%arg11 : memref<128x32xf32, #tpu.memory_space<vmem>>) target(%dma_start3A_289 : memref<10240x32xf32, #tpu.memory_space<vmem_shared>>) offsets(%dma_start3A_286 : memref<128xi32, #tpu.memory_space<vmem>>) semaphore(%run_scoped3A : memref<!tpu.dma_semaphore, #tpu.memory_space<semaphore_mem>>) {add = true}
        %dma_wait3A_290 = arith.constant 0 : i32
        %dma_wait3A_291 = tpu.memref_slice %arg8[%add3A_179, %dma_wait3A_290] : memref<88x128xi32, #tpu.memory_space<vmem>> -> memref<1x128xi32, #tpu.memory_space<vmem>>
        %dma_wait3A_292 = tpu.memref_squeeze %dma_wait3A_291 : memref<1x128xi32, #tpu.memory_space<vmem>> -> memref<128xi32, #tpu.memory_space<vmem>>
        %dma_wait3A_293 = arith.constant 0 : i32
        %dma_wait3A_294 = arith.constant 0 : i32
        %dma_wait3A_295 = tpu.memref_slice %arg18[%dma_wait3A_293, %dma_wait3A_294] : memref<10240x32xf32, #tpu.memory_space<vmem_shared>> -> memref<10240x32xf32, #tpu.memory_space<vmem_shared>>
        tpu.wait_indirect_dma semaphore(%run_scoped3A : memref<!tpu.dma_semaphore, #tpu.memory_space<semaphore_mem>>) src(%arg11 : memref<128x32xf32, #tpu.memory_space<vmem>>) dst(%dma_wait3A_295 : memref<10240x32xf32, #tpu.memory_space<vmem_shared>>)
        tpu.yield
      }) : () -> ()
      %add3A_186 = arith.constant 8 : i32
      %add3A_187 = arith.addi %add3A_179, %add3A_186 : i32
      %dma_start3A_188 = arith.constant 0 : i32
      %dma_start3A_189 = tpu.memref_slice %arg7[%add3A_187, %dma_start3A_188] : memref<88x128xi32, #tpu.memory_space<vmem>> -> memref<1x128xi32, #tpu.memory_space<vmem>>
      %dma_start3A_190 = tpu.memref_squeeze %dma_start3A_189 : memref<1x128xi32, #tpu.memory_space<vmem>> -> memref<128xi32, #tpu.memory_space<vmem>>
      %dma_start3A_191 = arith.constant 0 : i32
      %dma_start3A_192 = arith.constant 0 : i32
      %dma_start3A_193 = tpu.memref_slice %arg19[%dma_start3A_191, %dma_start3A_192] : memref<10240x32xf32, #tpu.memory_space<vmem_shared>> -> memref<10240x32xf32, #tpu.memory_space<vmem_shared>>
      tpu.enqueue_indirect_dma source(%dma_start3A_193 : memref<10240x32xf32, #tpu.memory_space<vmem_shared>>) target(%arg11 : memref<128x32xf32, #tpu.memory_space<vmem>>) offsets(%dma_start3A_190 : memref<128xi32, #tpu.memory_space<vmem>>) semaphore(%arg22 : memref<!tpu.dma_semaphore, #tpu.memory_space<semaphore_mem>>)
      %mul3A_194 = arith.constant 8 : i32
      %mul3A_195 = arith.muli %scan3A_139, %mul3A_194 : i32
      %add3A_196 = arith.constant 3 : i32
      %add3A_197 = arith.addi %mul3A_195, %add3A_196 : i32
      %dma_wait3A_198 = arith.constant 0 : i32
      %dma_wait3A_199 = tpu.memref_slice %arg7[%add3A_197, %dma_wait3A_198] : memref<88x128xi32, #tpu.memory_space<vmem>> -> memref<1x128xi32, #tpu.memory_space<vmem>>
      %dma_wait3A_200 = tpu.memref_squeeze %dma_wait3A_199 : memref<1x128xi32, #tpu.memory_space<vmem>> -> memref<128xi32, #tpu.memory_space<vmem>>
      %dma_wait3A_201 = arith.constant 0 : i32
      %dma_wait3A_202 = arith.constant 0 : i32
      %dma_wait3A_203 = tpu.memref_slice %arg19[%dma_wait3A_201, %dma_wait3A_202] : memref<10240x32xf32, #tpu.memory_space<vmem_shared>> -> memref<10240x32xf32, #tpu.memory_space<vmem_shared>>
      tpu.wait_indirect_dma semaphore(%arg23 : memref<!tpu.dma_semaphore, #tpu.memory_space<semaphore_mem>>) src(%dma_wait3A_203 : memref<10240x32xf32, #tpu.memory_space<vmem_shared>>) dst(%arg12 : memref<128x32xf32, #tpu.memory_space<vmem>>)
      "tpu.region"() ({
        %run_scoped3A = tpu.sem_alloc : memref<!tpu.dma_semaphore, #tpu.memory_space<semaphore_mem>>
        %dma_start3A_284 = arith.constant 0 : i32
        %dma_start3A_285 = tpu.memref_slice %arg8[%add3A_197, %dma_start3A_284] : memref<88x128xi32, #tpu.memory_space<vmem>> -> memref<1x128xi32, #tpu.memory_space<vmem>>
        %dma_start3A_286 = tpu.memref_squeeze %dma_start3A_285 : memref<1x128xi32, #tpu.memory_space<vmem>> -> memref<128xi32, #tpu.memory_space<vmem>>
        %dma_start3A_287 = arith.constant 0 : i32
        %dma_start3A_288 = arith.constant 0 : i32
        %dma_start3A_289 = tpu.memref_slice %arg18[%dma_start3A_287, %dma_start3A_288] : memref<10240x32xf32, #tpu.memory_space<vmem_shared>> -> memref<10240x32xf32, #tpu.memory_space<vmem_shared>>
        tpu.enqueue_indirect_dma source(%arg12 : memref<128x32xf32, #tpu.memory_space<vmem>>) target(%dma_start3A_289 : memref<10240x32xf32, #tpu.memory_space<vmem_shared>>) offsets(%dma_start3A_286 : memref<128xi32, #tpu.memory_space<vmem>>) semaphore(%run_scoped3A : memref<!tpu.dma_semaphore, #tpu.memory_space<semaphore_mem>>) {add = true}
        %dma_wait3A_290 = arith.constant 0 : i32
        %dma_wait3A_291 = tpu.memref_slice %arg8[%add3A_197, %dma_wait3A_290] : memref<88x128xi32, #tpu.memory_space<vmem>> -> memref<1x128xi32, #tpu.memory_space<vmem>>
        %dma_wait3A_292 = tpu.memref_squeeze %dma_wait3A_291 : memref<1x128xi32, #tpu.memory_space<vmem>> -> memref<128xi32, #tpu.memory_space<vmem>>
        %dma_wait3A_293 = arith.constant 0 : i32
        %dma_wait3A_294 = arith.constant 0 : i32
        %dma_wait3A_295 = tpu.memref_slice %arg18[%dma_wait3A_293, %dma_wait3A_294] : memref<10240x32xf32, #tpu.memory_space<vmem_shared>> -> memref<10240x32xf32, #tpu.memory_space<vmem_shared>>
        tpu.wait_indirect_dma semaphore(%run_scoped3A : memref<!tpu.dma_semaphore, #tpu.memory_space<semaphore_mem>>) src(%arg12 : memref<128x32xf32, #tpu.memory_space<vmem>>) dst(%dma_wait3A_295 : memref<10240x32xf32, #tpu.memory_space<vmem_shared>>)
        tpu.yield
      }) : () -> ()
      %add3A_204 = arith.constant 8 : i32
      %add3A_205 = arith.addi %add3A_197, %add3A_204 : i32
      %dma_start3A_206 = arith.constant 0 : i32
      %dma_start3A_207 = tpu.memref_slice %arg7[%add3A_205, %dma_start3A_206] : memref<88x128xi32, #tpu.memory_space<vmem>> -> memref<1x128xi32, #tpu.memory_space<vmem>>
      %dma_start3A_208 = tpu.memref_squeeze %dma_start3A_207 : memref<1x128xi32, #tpu.memory_space<vmem>> -> memref<128xi32, #tpu.memory_space<vmem>>
      %dma_start3A_209 = arith.constant 0 : i32
      %dma_start3A_210 = arith.constant 0 : i32
      %dma_start3A_211 = tpu.memref_slice %arg19[%dma_start3A_209, %dma_start3A_210] : memref<10240x32xf32, #tpu.memory_space<vmem_shared>> -> memref<10240x32xf32, #tpu.memory_space<vmem_shared>>
      tpu.enqueue_indirect_dma source(%dma_start3A_211 : memref<10240x32xf32, #tpu.memory_space<vmem_shared>>) target(%arg12 : memref<128x32xf32, #tpu.memory_space<vmem>>) offsets(%dma_start3A_208 : memref<128xi32, #tpu.memory_space<vmem>>) semaphore(%arg23 : memref<!tpu.dma_semaphore, #tpu.memory_space<semaphore_mem>>)
      %mul3A_212 = arith.constant 8 : i32
      %mul3A_213 = arith.muli %scan3A_139, %mul3A_212 : i32
      %add3A_214 = arith.constant 4 : i32
      %add3A_215 = arith.addi %mul3A_213, %add3A_214 : i32
      %dma_wait3A_216 = arith.constant 0 : i32
      %dma_wait3A_217 = tpu.memref_slice %arg7[%add3A_215, %dma_wait3A_216] : memref<88x128xi32, #tpu.memory_space<vmem>> -> memref<1x128xi32, #tpu.memory_space<vmem>>
      %dma_wait3A_218 = tpu.memref_squeeze %dma_wait3A_217 : memref<1x128xi32, #tpu.memory_space<vmem>> -> memref<128xi32, #tpu.memory_space<vmem>>
      %dma_wait3A_219 = arith.constant 0 : i32
      %dma_wait3A_220 = arith.constant 0 : i32
      %dma_wait3A_221 = tpu.memref_slice %arg19[%dma_wait3A_219, %dma_wait3A_220] : memref<10240x32xf32, #tpu.memory_space<vmem_shared>> -> memref<10240x32xf32, #tpu.memory_space<vmem_shared>>
      tpu.wait_indirect_dma semaphore(%arg24 : memref<!tpu.dma_semaphore, #tpu.memory_space<semaphore_mem>>) src(%dma_wait3A_221 : memref<10240x32xf32, #tpu.memory_space<vmem_shared>>) dst(%arg13 : memref<128x32xf32, #tpu.memory_space<vmem>>)
      "tpu.region"() ({
        %run_scoped3A = tpu.sem_alloc : memref<!tpu.dma_semaphore, #tpu.memory_space<semaphore_mem>>
        %dma_start3A_284 = arith.constant 0 : i32
        %dma_start3A_285 = tpu.memref_slice %arg8[%add3A_215, %dma_start3A_284] : memref<88x128xi32, #tpu.memory_space<vmem>> -> memref<1x128xi32, #tpu.memory_space<vmem>>
        %dma_start3A_286 = tpu.memref_squeeze %dma_start3A_285 : memref<1x128xi32, #tpu.memory_space<vmem>> -> memref<128xi32, #tpu.memory_space<vmem>>
        %dma_start3A_287 = arith.constant 0 : i32
        %dma_start3A_288 = arith.constant 0 : i32
        %dma_start3A_289 = tpu.memref_slice %arg18[%dma_start3A_287, %dma_start3A_288] : memref<10240x32xf32, #tpu.memory_space<vmem_shared>> -> memref<10240x32xf32, #tpu.memory_space<vmem_shared>>
        tpu.enqueue_indirect_dma source(%arg13 : memref<128x32xf32, #tpu.memory_space<vmem>>) target(%dma_start3A_289 : memref<10240x32xf32, #tpu.memory_space<vmem_shared>>) offsets(%dma_start3A_286 : memref<128xi32, #tpu.memory_space<vmem>>) semaphore(%run_scoped3A : memref<!tpu.dma_semaphore, #tpu.memory_space<semaphore_mem>>) {add = true}
        %dma_wait3A_290 = arith.constant 0 : i32
        %dma_wait3A_291 = tpu.memref_slice %arg8[%add3A_215, %dma_wait3A_290] : memref<88x128xi32, #tpu.memory_space<vmem>> -> memref<1x128xi32, #tpu.memory_space<vmem>>
        %dma_wait3A_292 = tpu.memref_squeeze %dma_wait3A_291 : memref<1x128xi32, #tpu.memory_space<vmem>> -> memref<128xi32, #tpu.memory_space<vmem>>
        %dma_wait3A_293 = arith.constant 0 : i32
        %dma_wait3A_294 = arith.constant 0 : i32
        %dma_wait3A_295 = tpu.memref_slice %arg18[%dma_wait3A_293, %dma_wait3A_294] : memref<10240x32xf32, #tpu.memory_space<vmem_shared>> -> memref<10240x32xf32, #tpu.memory_space<vmem_shared>>
        tpu.wait_indirect_dma semaphore(%run_scoped3A : memref<!tpu.dma_semaphore, #tpu.memory_space<semaphore_mem>>) src(%arg13 : memref<128x32xf32, #tpu.memory_space<vmem>>) dst(%dma_wait3A_295 : memref<10240x32xf32, #tpu.memory_space<vmem_shared>>)
        tpu.yield
      }) : () -> ()
      %add3A_222 = arith.constant 8 : i32
      %add3A_223 = arith.addi %add3A_215, %add3A_222 : i32
      %dma_start3A_224 = arith.constant 0 : i32
      %dma_start3A_225 = tpu.memref_slice %arg7[%add3A_223, %dma_start3A_224] : memref<88x128xi32, #tpu.memory_space<vmem>> -> memref<1x128xi32, #tpu.memory_space<vmem>>
      %dma_start3A_226 = tpu.memref_squeeze %dma_start3A_225 : memref<1x128xi32, #tpu.memory_space<vmem>> -> memref<128xi32, #tpu.memory_space<vmem>>
      %dma_start3A_227 = arith.constant 0 : i32
      %dma_start3A_228 = arith.constant 0 : i32
      %dma_start3A_229 = tpu.memref_slice %arg19[%dma_start3A_227, %dma_start3A_228] : memref<10240x32xf32, #tpu.memory_space<vmem_shared>> -> memref<10240x32xf32, #tpu.memory_space<vmem_shared>>
      tpu.enqueue_indirect_dma source(%dma_start3A_229 : memref<10240x32xf32, #tpu.memory_space<vmem_shared>>) target(%arg13 : memref<128x32xf32, #tpu.memory_space<vmem>>) offsets(%dma_start3A_226 : memref<128xi32, #tpu.memory_space<vmem>>) semaphore(%arg24 : memref<!tpu.dma_semaphore, #tpu.memory_space<semaphore_mem>>)
      %mul3A_230 = arith.constant 8 : i32
      %mul3A_231 = arith.muli %scan3A_139, %mul3A_230 : i32
      %add3A_232 = arith.constant 5 : i32
      %add3A_233 = arith.addi %mul3A_231, %add3A_232 : i32
      %dma_wait3A_234 = arith.constant 0 : i32
      %dma_wait3A_235 = tpu.memref_slice %arg7[%add3A_233, %dma_wait3A_234] : memref<88x128xi32, #tpu.memory_space<vmem>> -> memref<1x128xi32, #tpu.memory_space<vmem>>
      %dma_wait3A_236 = tpu.memref_squeeze %dma_wait3A_235 : memref<1x128xi32, #tpu.memory_space<vmem>> -> memref<128xi32, #tpu.memory_space<vmem>>
      %dma_wait3A_237 = arith.constant 0 : i32
      %dma_wait3A_238 = arith.constant 0 : i32
      %dma_wait3A_239 = tpu.memref_slice %arg19[%dma_wait3A_237, %dma_wait3A_238] : memref<10240x32xf32, #tpu.memory_space<vmem_shared>> -> memref<10240x32xf32, #tpu.memory_space<vmem_shared>>
      tpu.wait_indirect_dma semaphore(%arg25 : memref<!tpu.dma_semaphore, #tpu.memory_space<semaphore_mem>>) src(%dma_wait3A_239 : memref<10240x32xf32, #tpu.memory_space<vmem_shared>>) dst(%arg14 : memref<128x32xf32, #tpu.memory_space<vmem>>)
      "tpu.region"() ({
        %run_scoped3A = tpu.sem_alloc : memref<!tpu.dma_semaphore, #tpu.memory_space<semaphore_mem>>
        %dma_start3A_284 = arith.constant 0 : i32
        %dma_start3A_285 = tpu.memref_slice %arg8[%add3A_233, %dma_start3A_284] : memref<88x128xi32, #tpu.memory_space<vmem>> -> memref<1x128xi32, #tpu.memory_space<vmem>>
        %dma_start3A_286 = tpu.memref_squeeze %dma_start3A_285 : memref<1x128xi32, #tpu.memory_space<vmem>> -> memref<128xi32, #tpu.memory_space<vmem>>
        %dma_start3A_287 = arith.constant 0 : i32
        %dma_start3A_288 = arith.constant 0 : i32
        %dma_start3A_289 = tpu.memref_slice %arg18[%dma_start3A_287, %dma_start3A_288] : memref<10240x32xf32, #tpu.memory_space<vmem_shared>> -> memref<10240x32xf32, #tpu.memory_space<vmem_shared>>
        tpu.enqueue_indirect_dma source(%arg14 : memref<128x32xf32, #tpu.memory_space<vmem>>) target(%dma_start3A_289 : memref<10240x32xf32, #tpu.memory_space<vmem_shared>>) offsets(%dma_start3A_286 : memref<128xi32, #tpu.memory_space<vmem>>) semaphore(%run_scoped3A : memref<!tpu.dma_semaphore, #tpu.memory_space<semaphore_mem>>) {add = true}
        %dma_wait3A_290 = arith.constant 0 : i32
        %dma_wait3A_291 = tpu.memref_slice %arg8[%add3A_233, %dma_wait3A_290] : memref<88x128xi32, #tpu.memory_space<vmem>> -> memref<1x128xi32, #tpu.memory_space<vmem>>
        %dma_wait3A_292 = tpu.memref_squeeze %dma_wait3A_291 : memref<1x128xi32, #tpu.memory_space<vmem>> -> memref<128xi32, #tpu.memory_space<vmem>>
        %dma_wait3A_293 = arith.constant 0 : i32
        %dma_wait3A_294 = arith.constant 0 : i32
        %dma_wait3A_295 = tpu.memref_slice %arg18[%dma_wait3A_293, %dma_wait3A_294] : memref<10240x32xf32, #tpu.memory_space<vmem_shared>> -> memref<10240x32xf32, #tpu.memory_space<vmem_shared>>
        tpu.wait_indirect_dma semaphore(%run_scoped3A : memref<!tpu.dma_semaphore, #tpu.memory_space<semaphore_mem>>) src(%arg14 : memref<128x32xf32, #tpu.memory_space<vmem>>) dst(%dma_wait3A_295 : memref<10240x32xf32, #tpu.memory_space<vmem_shared>>)
        tpu.yield
      }) : () -> ()
      %add3A_240 = arith.constant 8 : i32
      %add3A_241 = arith.addi %add3A_233, %add3A_240 : i32
      %dma_start3A_242 = arith.constant 0 : i32
      %dma_start3A_243 = tpu.memref_slice %arg7[%add3A_241, %dma_start3A_242] : memref<88x128xi32, #tpu.memory_space<vmem>> -> memref<1x128xi32, #tpu.memory_space<vmem>>
      %dma_start3A_244 = tpu.memref_squeeze %dma_start3A_243 : memref<1x128xi32, #tpu.memory_space<vmem>> -> memref<128xi32, #tpu.memory_space<vmem>>
      %dma_start3A_245 = arith.constant 0 : i32
      %dma_start3A_246 = arith.constant 0 : i32
      %dma_start3A_247 = tpu.memref_slice %arg19[%dma_start3A_245, %dma_start3A_246] : memref<10240x32xf32, #tpu.memory_space<vmem_shared>> -> memref<10240x32xf32, #tpu.memory_space<vmem_shared>>
      tpu.enqueue_indirect_dma source(%dma_start3A_247 : memref<10240x32xf32, #tpu.memory_space<vmem_shared>>) target(%arg14 : memref<128x32xf32, #tpu.memory_space<vmem>>) offsets(%dma_start3A_244 : memref<128xi32, #tpu.memory_space<vmem>>) semaphore(%arg25 : memref<!tpu.dma_semaphore, #tpu.memory_space<semaphore_mem>>)
      %mul3A_248 = arith.constant 8 : i32
      %mul3A_249 = arith.muli %scan3A_139, %mul3A_248 : i32
      %add3A_250 = arith.constant 6 : i32
      %add3A_251 = arith.addi %mul3A_249, %add3A_250 : i32
      %dma_wait3A_252 = arith.constant 0 : i32
      %dma_wait3A_253 = tpu.memref_slice %arg7[%add3A_251, %dma_wait3A_252] : memref<88x128xi32, #tpu.memory_space<vmem>> -> memref<1x128xi32, #tpu.memory_space<vmem>>
      %dma_wait3A_254 = tpu.memref_squeeze %dma_wait3A_253 : memref<1x128xi32, #tpu.memory_space<vmem>> -> memref<128xi32, #tpu.memory_space<vmem>>
      %dma_wait3A_255 = arith.constant 0 : i32
      %dma_wait3A_256 = arith.constant 0 : i32
      %dma_wait3A_257 = tpu.memref_slice %arg19[%dma_wait3A_255, %dma_wait3A_256] : memref<10240x32xf32, #tpu.memory_space<vmem_shared>> -> memref<10240x32xf32, #tpu.memory_space<vmem_shared>>
      tpu.wait_indirect_dma semaphore(%arg26 : memref<!tpu.dma_semaphore, #tpu.memory_space<semaphore_mem>>) src(%dma_wait3A_257 : memref<10240x32xf32, #tpu.memory_space<vmem_shared>>) dst(%arg15 : memref<128x32xf32, #tpu.memory_space<vmem>>)
      "tpu.region"() ({
        %run_scoped3A = tpu.sem_alloc : memref<!tpu.dma_semaphore, #tpu.memory_space<semaphore_mem>>
        %dma_start3A_284 = arith.constant 0 : i32
        %dma_start3A_285 = tpu.memref_slice %arg8[%add3A_251, %dma_start3A_284] : memref<88x128xi32, #tpu.memory_space<vmem>> -> memref<1x128xi32, #tpu.memory_space<vmem>>
        %dma_start3A_286 = tpu.memref_squeeze %dma_start3A_285 : memref<1x128xi32, #tpu.memory_space<vmem>> -> memref<128xi32, #tpu.memory_space<vmem>>
        %dma_start3A_287 = arith.constant 0 : i32
        %dma_start3A_288 = arith.constant 0 : i32
        %dma_start3A_289 = tpu.memref_slice %arg18[%dma_start3A_287, %dma_start3A_288] : memref<10240x32xf32, #tpu.memory_space<vmem_shared>> -> memref<10240x32xf32, #tpu.memory_space<vmem_shared>>
        tpu.enqueue_indirect_dma source(%arg15 : memref<128x32xf32, #tpu.memory_space<vmem>>) target(%dma_start3A_289 : memref<10240x32xf32, #tpu.memory_space<vmem_shared>>) offsets(%dma_start3A_286 : memref<128xi32, #tpu.memory_space<vmem>>) semaphore(%run_scoped3A : memref<!tpu.dma_semaphore, #tpu.memory_space<semaphore_mem>>) {add = true}
        %dma_wait3A_290 = arith.constant 0 : i32
        %dma_wait3A_291 = tpu.memref_slice %arg8[%add3A_251, %dma_wait3A_290] : memref<88x128xi32, #tpu.memory_space<vmem>> -> memref<1x128xi32, #tpu.memory_space<vmem>>
        %dma_wait3A_292 = tpu.memref_squeeze %dma_wait3A_291 : memref<1x128xi32, #tpu.memory_space<vmem>> -> memref<128xi32, #tpu.memory_space<vmem>>
        %dma_wait3A_293 = arith.constant 0 : i32
        %dma_wait3A_294 = arith.constant 0 : i32
        %dma_wait3A_295 = tpu.memref_slice %arg18[%dma_wait3A_293, %dma_wait3A_294] : memref<10240x32xf32, #tpu.memory_space<vmem_shared>> -> memref<10240x32xf32, #tpu.memory_space<vmem_shared>>
        tpu.wait_indirect_dma semaphore(%run_scoped3A : memref<!tpu.dma_semaphore, #tpu.memory_space<semaphore_mem>>) src(%arg15 : memref<128x32xf32, #tpu.memory_space<vmem>>) dst(%dma_wait3A_295 : memref<10240x32xf32, #tpu.memory_space<vmem_shared>>)
        tpu.yield
      }) : () -> ()
      %add3A_258 = arith.constant 8 : i32
      %add3A_259 = arith.addi %add3A_251, %add3A_258 : i32
      %dma_start3A_260 = arith.constant 0 : i32
      %dma_start3A_261 = tpu.memref_slice %arg7[%add3A_259, %dma_start3A_260] : memref<88x128xi32, #tpu.memory_space<vmem>> -> memref<1x128xi32, #tpu.memory_space<vmem>>
      %dma_start3A_262 = tpu.memref_squeeze %dma_start3A_261 : memref<1x128xi32, #tpu.memory_space<vmem>> -> memref<128xi32, #tpu.memory_space<vmem>>
      %dma_start3A_263 = arith.constant 0 : i32
      %dma_start3A_264 = arith.constant 0 : i32
      %dma_start3A_265 = tpu.memref_slice %arg19[%dma_start3A_263, %dma_start3A_264] : memref<10240x32xf32, #tpu.memory_space<vmem_shared>> -> memref<10240x32xf32, #tpu.memory_space<vmem_shared>>
      tpu.enqueue_indirect_dma source(%dma_start3A_265 : memref<10240x32xf32, #tpu.memory_space<vmem_shared>>) target(%arg15 : memref<128x32xf32, #tpu.memory_space<vmem>>) offsets(%dma_start3A_262 : memref<128xi32, #tpu.memory_space<vmem>>) semaphore(%arg26 : memref<!tpu.dma_semaphore, #tpu.memory_space<semaphore_mem>>)
      %mul3A_266 = arith.constant 8 : i32
      %mul3A_267 = arith.muli %scan3A_139, %mul3A_266 : i32
      %add3A_268 = arith.constant 7 : i32
      %add3A_269 = arith.addi %mul3A_267, %add3A_268 : i32
      %dma_wait3A_270 = arith.constant 0 : i32
      %dma_wait3A_271 = tpu.memref_slice %arg7[%add3A_269, %dma_wait3A_270] : memref<88x128xi32, #tpu.memory_space<vmem>> -> memref<1x128xi32, #tpu.memory_space<vmem>>
      %dma_wait3A_272 = tpu.memref_squeeze %dma_wait3A_271 : memref<1x128xi32, #tpu.memory_space<vmem>> -> memref<128xi32, #tpu.memory_space<vmem>>
      %dma_wait3A_273 = arith.constant 0 : i32
      %dma_wait3A_274 = arith.constant 0 : i32
      %dma_wait3A_275 = tpu.memref_slice %arg19[%dma_wait3A_273, %dma_wait3A_274] : memref<10240x32xf32, #tpu.memory_space<vmem_shared>> -> memref<10240x32xf32, #tpu.memory_space<vmem_shared>>
      tpu.wait_indirect_dma semaphore(%arg27 : memref<!tpu.dma_semaphore, #tpu.memory_space<semaphore_mem>>) src(%dma_wait3A_275 : memref<10240x32xf32, #tpu.memory_space<vmem_shared>>) dst(%arg16 : memref<128x32xf32, #tpu.memory_space<vmem>>)
      "tpu.region"() ({
        %run_scoped3A = tpu.sem_alloc : memref<!tpu.dma_semaphore, #tpu.memory_space<semaphore_mem>>
        %dma_start3A_284 = arith.constant 0 : i32
        %dma_start3A_285 = tpu.memref_slice %arg8[%add3A_269, %dma_start3A_284] : memref<88x128xi32, #tpu.memory_space<vmem>> -> memref<1x128xi32, #tpu.memory_space<vmem>>
        %dma_start3A_286 = tpu.memref_squeeze %dma_start3A_285 : memref<1x128xi32, #tpu.memory_space<vmem>> -> memref<128xi32, #tpu.memory_space<vmem>>
        %dma_start3A_287 = arith.constant 0 : i32
        %dma_start3A_288 = arith.constant 0 : i32
        %dma_start3A_289 = tpu.memref_slice %arg18[%dma_start3A_287, %dma_start3A_288] : memref<10240x32xf32, #tpu.memory_space<vmem_shared>> -> memref<10240x32xf32, #tpu.memory_space<vmem_shared>>
        tpu.enqueue_indirect_dma source(%arg16 : memref<128x32xf32, #tpu.memory_space<vmem>>) target(%dma_start3A_289 : memref<10240x32xf32, #tpu.memory_space<vmem_shared>>) offsets(%dma_start3A_286 : memref<128xi32, #tpu.memory_space<vmem>>) semaphore(%run_scoped3A : memref<!tpu.dma_semaphore, #tpu.memory_space<semaphore_mem>>) {add = true}
        %dma_wait3A_290 = arith.constant 0 : i32
        %dma_wait3A_291 = tpu.memref_slice %arg8[%add3A_269, %dma_wait3A_290] : memref<88x128xi32, #tpu.memory_space<vmem>> -> memref<1x128xi32, #tpu.memory_space<vmem>>
        %dma_wait3A_292 = tpu.memref_squeeze %dma_wait3A_291 : memref<1x128xi32, #tpu.memory_space<vmem>> -> memref<128xi32, #tpu.memory_space<vmem>>
        %dma_wait3A_293 = arith.constant 0 : i32
        %dma_wait3A_294 = arith.constant 0 : i32
        %dma_wait3A_295 = tpu.memref_slice %arg18[%dma_wait3A_293, %dma_wait3A_294] : memref<10240x32xf32, #tpu.memory_space<vmem_shared>> -> memref<10240x32xf32, #tpu.memory_space<vmem_shared>>
        tpu.wait_indirect_dma semaphore(%run_scoped3A : memref<!tpu.dma_semaphore, #tpu.memory_space<semaphore_mem>>) src(%arg16 : memref<128x32xf32, #tpu.memory_space<vmem>>) dst(%dma_wait3A_295 : memref<10240x32xf32, #tpu.memory_space<vmem_shared>>)
        tpu.yield
      }) : () -> ()
      %add3A_276 = arith.constant 8 : i32
      %add3A_277 = arith.addi %add3A_269, %add3A_276 : i32
      %dma_start3A_278 = arith.constant 0 : i32
      %dma_start3A_279 = tpu.memref_slice %arg7[%add3A_277, %dma_start3A_278] : memref<88x128xi32, #tpu.memory_space<vmem>> -> memref<1x128xi32, #tpu.memory_space<vmem>>
      %dma_start3A_280 = tpu.memref_squeeze %dma_start3A_279 : memref<1x128xi32, #tpu.memory_space<vmem>> -> memref<128xi32, #tpu.memory_space<vmem>>
      %dma_start3A_281 = arith.constant 0 : i32
      %dma_start3A_282 = arith.constant 0 : i32
      %dma_start3A_283 = tpu.memref_slice %arg19[%dma_start3A_281, %dma_start3A_282] : memref<10240x32xf32, #tpu.memory_space<vmem_shared>> -> memref<10240x32xf32, #tpu.memory_space<vmem_shared>>
      tpu.enqueue_indirect_dma source(%dma_start3A_283 : memref<10240x32xf32, #tpu.memory_space<vmem_shared>>) target(%arg16 : memref<128x32xf32, #tpu.memory_space<vmem>>) offsets(%dma_start3A_280 : memref<128xi32, #tpu.memory_space<vmem>>) semaphore(%arg27 : memref<!tpu.dma_semaphore, #tpu.memory_space<semaphore_mem>>)
    }
    %scan3A_76 = arith.constant 10 : i32
    %dma_wait3A = arith.constant 0 : i32
    %dma_wait3A_77 = arith.constant 0 : i32
    %dma_wait3A_78 = tpu.memref_slice %arg7[%dma_wait3A, %dma_wait3A_77] : memref<88x128xi32, #tpu.memory_space<vmem>> -> memref<1x128xi32, #tpu.memory_space<vmem>>
    %dma_wait3A_79 = tpu.memref_squeeze %dma_wait3A_78 : memref<1x128xi32, #tpu.memory_space<vmem>> -> memref<128xi32, #tpu.memory_space<vmem>>
    %dma_wait3A_80 = arith.constant 0 : i32
    %dma_wait3A_81 = arith.constant 0 : i32
    %dma_wait3A_82 = tpu.memref_slice %arg19[%dma_wait3A_80, %dma_wait3A_81] : memref<10240x32xf32, #tpu.memory_space<vmem_shared>> -> memref<10240x32xf32, #tpu.memory_space<vmem_shared>>
    tpu.wait_indirect_dma semaphore(%arg20 : memref<!tpu.dma_semaphore, #tpu.memory_space<semaphore_mem>>) src(%dma_wait3A_82 : memref<10240x32xf32, #tpu.memory_space<vmem_shared>>) dst(%arg9 : memref<128x32xf32, #tpu.memory_space<vmem>>)
    %dma_wait3A_83 = arith.constant 0 : i32
    %dma_wait3A_84 = arith.constant 0 : i32
    %dma_wait3A_85 = tpu.memref_slice %arg7[%dma_wait3A_83, %dma_wait3A_84] : memref<88x128xi32, #tpu.memory_space<vmem>> -> memref<1x128xi32, #tpu.memory_space<vmem>>
    %dma_wait3A_86 = tpu.memref_squeeze %dma_wait3A_85 : memref<1x128xi32, #tpu.memory_space<vmem>> -> memref<128xi32, #tpu.memory_space<vmem>>
    %dma_wait3A_87 = arith.constant 0 : i32
    %dma_wait3A_88 = arith.constant 0 : i32
    %dma_wait3A_89 = tpu.memref_slice %arg19[%dma_wait3A_87, %dma_wait3A_88] : memref<10240x32xf32, #tpu.memory_space<vmem_shared>> -> memref<10240x32xf32, #tpu.memory_space<vmem_shared>>
    tpu.wait_indirect_dma semaphore(%arg21 : memref<!tpu.dma_semaphore, #tpu.memory_space<semaphore_mem>>) src(%dma_wait3A_89 : memref<10240x32xf32, #tpu.memory_space<vmem_shared>>) dst(%arg10 : memref<128x32xf32, #tpu.memory_space<vmem>>)
    %dma_wait3A_90 = arith.constant 0 : i32
    %dma_wait3A_91 = arith.constant 0 : i32
    %dma_wait3A_92 = tpu.memref_slice %arg7[%dma_wait3A_90, %dma_wait3A_91] : memref<88x128xi32, #tpu.memory_space<vmem>> -> memref<1x128xi32, #tpu.memory_space<vmem>>
    %dma_wait3A_93 = tpu.memref_squeeze %dma_wait3A_92 : memref<1x128xi32, #tpu.memory_space<vmem>> -> memref<128xi32, #tpu.memory_space<vmem>>
    %dma_wait3A_94 = arith.constant 0 : i32
    %dma_wait3A_95 = arith.constant 0 : i32
    %dma_wait3A_96 = tpu.memref_slice %arg19[%dma_wait3A_94, %dma_wait3A_95] : memref<10240x32xf32, #tpu.memory_space<vmem_shared>> -> memref<10240x32xf32, #tpu.memory_space<vmem_shared>>
    tpu.wait_indirect_dma semaphore(%arg22 : memref<!tpu.dma_semaphore, #tpu.memory_space<semaphore_mem>>) src(%dma_wait3A_96 : memref<10240x32xf32, #tpu.memory_space<vmem_shared>>) dst(%arg11 : memref<128x32xf32, #tpu.memory_space<vmem>>)
    %dma_wait3A_97 = arith.constant 0 : i32
    %dma_wait3A_98 = arith.constant 0 : i32
    %dma_wait3A_99 = tpu.memref_slice %arg7[%dma_wait3A_97, %dma_wait3A_98] : memref<88x128xi32, #tpu.memory_space<vmem>> -> memref<1x128xi32, #tpu.memory_space<vmem>>
    %dma_wait3A_100 = tpu.memref_squeeze %dma_wait3A_99 : memref<1x128xi32, #tpu.memory_space<vmem>> -> memref<128xi32, #tpu.memory_space<vmem>>
    %dma_wait3A_101 = arith.constant 0 : i32
    %dma_wait3A_102 = arith.constant 0 : i32
    %dma_wait3A_103 = tpu.memref_slice %arg19[%dma_wait3A_101, %dma_wait3A_102] : memref<10240x32xf32, #tpu.memory_space<vmem_shared>> -> memref<10240x32xf32, #tpu.memory_space<vmem_shared>>
    tpu.wait_indirect_dma semaphore(%arg23 : memref<!tpu.dma_semaphore, #tpu.memory_space<semaphore_mem>>) src(%dma_wait3A_103 : memref<10240x32xf32, #tpu.memory_space<vmem_shared>>) dst(%arg12 : memref<128x32xf32, #tpu.memory_space<vmem>>)
    %dma_wait3A_104 = arith.constant 0 : i32
    %dma_wait3A_105 = arith.constant 0 : i32
    %dma_wait3A_106 = tpu.memref_slice %arg7[%dma_wait3A_104, %dma_wait3A_105] : memref<88x128xi32, #tpu.memory_space<vmem>> -> memref<1x128xi32, #tpu.memory_space<vmem>>
    %dma_wait3A_107 = tpu.memref_squeeze %dma_wait3A_106 : memref<1x128xi32, #tpu.memory_space<vmem>> -> memref<128xi32, #tpu.memory_space<vmem>>
    %dma_wait3A_108 = arith.constant 0 : i32
    %dma_wait3A_109 = arith.constant 0 : i32
    %dma_wait3A_110 = tpu.memref_slice %arg19[%dma_wait3A_108, %dma_wait3A_109] : memref<10240x32xf32, #tpu.memory_space<vmem_shared>> -> memref<10240x32xf32, #tpu.memory_space<vmem_shared>>
    tpu.wait_indirect_dma semaphore(%arg24 : memref<!tpu.dma_semaphore, #tpu.memory_space<semaphore_mem>>) src(%dma_wait3A_110 : memref<10240x32xf32, #tpu.memory_space<vmem_shared>>) dst(%arg13 : memref<128x32xf32, #tpu.memory_space<vmem>>)
    %dma_wait3A_111 = arith.constant 0 : i32
    %dma_wait3A_112 = arith.constant 0 : i32
    %dma_wait3A_113 = tpu.memref_slice %arg7[%dma_wait3A_111, %dma_wait3A_112] : memref<88x128xi32, #tpu.memory_space<vmem>> -> memref<1x128xi32, #tpu.memory_space<vmem>>
    %dma_wait3A_114 = tpu.memref_squeeze %dma_wait3A_113 : memref<1x128xi32, #tpu.memory_space<vmem>> -> memref<128xi32, #tpu.memory_space<vmem>>
    %dma_wait3A_115 = arith.constant 0 : i32
    %dma_wait3A_116 = arith.constant 0 : i32
    %dma_wait3A_117 = tpu.memref_slice %arg19[%dma_wait3A_115, %dma_wait3A_116] : memref<10240x32xf32, #tpu.memory_space<vmem_shared>> -> memref<10240x32xf32, #tpu.memory_space<vmem_shared>>
    tpu.wait_indirect_dma semaphore(%arg25 : memref<!tpu.dma_semaphore, #tpu.memory_space<semaphore_mem>>) src(%dma_wait3A_117 : memref<10240x32xf32, #tpu.memory_space<vmem_shared>>) dst(%arg14 : memref<128x32xf32, #tpu.memory_space<vmem>>)
    %dma_wait3A_118 = arith.constant 0 : i32
    %dma_wait3A_119 = arith.constant 0 : i32
    %dma_wait3A_120 = tpu.memref_slice %arg7[%dma_wait3A_118, %dma_wait3A_119] : memref<88x128xi32, #tpu.memory_space<vmem>> -> memref<1x128xi32, #tpu.memory_space<vmem>>
    %dma_wait3A_121 = tpu.memref_squeeze %dma_wait3A_120 : memref<1x128xi32, #tpu.memory_space<vmem>> -> memref<128xi32, #tpu.memory_space<vmem>>
    %dma_wait3A_122 = arith.constant 0 : i32
    %dma_wait3A_123 = arith.constant 0 : i32
    %dma_wait3A_124 = tpu.memref_slice %arg19[%dma_wait3A_122, %dma_wait3A_123] : memref<10240x32xf32, #tpu.memory_space<vmem_shared>> -> memref<10240x32xf32, #tpu.memory_space<vmem_shared>>
    tpu.wait_indirect_dma semaphore(%arg26 : memref<!tpu.dma_semaphore, #tpu.memory_space<semaphore_mem>>) src(%dma_wait3A_124 : memref<10240x32xf32, #tpu.memory_space<vmem_shared>>) dst(%arg15 : memref<128x32xf32, #tpu.memory_space<vmem>>)
    %dma_wait3A_125 = arith.constant 0 : i32
    %dma_wait3A_126 = arith.constant 0 : i32
    %dma_wait3A_127 = tpu.memref_slice %arg7[%dma_wait3A_125, %dma_wait3A_126] : memref<88x128xi32, #tpu.memory_space<vmem>> -> memref<1x128xi32, #tpu.memory_space<vmem>>
    %dma_wait3A_128 = tpu.memref_squeeze %dma_wait3A_127 : memref<1x128xi32, #tpu.memory_space<vmem>> -> memref<128xi32, #tpu.memory_space<vmem>>
    %dma_wait3A_129 = arith.constant 0 : i32
    %dma_wait3A_130 = arith.constant 0 : i32
    %dma_wait3A_131 = tpu.memref_slice %arg19[%dma_wait3A_129, %dma_wait3A_130] : memref<10240x32xf32, #tpu.memory_space<vmem_shared>> -> memref<10240x32xf32, #tpu.memory_space<vmem_shared>>
    tpu.wait_indirect_dma semaphore(%arg27 : memref<!tpu.dma_semaphore, #tpu.memory_space<semaphore_mem>>) src(%dma_wait3A_131 : memref<10240x32xf32, #tpu.memory_space<vmem_shared>>) dst(%arg16 : memref<128x32xf32, #tpu.memory_space<vmem>>)
    %barrier3A_132 = arith.constant 0 : index
    tpu.barrier barrier_id(%barrier3A_132)
    %scan3A_133 = arith.constant 0 : i32
    %scan3A_134 = arith.constant 0 : i32
    %scan3A_135 = arith.constant 5 : i32
    %scan3A_136 = arith.addi %scan3A_134, %scan3A_135 : i32
    %scan3A_137 = arith.constant 1 : i32
    scf.for %scan3A_139 = %scan3A_134 to %scan3A_136 step %scan3A_137  : i32 {
      %mul3A_140 = arith.constant 128 : i32
      %mul3A_141 = arith.muli %scan3A_139, %mul3A_140 : i32
      %add3A_142 = arith.addi %mul3A_0, %mul3A_141 : i32
      "tpu.region"() ({
        %run_scoped3A = tpu.sem_alloc : memref<!tpu.dma_semaphore, #tpu.memory_space<semaphore_mem>>
        %dma_start3A_143 = arith.constant 0 : i32
        %dma_start3A_144 = tpu.memref_slice %arg18[%add3A_142, %dma_start3A_143] : memref<10240x32xf32, #tpu.memory_space<vmem_shared>> -> memref<128x32xf32, #tpu.memory_space<vmem_shared>>
        %dma_start3A_145 = arith.constant 0 : i32
        %dma_start3A_146 = tpu.memref_slice %arg18[%add3A_142, %dma_start3A_145] : memref<10240x32xf32, #tpu.memory_space<vmem_shared>> -> memref<128x32xf32, #tpu.memory_space<vmem_shared>>
        tpu.enqueue_dma source(%dma_start3A_146 : memref<128x32xf32, #tpu.memory_space<vmem_shared>>) target(%arg17 : memref<128x32xf32, #tpu.memory_space<vmem>>) target_semaphore(%run_scoped3A : memref<!tpu.dma_semaphore, #tpu.memory_space<semaphore_mem>>)
        %dma_wait3A_147 = arith.constant 0 : i32
        %dma_wait3A_148 = tpu.memref_slice %arg18[%add3A_142, %dma_wait3A_147] : memref<10240x32xf32, #tpu.memory_space<vmem_shared>> -> memref<128x32xf32, #tpu.memory_space<vmem_shared>>
        %dma_wait3A_149 = arith.constant 0 : i32
        %dma_wait3A_150 = tpu.memref_slice %arg18[%add3A_142, %dma_wait3A_149] : memref<10240x32xf32, #tpu.memory_space<vmem_shared>> -> memref<128x32xf32, #tpu.memory_space<vmem_shared>>
        tpu.wait_dma2 semaphore(%run_scoped3A : memref<!tpu.dma_semaphore, #tpu.memory_space<semaphore_mem>>) src(%dma_wait3A_150 : memref<128x32xf32, #tpu.memory_space<vmem_shared>>) dst(%arg17 : memref<128x32xf32, #tpu.memory_space<vmem>>)
        tpu.yield
      }) : () -> ()
      "tpu.region"() ({
        %run_scoped3A = tpu.sem_alloc : memref<!tpu.dma_semaphore, #tpu.memory_space<semaphore_mem>>
        %dma_start3A_143 = arith.constant 0 : i32
        %dma_start3A_144 = tpu.memref_slice %arg6[%arg0, %add3A_142, %dma_start3A_143] : memref<2x10240x32xf32, #tpu.memory_space<hbm>> -> memref<1x128x32xf32, #tpu.memory_space<hbm>>
        %dma_start3A_145 = tpu.memref_squeeze %dma_start3A_144 : memref<1x128x32xf32, #tpu.memory_space<hbm>> -> memref<128x32xf32, #tpu.memory_space<hbm>>
        %dma_start3A_146 = arith.constant 0 : i32
        %dma_start3A_147 = tpu.memref_slice %arg6[%arg0, %add3A_142, %dma_start3A_146] : memref<2x10240x32xf32, #tpu.memory_space<hbm>> -> memref<1x128x32xf32, #tpu.memory_space<hbm>>
        %dma_start3A_148 = tpu.memref_squeeze %dma_start3A_147 : memref<1x128x32xf32, #tpu.memory_space<hbm>> -> memref<128x32xf32, #tpu.memory_space<hbm>>
        tpu.enqueue_dma source(%arg17 : memref<128x32xf32, #tpu.memory_space<vmem>>) target(%dma_start3A_148 : memref<128x32xf32, #tpu.memory_space<hbm>>) target_semaphore(%run_scoped3A : memref<!tpu.dma_semaphore, #tpu.memory_space<semaphore_mem>>)
        %dma_wait3A_149 = arith.constant 0 : i32
        %dma_wait3A_150 = tpu.memref_slice %arg6[%arg0, %add3A_142, %dma_wait3A_149] : memref<2x10240x32xf32, #tpu.memory_space<hbm>> -> memref<1x128x32xf32, #tpu.memory_space<hbm>>
        %dma_wait3A_151 = tpu.memref_squeeze %dma_wait3A_150 : memref<1x128x32xf32, #tpu.memory_space<hbm>> -> memref<128x32xf32, #tpu.memory_space<hbm>>
        %dma_wait3A_152 = arith.constant 0 : i32
        %dma_wait3A_153 = tpu.memref_slice %arg6[%arg0, %add3A_142, %dma_wait3A_152] : memref<2x10240x32xf32, #tpu.memory_space<hbm>> -> memref<1x128x32xf32, #tpu.memory_space<hbm>>
        %dma_wait3A_154 = tpu.memref_squeeze %dma_wait3A_153 : memref<1x128x32xf32, #tpu.memory_space<hbm>> -> memref<128x32xf32, #tpu.memory_space<hbm>>
        tpu.wait_dma2 semaphore(%run_scoped3A : memref<!tpu.dma_semaphore, #tpu.memory_space<semaphore_mem>>) src(%arg17 : memref<128x32xf32, #tpu.memory_space<vmem>>) dst(%dma_wait3A_154 : memref<128x32xf32, #tpu.memory_space<hbm>>)
        tpu.yield
      }) : () -> ()
    }
    %scan3A_138 = arith.constant 5 : i32
    return
  }
}

#map = affine_map<(d0, d1) -> (0, 0)>
#map1 = affine_map<(d0, d1) -> (0, 0, 0)>
module attributes {stable_mosaic.version = 14 : i64} {
  func.func @deg_kernel(%arg0: i32, %arg1: i32, %arg2: memref<2568x128xi32, #tpu.memory_space<hbm>>, %arg3: memref<128x8xf32, #tpu.memory_space<hbm>>, %arg4: memref<128x8xf32, #tpu.memory_space<hbm>>, %arg5: memref<2x10240x8xf32, #tpu.memory_space<hbm>>, %arg6: memref<80x128xi32, #tpu.memory_space<vmem>>, %arg7: memref<128x8xf32, #tpu.memory_space<vmem>>, %arg8: memref<128x8xf32, #tpu.memory_space<vmem>>, %arg9: memref<10240x8xf32, #tpu.memory_space<vmem_shared>>) attributes {dimension_semantics = [#tpu.dimension_semantics<core_parallel>, #tpu.dimension_semantics<subcore_parallel>], iteration_bounds = array<i64: 2, 16>, scalar_prefetch = 0 : i64, scratch_operands = 4 : i64, tpu.core_type = #tpu.core_type<sc_vector_subcore>, window_params = [{transform_indices = #map}, {transform_indices = #map}, {transform_indices = #map}, {transform_indices = #map1}]} {
    %mul3A = arith.constant 16 : i32
    %mul3A_0 = arith.muli %arg0, %mul3A : i32
    %add3A = arith.addi %mul3A_0, %arg1 : i32
    %mul3A_1 = arith.constant 640 : i32
    %mul3A_2 = arith.muli %arg1, %mul3A_1 : i32
    "tpu.region"() ({
      %run_scoped3A = tpu.sem_alloc : memref<!tpu.dma_semaphore, #tpu.memory_space<semaphore_mem>>
      tpu.enqueue_dma source(%arg4 : memref<128x8xf32, #tpu.memory_space<hbm>>) target(%arg8 : memref<128x8xf32, #tpu.memory_space<vmem>>) target_semaphore(%run_scoped3A : memref<!tpu.dma_semaphore, #tpu.memory_space<semaphore_mem>>)
      tpu.wait_dma2 semaphore(%run_scoped3A : memref<!tpu.dma_semaphore, #tpu.memory_space<semaphore_mem>>) src(%arg4 : memref<128x8xf32, #tpu.memory_space<hbm>>) dst(%arg8 : memref<128x8xf32, #tpu.memory_space<vmem>>)
      tpu.yield
    }) : () -> ()
    %scan3A = arith.constant 0 : i32
    %scan3A_3 = arith.constant 0 : i32
    %scan3A_4 = arith.constant 5 : i32
    %scan3A_5 = arith.addi %scan3A_3, %scan3A_4 : i32
    %scan3A_6 = arith.constant 1 : i32
    scf.for %scan3A_23 = %scan3A_3 to %scan3A_5 step %scan3A_6  : i32 {
      %mul3A_24 = arith.constant 128 : i32
      %mul3A_25 = arith.muli %scan3A_23, %mul3A_24 : i32
      %add3A_26 = arith.addi %mul3A_2, %mul3A_25 : i32
      "tpu.region"() ({
        %run_scoped3A = tpu.sem_alloc : memref<!tpu.dma_semaphore, #tpu.memory_space<semaphore_mem>>
        %dma_start3A = arith.constant 0 : i32
        %dma_start3A_27 = tpu.memref_slice %arg9[%add3A_26, %dma_start3A] : memref<10240x8xf32, #tpu.memory_space<vmem_shared>> -> memref<128x8xf32, #tpu.memory_space<vmem_shared>>
        %dma_start3A_28 = arith.constant 0 : i32
        %dma_start3A_29 = tpu.memref_slice %arg9[%add3A_26, %dma_start3A_28] : memref<10240x8xf32, #tpu.memory_space<vmem_shared>> -> memref<128x8xf32, #tpu.memory_space<vmem_shared>>
        tpu.enqueue_dma source(%arg8 : memref<128x8xf32, #tpu.memory_space<vmem>>) target(%dma_start3A_29 : memref<128x8xf32, #tpu.memory_space<vmem_shared>>) target_semaphore(%run_scoped3A : memref<!tpu.dma_semaphore, #tpu.memory_space<semaphore_mem>>)
        %dma_wait3A = arith.constant 0 : i32
        %dma_wait3A_30 = tpu.memref_slice %arg9[%add3A_26, %dma_wait3A] : memref<10240x8xf32, #tpu.memory_space<vmem_shared>> -> memref<128x8xf32, #tpu.memory_space<vmem_shared>>
        %dma_wait3A_31 = arith.constant 0 : i32
        %dma_wait3A_32 = tpu.memref_slice %arg9[%add3A_26, %dma_wait3A_31] : memref<10240x8xf32, #tpu.memory_space<vmem_shared>> -> memref<128x8xf32, #tpu.memory_space<vmem_shared>>
        tpu.wait_dma2 semaphore(%run_scoped3A : memref<!tpu.dma_semaphore, #tpu.memory_space<semaphore_mem>>) src(%arg8 : memref<128x8xf32, #tpu.memory_space<vmem>>) dst(%dma_wait3A_32 : memref<128x8xf32, #tpu.memory_space<vmem_shared>>)
        tpu.yield
      }) : () -> ()
    }
    %scan3A_7 = arith.constant 5 : i32
    "tpu.region"() ({
      %run_scoped3A = tpu.sem_alloc : memref<!tpu.dma_semaphore, #tpu.memory_space<semaphore_mem>>
      tpu.enqueue_dma source(%arg3 : memref<128x8xf32, #tpu.memory_space<hbm>>) target(%arg7 : memref<128x8xf32, #tpu.memory_space<vmem>>) target_semaphore(%run_scoped3A : memref<!tpu.dma_semaphore, #tpu.memory_space<semaphore_mem>>)
      tpu.wait_dma2 semaphore(%run_scoped3A : memref<!tpu.dma_semaphore, #tpu.memory_space<semaphore_mem>>) src(%arg3 : memref<128x8xf32, #tpu.memory_space<hbm>>) dst(%arg7 : memref<128x8xf32, #tpu.memory_space<vmem>>)
      tpu.yield
    }) : () -> ()
    %mul3A_8 = arith.constant 80 : i32
    %mul3A_9 = arith.muli %add3A, %mul3A_8 : i32
    "tpu.region"() ({
      %run_scoped3A = tpu.sem_alloc : memref<!tpu.dma_semaphore, #tpu.memory_space<semaphore_mem>>
      %dma_start3A = arith.constant 0 : i32
      %dma_start3A_23 = tpu.memref_slice %arg2[%mul3A_9, %dma_start3A] : memref<2568x128xi32, #tpu.memory_space<hbm>> -> memref<80x128xi32, #tpu.memory_space<hbm>>
      %dma_start3A_24 = arith.constant 0 : i32
      %dma_start3A_25 = tpu.memref_slice %arg2[%mul3A_9, %dma_start3A_24] : memref<2568x128xi32, #tpu.memory_space<hbm>> -> memref<80x128xi32, #tpu.memory_space<hbm>>
      tpu.enqueue_dma source(%dma_start3A_25 : memref<80x128xi32, #tpu.memory_space<hbm>>) target(%arg6 : memref<80x128xi32, #tpu.memory_space<vmem>>) target_semaphore(%run_scoped3A : memref<!tpu.dma_semaphore, #tpu.memory_space<semaphore_mem>>)
      %dma_wait3A = arith.constant 0 : i32
      %dma_wait3A_26 = tpu.memref_slice %arg2[%mul3A_9, %dma_wait3A] : memref<2568x128xi32, #tpu.memory_space<hbm>> -> memref<80x128xi32, #tpu.memory_space<hbm>>
      %dma_wait3A_27 = arith.constant 0 : i32
      %dma_wait3A_28 = tpu.memref_slice %arg2[%mul3A_9, %dma_wait3A_27] : memref<2568x128xi32, #tpu.memory_space<hbm>> -> memref<80x128xi32, #tpu.memory_space<hbm>>
      tpu.wait_dma2 semaphore(%run_scoped3A : memref<!tpu.dma_semaphore, #tpu.memory_space<semaphore_mem>>) src(%dma_wait3A_28 : memref<80x128xi32, #tpu.memory_space<hbm>>) dst(%arg6 : memref<80x128xi32, #tpu.memory_space<vmem>>)
      tpu.yield
    }) : () -> ()
    %barrier3A = arith.constant 0 : index
    tpu.barrier barrier_id(%barrier3A)
    %scan3A_10 = arith.constant 0 : i32
    %scan3A_11 = arith.constant 0 : i32
    %scan3A_12 = arith.constant 80 : i32
    %scan3A_13 = arith.addi %scan3A_11, %scan3A_12 : i32
    %scan3A_14 = arith.constant 1 : i32
    scf.for %scan3A_23 = %scan3A_11 to %scan3A_13 step %scan3A_14  : i32 {
      "tpu.region"() ({
        %run_scoped3A = tpu.sem_alloc : memref<!tpu.dma_semaphore, #tpu.memory_space<semaphore_mem>>
        %dma_start3A = arith.constant 0 : i32
        %dma_start3A_24 = tpu.memref_slice %arg6[%scan3A_23, %dma_start3A] : memref<80x128xi32, #tpu.memory_space<vmem>> -> memref<1x128xi32, #tpu.memory_space<vmem>>
        %dma_start3A_25 = tpu.memref_squeeze %dma_start3A_24 : memref<1x128xi32, #tpu.memory_space<vmem>> -> memref<128xi32, #tpu.memory_space<vmem>>
        %dma_start3A_26 = arith.constant 0 : i32
        %dma_start3A_27 = arith.constant 0 : i32
        %dma_start3A_28 = tpu.memref_slice %arg9[%dma_start3A_26, %dma_start3A_27] : memref<10240x8xf32, #tpu.memory_space<vmem_shared>> -> memref<10240x8xf32, #tpu.memory_space<vmem_shared>>
        tpu.enqueue_indirect_dma source(%arg7 : memref<128x8xf32, #tpu.memory_space<vmem>>) target(%dma_start3A_28 : memref<10240x8xf32, #tpu.memory_space<vmem_shared>>) offsets(%dma_start3A_25 : memref<128xi32, #tpu.memory_space<vmem>>) semaphore(%run_scoped3A : memref<!tpu.dma_semaphore, #tpu.memory_space<semaphore_mem>>) {add = true}
        %dma_wait3A = arith.constant 0 : i32
        %dma_wait3A_29 = tpu.memref_slice %arg6[%scan3A_23, %dma_wait3A] : memref<80x128xi32, #tpu.memory_space<vmem>> -> memref<1x128xi32, #tpu.memory_space<vmem>>
        %dma_wait3A_30 = tpu.memref_squeeze %dma_wait3A_29 : memref<1x128xi32, #tpu.memory_space<vmem>> -> memref<128xi32, #tpu.memory_space<vmem>>
        %dma_wait3A_31 = arith.constant 0 : i32
        %dma_wait3A_32 = arith.constant 0 : i32
        %dma_wait3A_33 = tpu.memref_slice %arg9[%dma_wait3A_31, %dma_wait3A_32] : memref<10240x8xf32, #tpu.memory_space<vmem_shared>> -> memref<10240x8xf32, #tpu.memory_space<vmem_shared>>
        tpu.wait_indirect_dma semaphore(%run_scoped3A : memref<!tpu.dma_semaphore, #tpu.memory_space<semaphore_mem>>) src(%arg7 : memref<128x8xf32, #tpu.memory_space<vmem>>) dst(%dma_wait3A_33 : memref<10240x8xf32, #tpu.memory_space<vmem_shared>>)
        tpu.yield
      }) : () -> ()
    }
    %scan3A_15 = arith.constant 80 : i32
    %barrier3A_16 = arith.constant 0 : index
    tpu.barrier barrier_id(%barrier3A_16)
    %scan3A_17 = arith.constant 0 : i32
    %scan3A_18 = arith.constant 0 : i32
    %scan3A_19 = arith.constant 5 : i32
    %scan3A_20 = arith.addi %scan3A_18, %scan3A_19 : i32
    %scan3A_21 = arith.constant 1 : i32
    scf.for %scan3A_23 = %scan3A_18 to %scan3A_20 step %scan3A_21  : i32 {
      %mul3A_24 = arith.constant 128 : i32
      %mul3A_25 = arith.muli %scan3A_23, %mul3A_24 : i32
      %add3A_26 = arith.addi %mul3A_2, %mul3A_25 : i32
      "tpu.region"() ({
        %run_scoped3A = tpu.sem_alloc : memref<!tpu.dma_semaphore, #tpu.memory_space<semaphore_mem>>
        %dma_start3A = arith.constant 0 : i32
        %dma_start3A_27 = tpu.memref_slice %arg9[%add3A_26, %dma_start3A] : memref<10240x8xf32, #tpu.memory_space<vmem_shared>> -> memref<128x8xf32, #tpu.memory_space<vmem_shared>>
        %dma_start3A_28 = arith.constant 0 : i32
        %dma_start3A_29 = tpu.memref_slice %arg9[%add3A_26, %dma_start3A_28] : memref<10240x8xf32, #tpu.memory_space<vmem_shared>> -> memref<128x8xf32, #tpu.memory_space<vmem_shared>>
        tpu.enqueue_dma source(%dma_start3A_29 : memref<128x8xf32, #tpu.memory_space<vmem_shared>>) target(%arg8 : memref<128x8xf32, #tpu.memory_space<vmem>>) target_semaphore(%run_scoped3A : memref<!tpu.dma_semaphore, #tpu.memory_space<semaphore_mem>>)
        %dma_wait3A = arith.constant 0 : i32
        %dma_wait3A_30 = tpu.memref_slice %arg9[%add3A_26, %dma_wait3A] : memref<10240x8xf32, #tpu.memory_space<vmem_shared>> -> memref<128x8xf32, #tpu.memory_space<vmem_shared>>
        %dma_wait3A_31 = arith.constant 0 : i32
        %dma_wait3A_32 = tpu.memref_slice %arg9[%add3A_26, %dma_wait3A_31] : memref<10240x8xf32, #tpu.memory_space<vmem_shared>> -> memref<128x8xf32, #tpu.memory_space<vmem_shared>>
        tpu.wait_dma2 semaphore(%run_scoped3A : memref<!tpu.dma_semaphore, #tpu.memory_space<semaphore_mem>>) src(%dma_wait3A_32 : memref<128x8xf32, #tpu.memory_space<vmem_shared>>) dst(%arg8 : memref<128x8xf32, #tpu.memory_space<vmem>>)
        tpu.yield
      }) : () -> ()
      "tpu.region"() ({
        %run_scoped3A = tpu.sem_alloc : memref<!tpu.dma_semaphore, #tpu.memory_space<semaphore_mem>>
        %dma_start3A = arith.constant 0 : i32
        %dma_start3A_27 = tpu.memref_slice %arg5[%arg0, %add3A_26, %dma_start3A] : memref<2x10240x8xf32, #tpu.memory_space<hbm>> -> memref<1x128x8xf32, #tpu.memory_space<hbm>>
        %dma_start3A_28 = tpu.memref_squeeze %dma_start3A_27 : memref<1x128x8xf32, #tpu.memory_space<hbm>> -> memref<128x8xf32, #tpu.memory_space<hbm>>
        %dma_start3A_29 = arith.constant 0 : i32
        %dma_start3A_30 = tpu.memref_slice %arg5[%arg0, %add3A_26, %dma_start3A_29] : memref<2x10240x8xf32, #tpu.memory_space<hbm>> -> memref<1x128x8xf32, #tpu.memory_space<hbm>>
        %dma_start3A_31 = tpu.memref_squeeze %dma_start3A_30 : memref<1x128x8xf32, #tpu.memory_space<hbm>> -> memref<128x8xf32, #tpu.memory_space<hbm>>
        tpu.enqueue_dma source(%arg8 : memref<128x8xf32, #tpu.memory_space<vmem>>) target(%dma_start3A_31 : memref<128x8xf32, #tpu.memory_space<hbm>>) target_semaphore(%run_scoped3A : memref<!tpu.dma_semaphore, #tpu.memory_space<semaphore_mem>>)
        %dma_wait3A = arith.constant 0 : i32
        %dma_wait3A_32 = tpu.memref_slice %arg5[%arg0, %add3A_26, %dma_wait3A] : memref<2x10240x8xf32, #tpu.memory_space<hbm>> -> memref<1x128x8xf32, #tpu.memory_space<hbm>>
        %dma_wait3A_33 = tpu.memref_squeeze %dma_wait3A_32 : memref<1x128x8xf32, #tpu.memory_space<hbm>> -> memref<128x8xf32, #tpu.memory_space<hbm>>
        %dma_wait3A_34 = arith.constant 0 : i32
        %dma_wait3A_35 = tpu.memref_slice %arg5[%arg0, %add3A_26, %dma_wait3A_34] : memref<2x10240x8xf32, #tpu.memory_space<hbm>> -> memref<1x128x8xf32, #tpu.memory_space<hbm>>
        %dma_wait3A_36 = tpu.memref_squeeze %dma_wait3A_35 : memref<1x128x8xf32, #tpu.memory_space<hbm>> -> memref<128x8xf32, #tpu.memory_space<hbm>>
        tpu.wait_dma2 semaphore(%run_scoped3A : memref<!tpu.dma_semaphore, #tpu.memory_space<semaphore_mem>>) src(%arg8 : memref<128x8xf32, #tpu.memory_space<vmem>>) dst(%dma_wait3A_36 : memref<128x8xf32, #tpu.memory_space<hbm>>)
        tpu.yield
      }) : () -> ()
    }
    %scan3A_22 = arith.constant 5 : i32
    return
  }
}

#map = affine_map<(d0, d1) -> (0, 0)>
#map1 = affine_map<(d0, d1) -> (0, 0, 0)>
module attributes {stable_mosaic.version = 14 : i64} {
  func.func @agg_kernel(%arg0: i32, %arg1: i32, %arg2: memref<10240x32xf32, #tpu.memory_space<hbm>>, %arg3: memref<2568x128xi32, #tpu.memory_space<hbm>>, %arg4: memref<2568x128xi32, #tpu.memory_space<hbm>>, %arg5: memref<128x32xf32, #tpu.memory_space<hbm>>, %arg6: memref<2x10240x32xf32, #tpu.memory_space<hbm>>, %arg7: memref<88x128xi32, #tpu.memory_space<vmem>>, %arg8: memref<88x128xi32, #tpu.memory_space<vmem>>, %arg9: memref<128x32xf32, #tpu.memory_space<vmem>>, %arg10: memref<128x32xf32, #tpu.memory_space<vmem>>, %arg11: memref<128x32xf32, #tpu.memory_space<vmem>>, %arg12: memref<128x32xf32, #tpu.memory_space<vmem>>, %arg13: memref<128x32xf32, #tpu.memory_space<vmem>>, %arg14: memref<128x32xf32, #tpu.memory_space<vmem>>, %arg15: memref<128x32xf32, #tpu.memory_space<vmem>>, %arg16: memref<128x32xf32, #tpu.memory_space<vmem>>, %arg17: memref<128x32xf32, #tpu.memory_space<vmem>>, %arg18: memref<10240x32xf32, #tpu.memory_space<vmem_shared>>, %arg19: memref<10240x32xf32, #tpu.memory_space<vmem_shared>>, %arg20: memref<!tpu.dma_semaphore, #tpu.memory_space<semaphore_mem>>, %arg21: memref<!tpu.dma_semaphore, #tpu.memory_space<semaphore_mem>>, %arg22: memref<!tpu.dma_semaphore, #tpu.memory_space<semaphore_mem>>, %arg23: memref<!tpu.dma_semaphore, #tpu.memory_space<semaphore_mem>>, %arg24: memref<!tpu.dma_semaphore, #tpu.memory_space<semaphore_mem>>, %arg25: memref<!tpu.dma_semaphore, #tpu.memory_space<semaphore_mem>>, %arg26: memref<!tpu.dma_semaphore, #tpu.memory_space<semaphore_mem>>, %arg27: memref<!tpu.dma_semaphore, #tpu.memory_space<semaphore_mem>>) attributes {dimension_semantics = [#tpu.dimension_semantics<core_parallel>, #tpu.dimension_semantics<subcore_parallel>], iteration_bounds = array<i64: 2, 16>, scalar_prefetch = 0 : i64, scratch_operands = 21 : i64, tpu.core_type = #tpu.core_type<sc_vector_subcore>, window_params = [{transform_indices = #map}, {transform_indices = #map}, {transform_indices = #map}, {transform_indices = #map}, {transform_indices = #map1}]} {
    %mul3A = arith.constant 640 : i32
    %mul3A_0 = arith.muli %arg1, %mul3A : i32
    "tpu.region"() ({
      %run_scoped3A = tpu.sem_alloc : memref<!tpu.dma_semaphore, #tpu.memory_space<semaphore_mem>>
      tpu.enqueue_dma source(%arg5 : memref<128x32xf32, #tpu.memory_space<hbm>>) target(%arg17 : memref<128x32xf32, #tpu.memory_space<vmem>>) target_semaphore(%run_scoped3A : memref<!tpu.dma_semaphore, #tpu.memory_space<semaphore_mem>>)
      tpu.wait_dma2 semaphore(%run_scoped3A : memref<!tpu.dma_semaphore, #tpu.memory_space<semaphore_mem>>) src(%arg5 : memref<128x32xf32, #tpu.memory_space<hbm>>) dst(%arg17 : memref<128x32xf32, #tpu.memory_space<vmem>>)
      tpu.yield
    }) : () -> ()
    %scan3A = arith.constant 0 : i32
    %scan3A_1 = arith.constant 0 : i32
    %scan3A_2 = arith.constant 5 : i32
    %scan3A_3 = arith.addi %scan3A_1, %scan3A_2 : i32
    %scan3A_4 = arith.constant 1 : i32
    scf.for %scan3A_139 = %scan3A_1 to %scan3A_3 step %scan3A_4  : i32 {
      %mul3A_140 = arith.constant 128 : i32
      %mul3A_141 = arith.muli %scan3A_139, %mul3A_140 : i32
      %add3A_142 = arith.addi %mul3A_0, %mul3A_141 : i32
      "tpu.region"() ({
        %run_scoped3A = tpu.sem_alloc : memref<!tpu.dma_semaphore, #tpu.memory_space<semaphore_mem>>
        %dma_start3A_143 = arith.constant 0 : i32
        %dma_start3A_144 = tpu.memref_slice %arg18[%add3A_142, %dma_start3A_143] : memref<10240x32xf32, #tpu.memory_space<vmem_shared>> -> memref<128x32xf32, #tpu.memory_space<vmem_shared>>
        %dma_start3A_145 = arith.constant 0 : i32
        %dma_start3A_146 = tpu.memref_slice %arg18[%add3A_142, %dma_start3A_145] : memref<10240x32xf32, #tpu.memory_space<vmem_shared>> -> memref<128x32xf32, #tpu.memory_space<vmem_shared>>
        tpu.enqueue_dma source(%arg17 : memref<128x32xf32, #tpu.memory_space<vmem>>) target(%dma_start3A_146 : memref<128x32xf32, #tpu.memory_space<vmem_shared>>) target_semaphore(%run_scoped3A : memref<!tpu.dma_semaphore, #tpu.memory_space<semaphore_mem>>)
        %dma_wait3A_147 = arith.constant 0 : i32
        %dma_wait3A_148 = tpu.memref_slice %arg18[%add3A_142, %dma_wait3A_147] : memref<10240x32xf32, #tpu.memory_space<vmem_shared>> -> memref<128x32xf32, #tpu.memory_space<vmem_shared>>
        %dma_wait3A_149 = arith.constant 0 : i32
        %dma_wait3A_150 = tpu.memref_slice %arg18[%add3A_142, %dma_wait3A_149] : memref<10240x32xf32, #tpu.memory_space<vmem_shared>> -> memref<128x32xf32, #tpu.memory_space<vmem_shared>>
        tpu.wait_dma2 semaphore(%run_scoped3A : memref<!tpu.dma_semaphore, #tpu.memory_space<semaphore_mem>>) src(%arg17 : memref<128x32xf32, #tpu.memory_space<vmem>>) dst(%dma_wait3A_150 : memref<128x32xf32, #tpu.memory_space<vmem_shared>>)
        tpu.yield
      }) : () -> ()
    }
    %scan3A_5 = arith.constant 5 : i32
    %scan3A_6 = arith.constant 0 : i32
    %scan3A_7 = arith.constant 0 : i32
    %scan3A_8 = arith.constant 5 : i32
    %scan3A_9 = arith.addi %scan3A_7, %scan3A_8 : i32
    %scan3A_10 = arith.constant 1 : i32
    scf.for %scan3A_139 = %scan3A_7 to %scan3A_9 step %scan3A_10  : i32 {
      %mul3A_140 = arith.constant 128 : i32
      %mul3A_141 = arith.muli %scan3A_139, %mul3A_140 : i32
      %add3A_142 = arith.addi %mul3A_0, %mul3A_141 : i32
      "tpu.region"() ({
        %run_scoped3A = tpu.sem_alloc : memref<!tpu.dma_semaphore, #tpu.memory_space<semaphore_mem>>
        %dma_start3A_143 = arith.constant 0 : i32
        %dma_start3A_144 = tpu.memref_slice %arg2[%add3A_142, %dma_start3A_143] : memref<10240x32xf32, #tpu.memory_space<hbm>> -> memref<128x32xf32, #tpu.memory_space<hbm>>
        %dma_start3A_145 = arith.constant 0 : i32
        %dma_start3A_146 = tpu.memref_slice %arg2[%add3A_142, %dma_start3A_145] : memref<10240x32xf32, #tpu.memory_space<hbm>> -> memref<128x32xf32, #tpu.memory_space<hbm>>
        tpu.enqueue_dma source(%dma_start3A_146 : memref<128x32xf32, #tpu.memory_space<hbm>>) target(%arg9 : memref<128x32xf32, #tpu.memory_space<vmem>>) target_semaphore(%run_scoped3A : memref<!tpu.dma_semaphore, #tpu.memory_space<semaphore_mem>>)
        %dma_wait3A_147 = arith.constant 0 : i32
        %dma_wait3A_148 = tpu.memref_slice %arg2[%add3A_142, %dma_wait3A_147] : memref<10240x32xf32, #tpu.memory_space<hbm>> -> memref<128x32xf32, #tpu.memory_space<hbm>>
        %dma_wait3A_149 = arith.constant 0 : i32
        %dma_wait3A_150 = tpu.memref_slice %arg2[%add3A_142, %dma_wait3A_149] : memref<10240x32xf32, #tpu.memory_space<hbm>> -> memref<128x32xf32, #tpu.memory_space<hbm>>
        tpu.wait_dma2 semaphore(%run_scoped3A : memref<!tpu.dma_semaphore, #tpu.memory_space<semaphore_mem>>) src(%dma_wait3A_150 : memref<128x32xf32, #tpu.memory_space<hbm>>) dst(%arg9 : memref<128x32xf32, #tpu.memory_space<vmem>>)
        tpu.yield
      }) : () -> ()
      "tpu.region"() ({
        %run_scoped3A = tpu.sem_alloc : memref<!tpu.dma_semaphore, #tpu.memory_space<semaphore_mem>>
        %dma_start3A_143 = arith.constant 0 : i32
        %dma_start3A_144 = tpu.memref_slice %arg19[%add3A_142, %dma_start3A_143] : memref<10240x32xf32, #tpu.memory_space<vmem_shared>> -> memref<128x32xf32, #tpu.memory_space<vmem_shared>>
        %dma_start3A_145 = arith.constant 0 : i32
        %dma_start3A_146 = tpu.memref_slice %arg19[%add3A_142, %dma_start3A_145] : memref<10240x32xf32, #tpu.memory_space<vmem_shared>> -> memref<128x32xf32, #tpu.memory_space<vmem_shared>>
        tpu.enqueue_dma source(%arg9 : memref<128x32xf32, #tpu.memory_space<vmem>>) target(%dma_start3A_146 : memref<128x32xf32, #tpu.memory_space<vmem_shared>>) target_semaphore(%run_scoped3A : memref<!tpu.dma_semaphore, #tpu.memory_space<semaphore_mem>>)
        %dma_wait3A_147 = arith.constant 0 : i32
        %dma_wait3A_148 = tpu.memref_slice %arg19[%add3A_142, %dma_wait3A_147] : memref<10240x32xf32, #tpu.memory_space<vmem_shared>> -> memref<128x32xf32, #tpu.memory_space<vmem_shared>>
        %dma_wait3A_149 = arith.constant 0 : i32
        %dma_wait3A_150 = tpu.memref_slice %arg19[%add3A_142, %dma_wait3A_149] : memref<10240x32xf32, #tpu.memory_space<vmem_shared>> -> memref<128x32xf32, #tpu.memory_space<vmem_shared>>
        tpu.wait_dma2 semaphore(%run_scoped3A : memref<!tpu.dma_semaphore, #tpu.memory_space<semaphore_mem>>) src(%arg9 : memref<128x32xf32, #tpu.memory_space<vmem>>) dst(%dma_wait3A_150 : memref<128x32xf32, #tpu.memory_space<vmem_shared>>)
        tpu.yield
      }) : () -> ()
    }
    %scan3A_11 = arith.constant 5 : i32
    %mul3A_12 = arith.constant 16 : i32
    %mul3A_13 = arith.muli %arg0, %mul3A_12 : i32
    %add3A = arith.addi %mul3A_13, %arg1 : i32
    %mul3A_14 = arith.constant 80 : i32
    %mul3A_15 = arith.muli %add3A, %mul3A_14 : i32
    "tpu.region"() ({
      %run_scoped3A = tpu.sem_alloc : memref<!tpu.dma_semaphore, #tpu.memory_space<semaphore_mem>>
      %dma_start3A_139 = arith.constant 0 : i32
      %dma_start3A_140 = tpu.memref_slice %arg3[%mul3A_15, %dma_start3A_139] : memref<2568x128xi32, #tpu.memory_space<hbm>> -> memref<88x128xi32, #tpu.memory_space<hbm>>
      %dma_start3A_141 = arith.constant 0 : i32
      %dma_start3A_142 = tpu.memref_slice %arg3[%mul3A_15, %dma_start3A_141] : memref<2568x128xi32, #tpu.memory_space<hbm>> -> memref<88x128xi32, #tpu.memory_space<hbm>>
      tpu.enqueue_dma source(%dma_start3A_142 : memref<88x128xi32, #tpu.memory_space<hbm>>) target(%arg7 : memref<88x128xi32, #tpu.memory_space<vmem>>) target_semaphore(%run_scoped3A : memref<!tpu.dma_semaphore, #tpu.memory_space<semaphore_mem>>)
      %dma_wait3A_143 = arith.constant 0 : i32
      %dma_wait3A_144 = tpu.memref_slice %arg3[%mul3A_15, %dma_wait3A_143] : memref<2568x128xi32, #tpu.memory_space<hbm>> -> memref<88x128xi32, #tpu.memory_space<hbm>>
      %dma_wait3A_145 = arith.constant 0 : i32
      %dma_wait3A_146 = tpu.memref_slice %arg3[%mul3A_15, %dma_wait3A_145] : memref<2568x128xi32, #tpu.memory_space<hbm>> -> memref<88x128xi32, #tpu.memory_space<hbm>>
      tpu.wait_dma2 semaphore(%run_scoped3A : memref<!tpu.dma_semaphore, #tpu.memory_space<semaphore_mem>>) src(%dma_wait3A_146 : memref<88x128xi32, #tpu.memory_space<hbm>>) dst(%arg7 : memref<88x128xi32, #tpu.memory_space<vmem>>)
      tpu.yield
    }) : () -> ()
    "tpu.region"() ({
      %run_scoped3A = tpu.sem_alloc : memref<!tpu.dma_semaphore, #tpu.memory_space<semaphore_mem>>
      %dma_start3A_139 = arith.constant 0 : i32
      %dma_start3A_140 = tpu.memref_slice %arg4[%mul3A_15, %dma_start3A_139] : memref<2568x128xi32, #tpu.memory_space<hbm>> -> memref<88x128xi32, #tpu.memory_space<hbm>>
      %dma_start3A_141 = arith.constant 0 : i32
      %dma_start3A_142 = tpu.memref_slice %arg4[%mul3A_15, %dma_start3A_141] : memref<2568x128xi32, #tpu.memory_space<hbm>> -> memref<88x128xi32, #tpu.memory_space<hbm>>
      tpu.enqueue_dma source(%dma_start3A_142 : memref<88x128xi32, #tpu.memory_space<hbm>>) target(%arg8 : memref<88x128xi32, #tpu.memory_space<vmem>>) target_semaphore(%run_scoped3A : memref<!tpu.dma_semaphore, #tpu.memory_space<semaphore_mem>>)
      %dma_wait3A_143 = arith.constant 0 : i32
      %dma_wait3A_144 = tpu.memref_slice %arg4[%mul3A_15, %dma_wait3A_143] : memref<2568x128xi32, #tpu.memory_space<hbm>> -> memref<88x128xi32, #tpu.memory_space<hbm>>
      %dma_wait3A_145 = arith.constant 0 : i32
      %dma_wait3A_146 = tpu.memref_slice %arg4[%mul3A_15, %dma_wait3A_145] : memref<2568x128xi32, #tpu.memory_space<hbm>> -> memref<88x128xi32, #tpu.memory_space<hbm>>
      tpu.wait_dma2 semaphore(%run_scoped3A : memref<!tpu.dma_semaphore, #tpu.memory_space<semaphore_mem>>) src(%dma_wait3A_146 : memref<88x128xi32, #tpu.memory_space<hbm>>) dst(%arg8 : memref<88x128xi32, #tpu.memory_space<vmem>>)
      tpu.yield
    }) : () -> ()
    %barrier3A = arith.constant 0 : index
    tpu.barrier barrier_id(%barrier3A)
    %dma_start3A = arith.constant 0 : i32
    %dma_start3A_16 = arith.constant 0 : i32
    %dma_start3A_17 = tpu.memref_slice %arg7[%dma_start3A, %dma_start3A_16] : memref<88x128xi32, #tpu.memory_space<vmem>> -> memref<1x128xi32, #tpu.memory_space<vmem>>
    %dma_start3A_18 = tpu.memref_squeeze %dma_start3A_17 : memref<1x128xi32, #tpu.memory_space<vmem>> -> memref<128xi32, #tpu.memory_space<vmem>>
    %dma_start3A_19 = arith.constant 0 : i32
    %dma_start3A_20 = arith.constant 0 : i32
    %dma_start3A_21 = tpu.memref_slice %arg19[%dma_start3A_19, %dma_start3A_20] : memref<10240x32xf32, #tpu.memory_space<vmem_shared>> -> memref<10240x32xf32, #tpu.memory_space<vmem_shared>>
    tpu.enqueue_indirect_dma source(%dma_start3A_21 : memref<10240x32xf32, #tpu.memory_space<vmem_shared>>) target(%arg9 : memref<128x32xf32, #tpu.memory_space<vmem>>) offsets(%dma_start3A_18 : memref<128xi32, #tpu.memory_space<vmem>>) semaphore(%arg20 : memref<!tpu.dma_semaphore, #tpu.memory_space<semaphore_mem>>)
    %dma_start3A_22 = arith.constant 1 : i32
    %dma_start3A_23 = arith.constant 0 : i32
    %dma_start3A_24 = tpu.memref_slice %arg7[%dma_start3A_22, %dma_start3A_23] : memref<88x128xi32, #tpu.memory_space<vmem>> -> memref<1x128xi32, #tpu.memory_space<vmem>>
    %dma_start3A_25 = tpu.memref_squeeze %dma_start3A_24 : memref<1x128xi32, #tpu.memory_space<vmem>> -> memref<128xi32, #tpu.memory_space<vmem>>
    %dma_start3A_26 = arith.constant 0 : i32
    %dma_start3A_27 = arith.constant 0 : i32
    %dma_start3A_28 = tpu.memref_slice %arg19[%dma_start3A_26, %dma_start3A_27] : memref<10240x32xf32, #tpu.memory_space<vmem_shared>> -> memref<10240x32xf32, #tpu.memory_space<vmem_shared>>
    tpu.enqueue_indirect_dma source(%dma_start3A_28 : memref<10240x32xf32, #tpu.memory_space<vmem_shared>>) target(%arg10 : memref<128x32xf32, #tpu.memory_space<vmem>>) offsets(%dma_start3A_25 : memref<128xi32, #tpu.memory_space<vmem>>) semaphore(%arg21 : memref<!tpu.dma_semaphore, #tpu.memory_space<semaphore_mem>>)
    %dma_start3A_29 = arith.constant 2 : i32
    %dma_start3A_30 = arith.constant 0 : i32
    %dma_start3A_31 = tpu.memref_slice %arg7[%dma_start3A_29, %dma_start3A_30] : memref<88x128xi32, #tpu.memory_space<vmem>> -> memref<1x128xi32, #tpu.memory_space<vmem>>
    %dma_start3A_32 = tpu.memref_squeeze %dma_start3A_31 : memref<1x128xi32, #tpu.memory_space<vmem>> -> memref<128xi32, #tpu.memory_space<vmem>>
    %dma_start3A_33 = arith.constant 0 : i32
    %dma_start3A_34 = arith.constant 0 : i32
    %dma_start3A_35 = tpu.memref_slice %arg19[%dma_start3A_33, %dma_start3A_34] : memref<10240x32xf32, #tpu.memory_space<vmem_shared>> -> memref<10240x32xf32, #tpu.memory_space<vmem_shared>>
    tpu.enqueue_indirect_dma source(%dma_start3A_35 : memref<10240x32xf32, #tpu.memory_space<vmem_shared>>) target(%arg11 : memref<128x32xf32, #tpu.memory_space<vmem>>) offsets(%dma_start3A_32 : memref<128xi32, #tpu.memory_space<vmem>>) semaphore(%arg22 : memref<!tpu.dma_semaphore, #tpu.memory_space<semaphore_mem>>)
    %dma_start3A_36 = arith.constant 3 : i32
    %dma_start3A_37 = arith.constant 0 : i32
    %dma_start3A_38 = tpu.memref_slice %arg7[%dma_start3A_36, %dma_start3A_37] : memref<88x128xi32, #tpu.memory_space<vmem>> -> memref<1x128xi32, #tpu.memory_space<vmem>>
    %dma_start3A_39 = tpu.memref_squeeze %dma_start3A_38 : memref<1x128xi32, #tpu.memory_space<vmem>> -> memref<128xi32, #tpu.memory_space<vmem>>
    %dma_start3A_40 = arith.constant 0 : i32
    %dma_start3A_41 = arith.constant 0 : i32
    %dma_start3A_42 = tpu.memref_slice %arg19[%dma_start3A_40, %dma_start3A_41] : memref<10240x32xf32, #tpu.memory_space<vmem_shared>> -> memref<10240x32xf32, #tpu.memory_space<vmem_shared>>
    tpu.enqueue_indirect_dma source(%dma_start3A_42 : memref<10240x32xf32, #tpu.memory_space<vmem_shared>>) target(%arg12 : memref<128x32xf32, #tpu.memory_space<vmem>>) offsets(%dma_start3A_39 : memref<128xi32, #tpu.memory_space<vmem>>) semaphore(%arg23 : memref<!tpu.dma_semaphore, #tpu.memory_space<semaphore_mem>>)
    %dma_start3A_43 = arith.constant 4 : i32
    %dma_start3A_44 = arith.constant 0 : i32
    %dma_start3A_45 = tpu.memref_slice %arg7[%dma_start3A_43, %dma_start3A_44] : memref<88x128xi32, #tpu.memory_space<vmem>> -> memref<1x128xi32, #tpu.memory_space<vmem>>
    %dma_start3A_46 = tpu.memref_squeeze %dma_start3A_45 : memref<1x128xi32, #tpu.memory_space<vmem>> -> memref<128xi32, #tpu.memory_space<vmem>>
    %dma_start3A_47 = arith.constant 0 : i32
    %dma_start3A_48 = arith.constant 0 : i32
    %dma_start3A_49 = tpu.memref_slice %arg19[%dma_start3A_47, %dma_start3A_48] : memref<10240x32xf32, #tpu.memory_space<vmem_shared>> -> memref<10240x32xf32, #tpu.memory_space<vmem_shared>>
    tpu.enqueue_indirect_dma source(%dma_start3A_49 : memref<10240x32xf32, #tpu.memory_space<vmem_shared>>) target(%arg13 : memref<128x32xf32, #tpu.memory_space<vmem>>) offsets(%dma_start3A_46 : memref<128xi32, #tpu.memory_space<vmem>>) semaphore(%arg24 : memref<!tpu.dma_semaphore, #tpu.memory_space<semaphore_mem>>)
    %dma_start3A_50 = arith.constant 5 : i32
    %dma_start3A_51 = arith.constant 0 : i32
    %dma_start3A_52 = tpu.memref_slice %arg7[%dma_start3A_50, %dma_start3A_51] : memref<88x128xi32, #tpu.memory_space<vmem>> -> memref<1x128xi32, #tpu.memory_space<vmem>>
    %dma_start3A_53 = tpu.memref_squeeze %dma_start3A_52 : memref<1x128xi32, #tpu.memory_space<vmem>> -> memref<128xi32, #tpu.memory_space<vmem>>
    %dma_start3A_54 = arith.constant 0 : i32
    %dma_start3A_55 = arith.constant 0 : i32
    %dma_start3A_56 = tpu.memref_slice %arg19[%dma_start3A_54, %dma_start3A_55] : memref<10240x32xf32, #tpu.memory_space<vmem_shared>> -> memref<10240x32xf32, #tpu.memory_space<vmem_shared>>
    tpu.enqueue_indirect_dma source(%dma_start3A_56 : memref<10240x32xf32, #tpu.memory_space<vmem_shared>>) target(%arg14 : memref<128x32xf32, #tpu.memory_space<vmem>>) offsets(%dma_start3A_53 : memref<128xi32, #tpu.memory_space<vmem>>) semaphore(%arg25 : memref<!tpu.dma_semaphore, #tpu.memory_space<semaphore_mem>>)
    %dma_start3A_57 = arith.constant 6 : i32
    %dma_start3A_58 = arith.constant 0 : i32
    %dma_start3A_59 = tpu.memref_slice %arg7[%dma_start3A_57, %dma_start3A_58] : memref<88x128xi32, #tpu.memory_space<vmem>> -> memref<1x128xi32, #tpu.memory_space<vmem>>
    %dma_start3A_60 = tpu.memref_squeeze %dma_start3A_59 : memref<1x128xi32, #tpu.memory_space<vmem>> -> memref<128xi32, #tpu.memory_space<vmem>>
    %dma_start3A_61 = arith.constant 0 : i32
    %dma_start3A_62 = arith.constant 0 : i32
    %dma_start3A_63 = tpu.memref_slice %arg19[%dma_start3A_61, %dma_start3A_62] : memref<10240x32xf32, #tpu.memory_space<vmem_shared>> -> memref<10240x32xf32, #tpu.memory_space<vmem_shared>>
    tpu.enqueue_indirect_dma source(%dma_start3A_63 : memref<10240x32xf32, #tpu.memory_space<vmem_shared>>) target(%arg15 : memref<128x32xf32, #tpu.memory_space<vmem>>) offsets(%dma_start3A_60 : memref<128xi32, #tpu.memory_space<vmem>>) semaphore(%arg26 : memref<!tpu.dma_semaphore, #tpu.memory_space<semaphore_mem>>)
    %dma_start3A_64 = arith.constant 7 : i32
    %dma_start3A_65 = arith.constant 0 : i32
    %dma_start3A_66 = tpu.memref_slice %arg7[%dma_start3A_64, %dma_start3A_65] : memref<88x128xi32, #tpu.memory_space<vmem>> -> memref<1x128xi32, #tpu.memory_space<vmem>>
    %dma_start3A_67 = tpu.memref_squeeze %dma_start3A_66 : memref<1x128xi32, #tpu.memory_space<vmem>> -> memref<128xi32, #tpu.memory_space<vmem>>
    %dma_start3A_68 = arith.constant 0 : i32
    %dma_start3A_69 = arith.constant 0 : i32
    %dma_start3A_70 = tpu.memref_slice %arg19[%dma_start3A_68, %dma_start3A_69] : memref<10240x32xf32, #tpu.memory_space<vmem_shared>> -> memref<10240x32xf32, #tpu.memory_space<vmem_shared>>
    tpu.enqueue_indirect_dma source(%dma_start3A_70 : memref<10240x32xf32, #tpu.memory_space<vmem_shared>>) target(%arg16 : memref<128x32xf32, #tpu.memory_space<vmem>>) offsets(%dma_start3A_67 : memref<128xi32, #tpu.memory_space<vmem>>) semaphore(%arg27 : memref<!tpu.dma_semaphore, #tpu.memory_space<semaphore_mem>>)
    %scan3A_71 = arith.constant 0 : i32
    %scan3A_72 = arith.constant 0 : i32
    %scan3A_73 = arith.constant 10 : i32
    %scan3A_74 = arith.addi %scan3A_72, %scan3A_73 : i32
    %scan3A_75 = arith.constant 1 : i32
    scf.for %scan3A_139 = %scan3A_72 to %scan3A_74 step %scan3A_75  : i32 {
      %mul3A_140 = arith.constant 8 : i32
      %mul3A_141 = arith.muli %scan3A_139, %mul3A_140 : i32
      %add3A_142 = arith.constant 0 : i32
      %add3A_143 = arith.addi %mul3A_141, %add3A_142 : i32
      %dma_wait3A_144 = arith.constant 0 : i32
      %dma_wait3A_145 = tpu.memref_slice %arg7[%add3A_143, %dma_wait3A_144] : memref<88x128xi32, #tpu.memory_space<vmem>> -> memref<1x128xi32, #tpu.memory_space<vmem>>
      %dma_wait3A_146 = tpu.memref_squeeze %dma_wait3A_145 : memref<1x128xi32, #tpu.memory_space<vmem>> -> memref<128xi32, #tpu.memory_space<vmem>>
      %dma_wait3A_147 = arith.constant 0 : i32
      %dma_wait3A_148 = arith.constant 0 : i32
      %dma_wait3A_149 = tpu.memref_slice %arg19[%dma_wait3A_147, %dma_wait3A_148] : memref<10240x32xf32, #tpu.memory_space<vmem_shared>> -> memref<10240x32xf32, #tpu.memory_space<vmem_shared>>
      tpu.wait_indirect_dma semaphore(%arg20 : memref<!tpu.dma_semaphore, #tpu.memory_space<semaphore_mem>>) src(%dma_wait3A_149 : memref<10240x32xf32, #tpu.memory_space<vmem_shared>>) dst(%arg9 : memref<128x32xf32, #tpu.memory_space<vmem>>)
      "tpu.region"() ({
        %run_scoped3A = tpu.sem_alloc : memref<!tpu.dma_semaphore, #tpu.memory_space<semaphore_mem>>
        %dma_start3A_284 = arith.constant 0 : i32
        %dma_start3A_285 = tpu.memref_slice %arg8[%add3A_143, %dma_start3A_284] : memref<88x128xi32, #tpu.memory_space<vmem>> -> memref<1x128xi32, #tpu.memory_space<vmem>>
        %dma_start3A_286 = tpu.memref_squeeze %dma_start3A_285 : memref<1x128xi32, #tpu.memory_space<vmem>> -> memref<128xi32, #tpu.memory_space<vmem>>
        %dma_start3A_287 = arith.constant 0 : i32
        %dma_start3A_288 = arith.constant 0 : i32
        %dma_start3A_289 = tpu.memref_slice %arg18[%dma_start3A_287, %dma_start3A_288] : memref<10240x32xf32, #tpu.memory_space<vmem_shared>> -> memref<10240x32xf32, #tpu.memory_space<vmem_shared>>
        tpu.enqueue_indirect_dma source(%arg9 : memref<128x32xf32, #tpu.memory_space<vmem>>) target(%dma_start3A_289 : memref<10240x32xf32, #tpu.memory_space<vmem_shared>>) offsets(%dma_start3A_286 : memref<128xi32, #tpu.memory_space<vmem>>) semaphore(%run_scoped3A : memref<!tpu.dma_semaphore, #tpu.memory_space<semaphore_mem>>) {add = true}
        %dma_wait3A_290 = arith.constant 0 : i32
        %dma_wait3A_291 = tpu.memref_slice %arg8[%add3A_143, %dma_wait3A_290] : memref<88x128xi32, #tpu.memory_space<vmem>> -> memref<1x128xi32, #tpu.memory_space<vmem>>
        %dma_wait3A_292 = tpu.memref_squeeze %dma_wait3A_291 : memref<1x128xi32, #tpu.memory_space<vmem>> -> memref<128xi32, #tpu.memory_space<vmem>>
        %dma_wait3A_293 = arith.constant 0 : i32
        %dma_wait3A_294 = arith.constant 0 : i32
        %dma_wait3A_295 = tpu.memref_slice %arg18[%dma_wait3A_293, %dma_wait3A_294] : memref<10240x32xf32, #tpu.memory_space<vmem_shared>> -> memref<10240x32xf32, #tpu.memory_space<vmem_shared>>
        tpu.wait_indirect_dma semaphore(%run_scoped3A : memref<!tpu.dma_semaphore, #tpu.memory_space<semaphore_mem>>) src(%arg9 : memref<128x32xf32, #tpu.memory_space<vmem>>) dst(%dma_wait3A_295 : memref<10240x32xf32, #tpu.memory_space<vmem_shared>>)
        tpu.yield
      }) : () -> ()
      %add3A_150 = arith.constant 8 : i32
      %add3A_151 = arith.addi %add3A_143, %add3A_150 : i32
      %dma_start3A_152 = arith.constant 0 : i32
      %dma_start3A_153 = tpu.memref_slice %arg7[%add3A_151, %dma_start3A_152] : memref<88x128xi32, #tpu.memory_space<vmem>> -> memref<1x128xi32, #tpu.memory_space<vmem>>
      %dma_start3A_154 = tpu.memref_squeeze %dma_start3A_153 : memref<1x128xi32, #tpu.memory_space<vmem>> -> memref<128xi32, #tpu.memory_space<vmem>>
      %dma_start3A_155 = arith.constant 0 : i32
      %dma_start3A_156 = arith.constant 0 : i32
      %dma_start3A_157 = tpu.memref_slice %arg19[%dma_start3A_155, %dma_start3A_156] : memref<10240x32xf32, #tpu.memory_space<vmem_shared>> -> memref<10240x32xf32, #tpu.memory_space<vmem_shared>>
      tpu.enqueue_indirect_dma source(%dma_start3A_157 : memref<10240x32xf32, #tpu.memory_space<vmem_shared>>) target(%arg9 : memref<128x32xf32, #tpu.memory_space<vmem>>) offsets(%dma_start3A_154 : memref<128xi32, #tpu.memory_space<vmem>>) semaphore(%arg20 : memref<!tpu.dma_semaphore, #tpu.memory_space<semaphore_mem>>)
      %mul3A_158 = arith.constant 8 : i32
      %mul3A_159 = arith.muli %scan3A_139, %mul3A_158 : i32
      %add3A_160 = arith.constant 1 : i32
      %add3A_161 = arith.addi %mul3A_159, %add3A_160 : i32
      %dma_wait3A_162 = arith.constant 0 : i32
      %dma_wait3A_163 = tpu.memref_slice %arg7[%add3A_161, %dma_wait3A_162] : memref<88x128xi32, #tpu.memory_space<vmem>> -> memref<1x128xi32, #tpu.memory_space<vmem>>
      %dma_wait3A_164 = tpu.memref_squeeze %dma_wait3A_163 : memref<1x128xi32, #tpu.memory_space<vmem>> -> memref<128xi32, #tpu.memory_space<vmem>>
      %dma_wait3A_165 = arith.constant 0 : i32
      %dma_wait3A_166 = arith.constant 0 : i32
      %dma_wait3A_167 = tpu.memref_slice %arg19[%dma_wait3A_165, %dma_wait3A_166] : memref<10240x32xf32, #tpu.memory_space<vmem_shared>> -> memref<10240x32xf32, #tpu.memory_space<vmem_shared>>
      tpu.wait_indirect_dma semaphore(%arg21 : memref<!tpu.dma_semaphore, #tpu.memory_space<semaphore_mem>>) src(%dma_wait3A_167 : memref<10240x32xf32, #tpu.memory_space<vmem_shared>>) dst(%arg10 : memref<128x32xf32, #tpu.memory_space<vmem>>)
      "tpu.region"() ({
        %run_scoped3A = tpu.sem_alloc : memref<!tpu.dma_semaphore, #tpu.memory_space<semaphore_mem>>
        %dma_start3A_284 = arith.constant 0 : i32
        %dma_start3A_285 = tpu.memref_slice %arg8[%add3A_161, %dma_start3A_284] : memref<88x128xi32, #tpu.memory_space<vmem>> -> memref<1x128xi32, #tpu.memory_space<vmem>>
        %dma_start3A_286 = tpu.memref_squeeze %dma_start3A_285 : memref<1x128xi32, #tpu.memory_space<vmem>> -> memref<128xi32, #tpu.memory_space<vmem>>
        %dma_start3A_287 = arith.constant 0 : i32
        %dma_start3A_288 = arith.constant 0 : i32
        %dma_start3A_289 = tpu.memref_slice %arg18[%dma_start3A_287, %dma_start3A_288] : memref<10240x32xf32, #tpu.memory_space<vmem_shared>> -> memref<10240x32xf32, #tpu.memory_space<vmem_shared>>
        tpu.enqueue_indirect_dma source(%arg10 : memref<128x32xf32, #tpu.memory_space<vmem>>) target(%dma_start3A_289 : memref<10240x32xf32, #tpu.memory_space<vmem_shared>>) offsets(%dma_start3A_286 : memref<128xi32, #tpu.memory_space<vmem>>) semaphore(%run_scoped3A : memref<!tpu.dma_semaphore, #tpu.memory_space<semaphore_mem>>) {add = true}
        %dma_wait3A_290 = arith.constant 0 : i32
        %dma_wait3A_291 = tpu.memref_slice %arg8[%add3A_161, %dma_wait3A_290] : memref<88x128xi32, #tpu.memory_space<vmem>> -> memref<1x128xi32, #tpu.memory_space<vmem>>
        %dma_wait3A_292 = tpu.memref_squeeze %dma_wait3A_291 : memref<1x128xi32, #tpu.memory_space<vmem>> -> memref<128xi32, #tpu.memory_space<vmem>>
        %dma_wait3A_293 = arith.constant 0 : i32
        %dma_wait3A_294 = arith.constant 0 : i32
        %dma_wait3A_295 = tpu.memref_slice %arg18[%dma_wait3A_293, %dma_wait3A_294] : memref<10240x32xf32, #tpu.memory_space<vmem_shared>> -> memref<10240x32xf32, #tpu.memory_space<vmem_shared>>
        tpu.wait_indirect_dma semaphore(%run_scoped3A : memref<!tpu.dma_semaphore, #tpu.memory_space<semaphore_mem>>) src(%arg10 : memref<128x32xf32, #tpu.memory_space<vmem>>) dst(%dma_wait3A_295 : memref<10240x32xf32, #tpu.memory_space<vmem_shared>>)
        tpu.yield
      }) : () -> ()
      %add3A_168 = arith.constant 8 : i32
      %add3A_169 = arith.addi %add3A_161, %add3A_168 : i32
      %dma_start3A_170 = arith.constant 0 : i32
      %dma_start3A_171 = tpu.memref_slice %arg7[%add3A_169, %dma_start3A_170] : memref<88x128xi32, #tpu.memory_space<vmem>> -> memref<1x128xi32, #tpu.memory_space<vmem>>
      %dma_start3A_172 = tpu.memref_squeeze %dma_start3A_171 : memref<1x128xi32, #tpu.memory_space<vmem>> -> memref<128xi32, #tpu.memory_space<vmem>>
      %dma_start3A_173 = arith.constant 0 : i32
      %dma_start3A_174 = arith.constant 0 : i32
      %dma_start3A_175 = tpu.memref_slice %arg19[%dma_start3A_173, %dma_start3A_174] : memref<10240x32xf32, #tpu.memory_space<vmem_shared>> -> memref<10240x32xf32, #tpu.memory_space<vmem_shared>>
      tpu.enqueue_indirect_dma source(%dma_start3A_175 : memref<10240x32xf32, #tpu.memory_space<vmem_shared>>) target(%arg10 : memref<128x32xf32, #tpu.memory_space<vmem>>) offsets(%dma_start3A_172 : memref<128xi32, #tpu.memory_space<vmem>>) semaphore(%arg21 : memref<!tpu.dma_semaphore, #tpu.memory_space<semaphore_mem>>)
      %mul3A_176 = arith.constant 8 : i32
      %mul3A_177 = arith.muli %scan3A_139, %mul3A_176 : i32
      %add3A_178 = arith.constant 2 : i32
      %add3A_179 = arith.addi %mul3A_177, %add3A_178 : i32
      %dma_wait3A_180 = arith.constant 0 : i32
      %dma_wait3A_181 = tpu.memref_slice %arg7[%add3A_179, %dma_wait3A_180] : memref<88x128xi32, #tpu.memory_space<vmem>> -> memref<1x128xi32, #tpu.memory_space<vmem>>
      %dma_wait3A_182 = tpu.memref_squeeze %dma_wait3A_181 : memref<1x128xi32, #tpu.memory_space<vmem>> -> memref<128xi32, #tpu.memory_space<vmem>>
      %dma_wait3A_183 = arith.constant 0 : i32
      %dma_wait3A_184 = arith.constant 0 : i32
      %dma_wait3A_185 = tpu.memref_slice %arg19[%dma_wait3A_183, %dma_wait3A_184] : memref<10240x32xf32, #tpu.memory_space<vmem_shared>> -> memref<10240x32xf32, #tpu.memory_space<vmem_shared>>
      tpu.wait_indirect_dma semaphore(%arg22 : memref<!tpu.dma_semaphore, #tpu.memory_space<semaphore_mem>>) src(%dma_wait3A_185 : memref<10240x32xf32, #tpu.memory_space<vmem_shared>>) dst(%arg11 : memref<128x32xf32, #tpu.memory_space<vmem>>)
      "tpu.region"() ({
        %run_scoped3A = tpu.sem_alloc : memref<!tpu.dma_semaphore, #tpu.memory_space<semaphore_mem>>
        %dma_start3A_284 = arith.constant 0 : i32
        %dma_start3A_285 = tpu.memref_slice %arg8[%add3A_179, %dma_start3A_284] : memref<88x128xi32, #tpu.memory_space<vmem>> -> memref<1x128xi32, #tpu.memory_space<vmem>>
        %dma_start3A_286 = tpu.memref_squeeze %dma_start3A_285 : memref<1x128xi32, #tpu.memory_space<vmem>> -> memref<128xi32, #tpu.memory_space<vmem>>
        %dma_start3A_287 = arith.constant 0 : i32
        %dma_start3A_288 = arith.constant 0 : i32
        %dma_start3A_289 = tpu.memref_slice %arg18[%dma_start3A_287, %dma_start3A_288] : memref<10240x32xf32, #tpu.memory_space<vmem_shared>> -> memref<10240x32xf32, #tpu.memory_space<vmem_shared>>
        tpu.enqueue_indirect_dma source(%arg11 : memref<128x32xf32, #tpu.memory_space<vmem>>) target(%dma_start3A_289 : memref<10240x32xf32, #tpu.memory_space<vmem_shared>>) offsets(%dma_start3A_286 : memref<128xi32, #tpu.memory_space<vmem>>) semaphore(%run_scoped3A : memref<!tpu.dma_semaphore, #tpu.memory_space<semaphore_mem>>) {add = true}
        %dma_wait3A_290 = arith.constant 0 : i32
        %dma_wait3A_291 = tpu.memref_slice %arg8[%add3A_179, %dma_wait3A_290] : memref<88x128xi32, #tpu.memory_space<vmem>> -> memref<1x128xi32, #tpu.memory_space<vmem>>
        %dma_wait3A_292 = tpu.memref_squeeze %dma_wait3A_291 : memref<1x128xi32, #tpu.memory_space<vmem>> -> memref<128xi32, #tpu.memory_space<vmem>>
        %dma_wait3A_293 = arith.constant 0 : i32
        %dma_wait3A_294 = arith.constant 0 : i32
        %dma_wait3A_295 = tpu.memref_slice %arg18[%dma_wait3A_293, %dma_wait3A_294] : memref<10240x32xf32, #tpu.memory_space<vmem_shared>> -> memref<10240x32xf32, #tpu.memory_space<vmem_shared>>
        tpu.wait_indirect_dma semaphore(%run_scoped3A : memref<!tpu.dma_semaphore, #tpu.memory_space<semaphore_mem>>) src(%arg11 : memref<128x32xf32, #tpu.memory_space<vmem>>) dst(%dma_wait3A_295 : memref<10240x32xf32, #tpu.memory_space<vmem_shared>>)
        tpu.yield
      }) : () -> ()
      %add3A_186 = arith.constant 8 : i32
      %add3A_187 = arith.addi %add3A_179, %add3A_186 : i32
      %dma_start3A_188 = arith.constant 0 : i32
      %dma_start3A_189 = tpu.memref_slice %arg7[%add3A_187, %dma_start3A_188] : memref<88x128xi32, #tpu.memory_space<vmem>> -> memref<1x128xi32, #tpu.memory_space<vmem>>
      %dma_start3A_190 = tpu.memref_squeeze %dma_start3A_189 : memref<1x128xi32, #tpu.memory_space<vmem>> -> memref<128xi32, #tpu.memory_space<vmem>>
      %dma_start3A_191 = arith.constant 0 : i32
      %dma_start3A_192 = arith.constant 0 : i32
      %dma_start3A_193 = tpu.memref_slice %arg19[%dma_start3A_191, %dma_start3A_192] : memref<10240x32xf32, #tpu.memory_space<vmem_shared>> -> memref<10240x32xf32, #tpu.memory_space<vmem_shared>>
      tpu.enqueue_indirect_dma source(%dma_start3A_193 : memref<10240x32xf32, #tpu.memory_space<vmem_shared>>) target(%arg11 : memref<128x32xf32, #tpu.memory_space<vmem>>) offsets(%dma_start3A_190 : memref<128xi32, #tpu.memory_space<vmem>>) semaphore(%arg22 : memref<!tpu.dma_semaphore, #tpu.memory_space<semaphore_mem>>)
      %mul3A_194 = arith.constant 8 : i32
      %mul3A_195 = arith.muli %scan3A_139, %mul3A_194 : i32
      %add3A_196 = arith.constant 3 : i32
      %add3A_197 = arith.addi %mul3A_195, %add3A_196 : i32
      %dma_wait3A_198 = arith.constant 0 : i32
      %dma_wait3A_199 = tpu.memref_slice %arg7[%add3A_197, %dma_wait3A_198] : memref<88x128xi32, #tpu.memory_space<vmem>> -> memref<1x128xi32, #tpu.memory_space<vmem>>
      %dma_wait3A_200 = tpu.memref_squeeze %dma_wait3A_199 : memref<1x128xi32, #tpu.memory_space<vmem>> -> memref<128xi32, #tpu.memory_space<vmem>>
      %dma_wait3A_201 = arith.constant 0 : i32
      %dma_wait3A_202 = arith.constant 0 : i32
      %dma_wait3A_203 = tpu.memref_slice %arg19[%dma_wait3A_201, %dma_wait3A_202] : memref<10240x32xf32, #tpu.memory_space<vmem_shared>> -> memref<10240x32xf32, #tpu.memory_space<vmem_shared>>
      tpu.wait_indirect_dma semaphore(%arg23 : memref<!tpu.dma_semaphore, #tpu.memory_space<semaphore_mem>>) src(%dma_wait3A_203 : memref<10240x32xf32, #tpu.memory_space<vmem_shared>>) dst(%arg12 : memref<128x32xf32, #tpu.memory_space<vmem>>)
      "tpu.region"() ({
        %run_scoped3A = tpu.sem_alloc : memref<!tpu.dma_semaphore, #tpu.memory_space<semaphore_mem>>
        %dma_start3A_284 = arith.constant 0 : i32
        %dma_start3A_285 = tpu.memref_slice %arg8[%add3A_197, %dma_start3A_284] : memref<88x128xi32, #tpu.memory_space<vmem>> -> memref<1x128xi32, #tpu.memory_space<vmem>>
        %dma_start3A_286 = tpu.memref_squeeze %dma_start3A_285 : memref<1x128xi32, #tpu.memory_space<vmem>> -> memref<128xi32, #tpu.memory_space<vmem>>
        %dma_start3A_287 = arith.constant 0 : i32
        %dma_start3A_288 = arith.constant 0 : i32
        %dma_start3A_289 = tpu.memref_slice %arg18[%dma_start3A_287, %dma_start3A_288] : memref<10240x32xf32, #tpu.memory_space<vmem_shared>> -> memref<10240x32xf32, #tpu.memory_space<vmem_shared>>
        tpu.enqueue_indirect_dma source(%arg12 : memref<128x32xf32, #tpu.memory_space<vmem>>) target(%dma_start3A_289 : memref<10240x32xf32, #tpu.memory_space<vmem_shared>>) offsets(%dma_start3A_286 : memref<128xi32, #tpu.memory_space<vmem>>) semaphore(%run_scoped3A : memref<!tpu.dma_semaphore, #tpu.memory_space<semaphore_mem>>) {add = true}
        %dma_wait3A_290 = arith.constant 0 : i32
        %dma_wait3A_291 = tpu.memref_slice %arg8[%add3A_197, %dma_wait3A_290] : memref<88x128xi32, #tpu.memory_space<vmem>> -> memref<1x128xi32, #tpu.memory_space<vmem>>
        %dma_wait3A_292 = tpu.memref_squeeze %dma_wait3A_291 : memref<1x128xi32, #tpu.memory_space<vmem>> -> memref<128xi32, #tpu.memory_space<vmem>>
        %dma_wait3A_293 = arith.constant 0 : i32
        %dma_wait3A_294 = arith.constant 0 : i32
        %dma_wait3A_295 = tpu.memref_slice %arg18[%dma_wait3A_293, %dma_wait3A_294] : memref<10240x32xf32, #tpu.memory_space<vmem_shared>> -> memref<10240x32xf32, #tpu.memory_space<vmem_shared>>
        tpu.wait_indirect_dma semaphore(%run_scoped3A : memref<!tpu.dma_semaphore, #tpu.memory_space<semaphore_mem>>) src(%arg12 : memref<128x32xf32, #tpu.memory_space<vmem>>) dst(%dma_wait3A_295 : memref<10240x32xf32, #tpu.memory_space<vmem_shared>>)
        tpu.yield
      }) : () -> ()
      %add3A_204 = arith.constant 8 : i32
      %add3A_205 = arith.addi %add3A_197, %add3A_204 : i32
      %dma_start3A_206 = arith.constant 0 : i32
      %dma_start3A_207 = tpu.memref_slice %arg7[%add3A_205, %dma_start3A_206] : memref<88x128xi32, #tpu.memory_space<vmem>> -> memref<1x128xi32, #tpu.memory_space<vmem>>
      %dma_start3A_208 = tpu.memref_squeeze %dma_start3A_207 : memref<1x128xi32, #tpu.memory_space<vmem>> -> memref<128xi32, #tpu.memory_space<vmem>>
      %dma_start3A_209 = arith.constant 0 : i32
      %dma_start3A_210 = arith.constant 0 : i32
      %dma_start3A_211 = tpu.memref_slice %arg19[%dma_start3A_209, %dma_start3A_210] : memref<10240x32xf32, #tpu.memory_space<vmem_shared>> -> memref<10240x32xf32, #tpu.memory_space<vmem_shared>>
      tpu.enqueue_indirect_dma source(%dma_start3A_211 : memref<10240x32xf32, #tpu.memory_space<vmem_shared>>) target(%arg12 : memref<128x32xf32, #tpu.memory_space<vmem>>) offsets(%dma_start3A_208 : memref<128xi32, #tpu.memory_space<vmem>>) semaphore(%arg23 : memref<!tpu.dma_semaphore, #tpu.memory_space<semaphore_mem>>)
      %mul3A_212 = arith.constant 8 : i32
      %mul3A_213 = arith.muli %scan3A_139, %mul3A_212 : i32
      %add3A_214 = arith.constant 4 : i32
      %add3A_215 = arith.addi %mul3A_213, %add3A_214 : i32
      %dma_wait3A_216 = arith.constant 0 : i32
      %dma_wait3A_217 = tpu.memref_slice %arg7[%add3A_215, %dma_wait3A_216] : memref<88x128xi32, #tpu.memory_space<vmem>> -> memref<1x128xi32, #tpu.memory_space<vmem>>
      %dma_wait3A_218 = tpu.memref_squeeze %dma_wait3A_217 : memref<1x128xi32, #tpu.memory_space<vmem>> -> memref<128xi32, #tpu.memory_space<vmem>>
      %dma_wait3A_219 = arith.constant 0 : i32
      %dma_wait3A_220 = arith.constant 0 : i32
      %dma_wait3A_221 = tpu.memref_slice %arg19[%dma_wait3A_219, %dma_wait3A_220] : memref<10240x32xf32, #tpu.memory_space<vmem_shared>> -> memref<10240x32xf32, #tpu.memory_space<vmem_shared>>
      tpu.wait_indirect_dma semaphore(%arg24 : memref<!tpu.dma_semaphore, #tpu.memory_space<semaphore_mem>>) src(%dma_wait3A_221 : memref<10240x32xf32, #tpu.memory_space<vmem_shared>>) dst(%arg13 : memref<128x32xf32, #tpu.memory_space<vmem>>)
      "tpu.region"() ({
        %run_scoped3A = tpu.sem_alloc : memref<!tpu.dma_semaphore, #tpu.memory_space<semaphore_mem>>
        %dma_start3A_284 = arith.constant 0 : i32
        %dma_start3A_285 = tpu.memref_slice %arg8[%add3A_215, %dma_start3A_284] : memref<88x128xi32, #tpu.memory_space<vmem>> -> memref<1x128xi32, #tpu.memory_space<vmem>>
        %dma_start3A_286 = tpu.memref_squeeze %dma_start3A_285 : memref<1x128xi32, #tpu.memory_space<vmem>> -> memref<128xi32, #tpu.memory_space<vmem>>
        %dma_start3A_287 = arith.constant 0 : i32
        %dma_start3A_288 = arith.constant 0 : i32
        %dma_start3A_289 = tpu.memref_slice %arg18[%dma_start3A_287, %dma_start3A_288] : memref<10240x32xf32, #tpu.memory_space<vmem_shared>> -> memref<10240x32xf32, #tpu.memory_space<vmem_shared>>
        tpu.enqueue_indirect_dma source(%arg13 : memref<128x32xf32, #tpu.memory_space<vmem>>) target(%dma_start3A_289 : memref<10240x32xf32, #tpu.memory_space<vmem_shared>>) offsets(%dma_start3A_286 : memref<128xi32, #tpu.memory_space<vmem>>) semaphore(%run_scoped3A : memref<!tpu.dma_semaphore, #tpu.memory_space<semaphore_mem>>) {add = true}
        %dma_wait3A_290 = arith.constant 0 : i32
        %dma_wait3A_291 = tpu.memref_slice %arg8[%add3A_215, %dma_wait3A_290] : memref<88x128xi32, #tpu.memory_space<vmem>> -> memref<1x128xi32, #tpu.memory_space<vmem>>
        %dma_wait3A_292 = tpu.memref_squeeze %dma_wait3A_291 : memref<1x128xi32, #tpu.memory_space<vmem>> -> memref<128xi32, #tpu.memory_space<vmem>>
        %dma_wait3A_293 = arith.constant 0 : i32
        %dma_wait3A_294 = arith.constant 0 : i32
        %dma_wait3A_295 = tpu.memref_slice %arg18[%dma_wait3A_293, %dma_wait3A_294] : memref<10240x32xf32, #tpu.memory_space<vmem_shared>> -> memref<10240x32xf32, #tpu.memory_space<vmem_shared>>
        tpu.wait_indirect_dma semaphore(%run_scoped3A : memref<!tpu.dma_semaphore, #tpu.memory_space<semaphore_mem>>) src(%arg13 : memref<128x32xf32, #tpu.memory_space<vmem>>) dst(%dma_wait3A_295 : memref<10240x32xf32, #tpu.memory_space<vmem_shared>>)
        tpu.yield
      }) : () -> ()
      %add3A_222 = arith.constant 8 : i32
      %add3A_223 = arith.addi %add3A_215, %add3A_222 : i32
      %dma_start3A_224 = arith.constant 0 : i32
      %dma_start3A_225 = tpu.memref_slice %arg7[%add3A_223, %dma_start3A_224] : memref<88x128xi32, #tpu.memory_space<vmem>> -> memref<1x128xi32, #tpu.memory_space<vmem>>
      %dma_start3A_226 = tpu.memref_squeeze %dma_start3A_225 : memref<1x128xi32, #tpu.memory_space<vmem>> -> memref<128xi32, #tpu.memory_space<vmem>>
      %dma_start3A_227 = arith.constant 0 : i32
      %dma_start3A_228 = arith.constant 0 : i32
      %dma_start3A_229 = tpu.memref_slice %arg19[%dma_start3A_227, %dma_start3A_228] : memref<10240x32xf32, #tpu.memory_space<vmem_shared>> -> memref<10240x32xf32, #tpu.memory_space<vmem_shared>>
      tpu.enqueue_indirect_dma source(%dma_start3A_229 : memref<10240x32xf32, #tpu.memory_space<vmem_shared>>) target(%arg13 : memref<128x32xf32, #tpu.memory_space<vmem>>) offsets(%dma_start3A_226 : memref<128xi32, #tpu.memory_space<vmem>>) semaphore(%arg24 : memref<!tpu.dma_semaphore, #tpu.memory_space<semaphore_mem>>)
      %mul3A_230 = arith.constant 8 : i32
      %mul3A_231 = arith.muli %scan3A_139, %mul3A_230 : i32
      %add3A_232 = arith.constant 5 : i32
      %add3A_233 = arith.addi %mul3A_231, %add3A_232 : i32
      %dma_wait3A_234 = arith.constant 0 : i32
      %dma_wait3A_235 = tpu.memref_slice %arg7[%add3A_233, %dma_wait3A_234] : memref<88x128xi32, #tpu.memory_space<vmem>> -> memref<1x128xi32, #tpu.memory_space<vmem>>
      %dma_wait3A_236 = tpu.memref_squeeze %dma_wait3A_235 : memref<1x128xi32, #tpu.memory_space<vmem>> -> memref<128xi32, #tpu.memory_space<vmem>>
      %dma_wait3A_237 = arith.constant 0 : i32
      %dma_wait3A_238 = arith.constant 0 : i32
      %dma_wait3A_239 = tpu.memref_slice %arg19[%dma_wait3A_237, %dma_wait3A_238] : memref<10240x32xf32, #tpu.memory_space<vmem_shared>> -> memref<10240x32xf32, #tpu.memory_space<vmem_shared>>
      tpu.wait_indirect_dma semaphore(%arg25 : memref<!tpu.dma_semaphore, #tpu.memory_space<semaphore_mem>>) src(%dma_wait3A_239 : memref<10240x32xf32, #tpu.memory_space<vmem_shared>>) dst(%arg14 : memref<128x32xf32, #tpu.memory_space<vmem>>)
      "tpu.region"() ({
        %run_scoped3A = tpu.sem_alloc : memref<!tpu.dma_semaphore, #tpu.memory_space<semaphore_mem>>
        %dma_start3A_284 = arith.constant 0 : i32
        %dma_start3A_285 = tpu.memref_slice %arg8[%add3A_233, %dma_start3A_284] : memref<88x128xi32, #tpu.memory_space<vmem>> -> memref<1x128xi32, #tpu.memory_space<vmem>>
        %dma_start3A_286 = tpu.memref_squeeze %dma_start3A_285 : memref<1x128xi32, #tpu.memory_space<vmem>> -> memref<128xi32, #tpu.memory_space<vmem>>
        %dma_start3A_287 = arith.constant 0 : i32
        %dma_start3A_288 = arith.constant 0 : i32
        %dma_start3A_289 = tpu.memref_slice %arg18[%dma_start3A_287, %dma_start3A_288] : memref<10240x32xf32, #tpu.memory_space<vmem_shared>> -> memref<10240x32xf32, #tpu.memory_space<vmem_shared>>
        tpu.enqueue_indirect_dma source(%arg14 : memref<128x32xf32, #tpu.memory_space<vmem>>) target(%dma_start3A_289 : memref<10240x32xf32, #tpu.memory_space<vmem_shared>>) offsets(%dma_start3A_286 : memref<128xi32, #tpu.memory_space<vmem>>) semaphore(%run_scoped3A : memref<!tpu.dma_semaphore, #tpu.memory_space<semaphore_mem>>) {add = true}
        %dma_wait3A_290 = arith.constant 0 : i32
        %dma_wait3A_291 = tpu.memref_slice %arg8[%add3A_233, %dma_wait3A_290] : memref<88x128xi32, #tpu.memory_space<vmem>> -> memref<1x128xi32, #tpu.memory_space<vmem>>
        %dma_wait3A_292 = tpu.memref_squeeze %dma_wait3A_291 : memref<1x128xi32, #tpu.memory_space<vmem>> -> memref<128xi32, #tpu.memory_space<vmem>>
        %dma_wait3A_293 = arith.constant 0 : i32
        %dma_wait3A_294 = arith.constant 0 : i32
        %dma_wait3A_295 = tpu.memref_slice %arg18[%dma_wait3A_293, %dma_wait3A_294] : memref<10240x32xf32, #tpu.memory_space<vmem_shared>> -> memref<10240x32xf32, #tpu.memory_space<vmem_shared>>
        tpu.wait_indirect_dma semaphore(%run_scoped3A : memref<!tpu.dma_semaphore, #tpu.memory_space<semaphore_mem>>) src(%arg14 : memref<128x32xf32, #tpu.memory_space<vmem>>) dst(%dma_wait3A_295 : memref<10240x32xf32, #tpu.memory_space<vmem_shared>>)
        tpu.yield
      }) : () -> ()
      %add3A_240 = arith.constant 8 : i32
      %add3A_241 = arith.addi %add3A_233, %add3A_240 : i32
      %dma_start3A_242 = arith.constant 0 : i32
      %dma_start3A_243 = tpu.memref_slice %arg7[%add3A_241, %dma_start3A_242] : memref<88x128xi32, #tpu.memory_space<vmem>> -> memref<1x128xi32, #tpu.memory_space<vmem>>
      %dma_start3A_244 = tpu.memref_squeeze %dma_start3A_243 : memref<1x128xi32, #tpu.memory_space<vmem>> -> memref<128xi32, #tpu.memory_space<vmem>>
      %dma_start3A_245 = arith.constant 0 : i32
      %dma_start3A_246 = arith.constant 0 : i32
      %dma_start3A_247 = tpu.memref_slice %arg19[%dma_start3A_245, %dma_start3A_246] : memref<10240x32xf32, #tpu.memory_space<vmem_shared>> -> memref<10240x32xf32, #tpu.memory_space<vmem_shared>>
      tpu.enqueue_indirect_dma source(%dma_start3A_247 : memref<10240x32xf32, #tpu.memory_space<vmem_shared>>) target(%arg14 : memref<128x32xf32, #tpu.memory_space<vmem>>) offsets(%dma_start3A_244 : memref<128xi32, #tpu.memory_space<vmem>>) semaphore(%arg25 : memref<!tpu.dma_semaphore, #tpu.memory_space<semaphore_mem>>)
      %mul3A_248 = arith.constant 8 : i32
      %mul3A_249 = arith.muli %scan3A_139, %mul3A_248 : i32
      %add3A_250 = arith.constant 6 : i32
      %add3A_251 = arith.addi %mul3A_249, %add3A_250 : i32
      %dma_wait3A_252 = arith.constant 0 : i32
      %dma_wait3A_253 = tpu.memref_slice %arg7[%add3A_251, %dma_wait3A_252] : memref<88x128xi32, #tpu.memory_space<vmem>> -> memref<1x128xi32, #tpu.memory_space<vmem>>
      %dma_wait3A_254 = tpu.memref_squeeze %dma_wait3A_253 : memref<1x128xi32, #tpu.memory_space<vmem>> -> memref<128xi32, #tpu.memory_space<vmem>>
      %dma_wait3A_255 = arith.constant 0 : i32
      %dma_wait3A_256 = arith.constant 0 : i32
      %dma_wait3A_257 = tpu.memref_slice %arg19[%dma_wait3A_255, %dma_wait3A_256] : memref<10240x32xf32, #tpu.memory_space<vmem_shared>> -> memref<10240x32xf32, #tpu.memory_space<vmem_shared>>
      tpu.wait_indirect_dma semaphore(%arg26 : memref<!tpu.dma_semaphore, #tpu.memory_space<semaphore_mem>>) src(%dma_wait3A_257 : memref<10240x32xf32, #tpu.memory_space<vmem_shared>>) dst(%arg15 : memref<128x32xf32, #tpu.memory_space<vmem>>)
      "tpu.region"() ({
        %run_scoped3A = tpu.sem_alloc : memref<!tpu.dma_semaphore, #tpu.memory_space<semaphore_mem>>
        %dma_start3A_284 = arith.constant 0 : i32
        %dma_start3A_285 = tpu.memref_slice %arg8[%add3A_251, %dma_start3A_284] : memref<88x128xi32, #tpu.memory_space<vmem>> -> memref<1x128xi32, #tpu.memory_space<vmem>>
        %dma_start3A_286 = tpu.memref_squeeze %dma_start3A_285 : memref<1x128xi32, #tpu.memory_space<vmem>> -> memref<128xi32, #tpu.memory_space<vmem>>
        %dma_start3A_287 = arith.constant 0 : i32
        %dma_start3A_288 = arith.constant 0 : i32
        %dma_start3A_289 = tpu.memref_slice %arg18[%dma_start3A_287, %dma_start3A_288] : memref<10240x32xf32, #tpu.memory_space<vmem_shared>> -> memref<10240x32xf32, #tpu.memory_space<vmem_shared>>
        tpu.enqueue_indirect_dma source(%arg15 : memref<128x32xf32, #tpu.memory_space<vmem>>) target(%dma_start3A_289 : memref<10240x32xf32, #tpu.memory_space<vmem_shared>>) offsets(%dma_start3A_286 : memref<128xi32, #tpu.memory_space<vmem>>) semaphore(%run_scoped3A : memref<!tpu.dma_semaphore, #tpu.memory_space<semaphore_mem>>) {add = true}
        %dma_wait3A_290 = arith.constant 0 : i32
        %dma_wait3A_291 = tpu.memref_slice %arg8[%add3A_251, %dma_wait3A_290] : memref<88x128xi32, #tpu.memory_space<vmem>> -> memref<1x128xi32, #tpu.memory_space<vmem>>
        %dma_wait3A_292 = tpu.memref_squeeze %dma_wait3A_291 : memref<1x128xi32, #tpu.memory_space<vmem>> -> memref<128xi32, #tpu.memory_space<vmem>>
        %dma_wait3A_293 = arith.constant 0 : i32
        %dma_wait3A_294 = arith.constant 0 : i32
        %dma_wait3A_295 = tpu.memref_slice %arg18[%dma_wait3A_293, %dma_wait3A_294] : memref<10240x32xf32, #tpu.memory_space<vmem_shared>> -> memref<10240x32xf32, #tpu.memory_space<vmem_shared>>
        tpu.wait_indirect_dma semaphore(%run_scoped3A : memref<!tpu.dma_semaphore, #tpu.memory_space<semaphore_mem>>) src(%arg15 : memref<128x32xf32, #tpu.memory_space<vmem>>) dst(%dma_wait3A_295 : memref<10240x32xf32, #tpu.memory_space<vmem_shared>>)
        tpu.yield
      }) : () -> ()
      %add3A_258 = arith.constant 8 : i32
      %add3A_259 = arith.addi %add3A_251, %add3A_258 : i32
      %dma_start3A_260 = arith.constant 0 : i32
      %dma_start3A_261 = tpu.memref_slice %arg7[%add3A_259, %dma_start3A_260] : memref<88x128xi32, #tpu.memory_space<vmem>> -> memref<1x128xi32, #tpu.memory_space<vmem>>
      %dma_start3A_262 = tpu.memref_squeeze %dma_start3A_261 : memref<1x128xi32, #tpu.memory_space<vmem>> -> memref<128xi32, #tpu.memory_space<vmem>>
      %dma_start3A_263 = arith.constant 0 : i32
      %dma_start3A_264 = arith.constant 0 : i32
      %dma_start3A_265 = tpu.memref_slice %arg19[%dma_start3A_263, %dma_start3A_264] : memref<10240x32xf32, #tpu.memory_space<vmem_shared>> -> memref<10240x32xf32, #tpu.memory_space<vmem_shared>>
      tpu.enqueue_indirect_dma source(%dma_start3A_265 : memref<10240x32xf32, #tpu.memory_space<vmem_shared>>) target(%arg15 : memref<128x32xf32, #tpu.memory_space<vmem>>) offsets(%dma_start3A_262 : memref<128xi32, #tpu.memory_space<vmem>>) semaphore(%arg26 : memref<!tpu.dma_semaphore, #tpu.memory_space<semaphore_mem>>)
      %mul3A_266 = arith.constant 8 : i32
      %mul3A_267 = arith.muli %scan3A_139, %mul3A_266 : i32
      %add3A_268 = arith.constant 7 : i32
      %add3A_269 = arith.addi %mul3A_267, %add3A_268 : i32
      %dma_wait3A_270 = arith.constant 0 : i32
      %dma_wait3A_271 = tpu.memref_slice %arg7[%add3A_269, %dma_wait3A_270] : memref<88x128xi32, #tpu.memory_space<vmem>> -> memref<1x128xi32, #tpu.memory_space<vmem>>
      %dma_wait3A_272 = tpu.memref_squeeze %dma_wait3A_271 : memref<1x128xi32, #tpu.memory_space<vmem>> -> memref<128xi32, #tpu.memory_space<vmem>>
      %dma_wait3A_273 = arith.constant 0 : i32
      %dma_wait3A_274 = arith.constant 0 : i32
      %dma_wait3A_275 = tpu.memref_slice %arg19[%dma_wait3A_273, %dma_wait3A_274] : memref<10240x32xf32, #tpu.memory_space<vmem_shared>> -> memref<10240x32xf32, #tpu.memory_space<vmem_shared>>
      tpu.wait_indirect_dma semaphore(%arg27 : memref<!tpu.dma_semaphore, #tpu.memory_space<semaphore_mem>>) src(%dma_wait3A_275 : memref<10240x32xf32, #tpu.memory_space<vmem_shared>>) dst(%arg16 : memref<128x32xf32, #tpu.memory_space<vmem>>)
      "tpu.region"() ({
        %run_scoped3A = tpu.sem_alloc : memref<!tpu.dma_semaphore, #tpu.memory_space<semaphore_mem>>
        %dma_start3A_284 = arith.constant 0 : i32
        %dma_start3A_285 = tpu.memref_slice %arg8[%add3A_269, %dma_start3A_284] : memref<88x128xi32, #tpu.memory_space<vmem>> -> memref<1x128xi32, #tpu.memory_space<vmem>>
        %dma_start3A_286 = tpu.memref_squeeze %dma_start3A_285 : memref<1x128xi32, #tpu.memory_space<vmem>> -> memref<128xi32, #tpu.memory_space<vmem>>
        %dma_start3A_287 = arith.constant 0 : i32
        %dma_start3A_288 = arith.constant 0 : i32
        %dma_start3A_289 = tpu.memref_slice %arg18[%dma_start3A_287, %dma_start3A_288] : memref<10240x32xf32, #tpu.memory_space<vmem_shared>> -> memref<10240x32xf32, #tpu.memory_space<vmem_shared>>
        tpu.enqueue_indirect_dma source(%arg16 : memref<128x32xf32, #tpu.memory_space<vmem>>) target(%dma_start3A_289 : memref<10240x32xf32, #tpu.memory_space<vmem_shared>>) offsets(%dma_start3A_286 : memref<128xi32, #tpu.memory_space<vmem>>) semaphore(%run_scoped3A : memref<!tpu.dma_semaphore, #tpu.memory_space<semaphore_mem>>) {add = true}
        %dma_wait3A_290 = arith.constant 0 : i32
        %dma_wait3A_291 = tpu.memref_slice %arg8[%add3A_269, %dma_wait3A_290] : memref<88x128xi32, #tpu.memory_space<vmem>> -> memref<1x128xi32, #tpu.memory_space<vmem>>
        %dma_wait3A_292 = tpu.memref_squeeze %dma_wait3A_291 : memref<1x128xi32, #tpu.memory_space<vmem>> -> memref<128xi32, #tpu.memory_space<vmem>>
        %dma_wait3A_293 = arith.constant 0 : i32
        %dma_wait3A_294 = arith.constant 0 : i32
        %dma_wait3A_295 = tpu.memref_slice %arg18[%dma_wait3A_293, %dma_wait3A_294] : memref<10240x32xf32, #tpu.memory_space<vmem_shared>> -> memref<10240x32xf32, #tpu.memory_space<vmem_shared>>
        tpu.wait_indirect_dma semaphore(%run_scoped3A : memref<!tpu.dma_semaphore, #tpu.memory_space<semaphore_mem>>) src(%arg16 : memref<128x32xf32, #tpu.memory_space<vmem>>) dst(%dma_wait3A_295 : memref<10240x32xf32, #tpu.memory_space<vmem_shared>>)
        tpu.yield
      }) : () -> ()
      %add3A_276 = arith.constant 8 : i32
      %add3A_277 = arith.addi %add3A_269, %add3A_276 : i32
      %dma_start3A_278 = arith.constant 0 : i32
      %dma_start3A_279 = tpu.memref_slice %arg7[%add3A_277, %dma_start3A_278] : memref<88x128xi32, #tpu.memory_space<vmem>> -> memref<1x128xi32, #tpu.memory_space<vmem>>
      %dma_start3A_280 = tpu.memref_squeeze %dma_start3A_279 : memref<1x128xi32, #tpu.memory_space<vmem>> -> memref<128xi32, #tpu.memory_space<vmem>>
      %dma_start3A_281 = arith.constant 0 : i32
      %dma_start3A_282 = arith.constant 0 : i32
      %dma_start3A_283 = tpu.memref_slice %arg19[%dma_start3A_281, %dma_start3A_282] : memref<10240x32xf32, #tpu.memory_space<vmem_shared>> -> memref<10240x32xf32, #tpu.memory_space<vmem_shared>>
      tpu.enqueue_indirect_dma source(%dma_start3A_283 : memref<10240x32xf32, #tpu.memory_space<vmem_shared>>) target(%arg16 : memref<128x32xf32, #tpu.memory_space<vmem>>) offsets(%dma_start3A_280 : memref<128xi32, #tpu.memory_space<vmem>>) semaphore(%arg27 : memref<!tpu.dma_semaphore, #tpu.memory_space<semaphore_mem>>)
    }
    %scan3A_76 = arith.constant 10 : i32
    %dma_wait3A = arith.constant 0 : i32
    %dma_wait3A_77 = arith.constant 0 : i32
    %dma_wait3A_78 = tpu.memref_slice %arg7[%dma_wait3A, %dma_wait3A_77] : memref<88x128xi32, #tpu.memory_space<vmem>> -> memref<1x128xi32, #tpu.memory_space<vmem>>
    %dma_wait3A_79 = tpu.memref_squeeze %dma_wait3A_78 : memref<1x128xi32, #tpu.memory_space<vmem>> -> memref<128xi32, #tpu.memory_space<vmem>>
    %dma_wait3A_80 = arith.constant 0 : i32
    %dma_wait3A_81 = arith.constant 0 : i32
    %dma_wait3A_82 = tpu.memref_slice %arg19[%dma_wait3A_80, %dma_wait3A_81] : memref<10240x32xf32, #tpu.memory_space<vmem_shared>> -> memref<10240x32xf32, #tpu.memory_space<vmem_shared>>
    tpu.wait_indirect_dma semaphore(%arg20 : memref<!tpu.dma_semaphore, #tpu.memory_space<semaphore_mem>>) src(%dma_wait3A_82 : memref<10240x32xf32, #tpu.memory_space<vmem_shared>>) dst(%arg9 : memref<128x32xf32, #tpu.memory_space<vmem>>)
    %dma_wait3A_83 = arith.constant 0 : i32
    %dma_wait3A_84 = arith.constant 0 : i32
    %dma_wait3A_85 = tpu.memref_slice %arg7[%dma_wait3A_83, %dma_wait3A_84] : memref<88x128xi32, #tpu.memory_space<vmem>> -> memref<1x128xi32, #tpu.memory_space<vmem>>
    %dma_wait3A_86 = tpu.memref_squeeze %dma_wait3A_85 : memref<1x128xi32, #tpu.memory_space<vmem>> -> memref<128xi32, #tpu.memory_space<vmem>>
    %dma_wait3A_87 = arith.constant 0 : i32
    %dma_wait3A_88 = arith.constant 0 : i32
    %dma_wait3A_89 = tpu.memref_slice %arg19[%dma_wait3A_87, %dma_wait3A_88] : memref<10240x32xf32, #tpu.memory_space<vmem_shared>> -> memref<10240x32xf32, #tpu.memory_space<vmem_shared>>
    tpu.wait_indirect_dma semaphore(%arg21 : memref<!tpu.dma_semaphore, #tpu.memory_space<semaphore_mem>>) src(%dma_wait3A_89 : memref<10240x32xf32, #tpu.memory_space<vmem_shared>>) dst(%arg10 : memref<128x32xf32, #tpu.memory_space<vmem>>)
    %dma_wait3A_90 = arith.constant 0 : i32
    %dma_wait3A_91 = arith.constant 0 : i32
    %dma_wait3A_92 = tpu.memref_slice %arg7[%dma_wait3A_90, %dma_wait3A_91] : memref<88x128xi32, #tpu.memory_space<vmem>> -> memref<1x128xi32, #tpu.memory_space<vmem>>
    %dma_wait3A_93 = tpu.memref_squeeze %dma_wait3A_92 : memref<1x128xi32, #tpu.memory_space<vmem>> -> memref<128xi32, #tpu.memory_space<vmem>>
    %dma_wait3A_94 = arith.constant 0 : i32
    %dma_wait3A_95 = arith.constant 0 : i32
    %dma_wait3A_96 = tpu.memref_slice %arg19[%dma_wait3A_94, %dma_wait3A_95] : memref<10240x32xf32, #tpu.memory_space<vmem_shared>> -> memref<10240x32xf32, #tpu.memory_space<vmem_shared>>
    tpu.wait_indirect_dma semaphore(%arg22 : memref<!tpu.dma_semaphore, #tpu.memory_space<semaphore_mem>>) src(%dma_wait3A_96 : memref<10240x32xf32, #tpu.memory_space<vmem_shared>>) dst(%arg11 : memref<128x32xf32, #tpu.memory_space<vmem>>)
    %dma_wait3A_97 = arith.constant 0 : i32
    %dma_wait3A_98 = arith.constant 0 : i32
    %dma_wait3A_99 = tpu.memref_slice %arg7[%dma_wait3A_97, %dma_wait3A_98] : memref<88x128xi32, #tpu.memory_space<vmem>> -> memref<1x128xi32, #tpu.memory_space<vmem>>
    %dma_wait3A_100 = tpu.memref_squeeze %dma_wait3A_99 : memref<1x128xi32, #tpu.memory_space<vmem>> -> memref<128xi32, #tpu.memory_space<vmem>>
    %dma_wait3A_101 = arith.constant 0 : i32
    %dma_wait3A_102 = arith.constant 0 : i32
    %dma_wait3A_103 = tpu.memref_slice %arg19[%dma_wait3A_101, %dma_wait3A_102] : memref<10240x32xf32, #tpu.memory_space<vmem_shared>> -> memref<10240x32xf32, #tpu.memory_space<vmem_shared>>
    tpu.wait_indirect_dma semaphore(%arg23 : memref<!tpu.dma_semaphore, #tpu.memory_space<semaphore_mem>>) src(%dma_wait3A_103 : memref<10240x32xf32, #tpu.memory_space<vmem_shared>>) dst(%arg12 : memref<128x32xf32, #tpu.memory_space<vmem>>)
    %dma_wait3A_104 = arith.constant 0 : i32
    %dma_wait3A_105 = arith.constant 0 : i32
    %dma_wait3A_106 = tpu.memref_slice %arg7[%dma_wait3A_104, %dma_wait3A_105] : memref<88x128xi32, #tpu.memory_space<vmem>> -> memref<1x128xi32, #tpu.memory_space<vmem>>
    %dma_wait3A_107 = tpu.memref_squeeze %dma_wait3A_106 : memref<1x128xi32, #tpu.memory_space<vmem>> -> memref<128xi32, #tpu.memory_space<vmem>>
    %dma_wait3A_108 = arith.constant 0 : i32
    %dma_wait3A_109 = arith.constant 0 : i32
    %dma_wait3A_110 = tpu.memref_slice %arg19[%dma_wait3A_108, %dma_wait3A_109] : memref<10240x32xf32, #tpu.memory_space<vmem_shared>> -> memref<10240x32xf32, #tpu.memory_space<vmem_shared>>
    tpu.wait_indirect_dma semaphore(%arg24 : memref<!tpu.dma_semaphore, #tpu.memory_space<semaphore_mem>>) src(%dma_wait3A_110 : memref<10240x32xf32, #tpu.memory_space<vmem_shared>>) dst(%arg13 : memref<128x32xf32, #tpu.memory_space<vmem>>)
    %dma_wait3A_111 = arith.constant 0 : i32
    %dma_wait3A_112 = arith.constant 0 : i32
    %dma_wait3A_113 = tpu.memref_slice %arg7[%dma_wait3A_111, %dma_wait3A_112] : memref<88x128xi32, #tpu.memory_space<vmem>> -> memref<1x128xi32, #tpu.memory_space<vmem>>
    %dma_wait3A_114 = tpu.memref_squeeze %dma_wait3A_113 : memref<1x128xi32, #tpu.memory_space<vmem>> -> memref<128xi32, #tpu.memory_space<vmem>>
    %dma_wait3A_115 = arith.constant 0 : i32
    %dma_wait3A_116 = arith.constant 0 : i32
    %dma_wait3A_117 = tpu.memref_slice %arg19[%dma_wait3A_115, %dma_wait3A_116] : memref<10240x32xf32, #tpu.memory_space<vmem_shared>> -> memref<10240x32xf32, #tpu.memory_space<vmem_shared>>
    tpu.wait_indirect_dma semaphore(%arg25 : memref<!tpu.dma_semaphore, #tpu.memory_space<semaphore_mem>>) src(%dma_wait3A_117 : memref<10240x32xf32, #tpu.memory_space<vmem_shared>>) dst(%arg14 : memref<128x32xf32, #tpu.memory_space<vmem>>)
    %dma_wait3A_118 = arith.constant 0 : i32
    %dma_wait3A_119 = arith.constant 0 : i32
    %dma_wait3A_120 = tpu.memref_slice %arg7[%dma_wait3A_118, %dma_wait3A_119] : memref<88x128xi32, #tpu.memory_space<vmem>> -> memref<1x128xi32, #tpu.memory_space<vmem>>
    %dma_wait3A_121 = tpu.memref_squeeze %dma_wait3A_120 : memref<1x128xi32, #tpu.memory_space<vmem>> -> memref<128xi32, #tpu.memory_space<vmem>>
    %dma_wait3A_122 = arith.constant 0 : i32
    %dma_wait3A_123 = arith.constant 0 : i32
    %dma_wait3A_124 = tpu.memref_slice %arg19[%dma_wait3A_122, %dma_wait3A_123] : memref<10240x32xf32, #tpu.memory_space<vmem_shared>> -> memref<10240x32xf32, #tpu.memory_space<vmem_shared>>
    tpu.wait_indirect_dma semaphore(%arg26 : memref<!tpu.dma_semaphore, #tpu.memory_space<semaphore_mem>>) src(%dma_wait3A_124 : memref<10240x32xf32, #tpu.memory_space<vmem_shared>>) dst(%arg15 : memref<128x32xf32, #tpu.memory_space<vmem>>)
    %dma_wait3A_125 = arith.constant 0 : i32
    %dma_wait3A_126 = arith.constant 0 : i32
    %dma_wait3A_127 = tpu.memref_slice %arg7[%dma_wait3A_125, %dma_wait3A_126] : memref<88x128xi32, #tpu.memory_space<vmem>> -> memref<1x128xi32, #tpu.memory_space<vmem>>
    %dma_wait3A_128 = tpu.memref_squeeze %dma_wait3A_127 : memref<1x128xi32, #tpu.memory_space<vmem>> -> memref<128xi32, #tpu.memory_space<vmem>>
    %dma_wait3A_129 = arith.constant 0 : i32
    %dma_wait3A_130 = arith.constant 0 : i32
    %dma_wait3A_131 = tpu.memref_slice %arg19[%dma_wait3A_129, %dma_wait3A_130] : memref<10240x32xf32, #tpu.memory_space<vmem_shared>> -> memref<10240x32xf32, #tpu.memory_space<vmem_shared>>
    tpu.wait_indirect_dma semaphore(%arg27 : memref<!tpu.dma_semaphore, #tpu.memory_space<semaphore_mem>>) src(%dma_wait3A_131 : memref<10240x32xf32, #tpu.memory_space<vmem_shared>>) dst(%arg16 : memref<128x32xf32, #tpu.memory_space<vmem>>)
    %barrier3A_132 = arith.constant 0 : index
    tpu.barrier barrier_id(%barrier3A_132)
    %scan3A_133 = arith.constant 0 : i32
    %scan3A_134 = arith.constant 0 : i32
    %scan3A_135 = arith.constant 5 : i32
    %scan3A_136 = arith.addi %scan3A_134, %scan3A_135 : i32
    %scan3A_137 = arith.constant 1 : i32
    scf.for %scan3A_139 = %scan3A_134 to %scan3A_136 step %scan3A_137  : i32 {
      %mul3A_140 = arith.constant 128 : i32
      %mul3A_141 = arith.muli %scan3A_139, %mul3A_140 : i32
      %add3A_142 = arith.addi %mul3A_0, %mul3A_141 : i32
      "tpu.region"() ({
        %run_scoped3A = tpu.sem_alloc : memref<!tpu.dma_semaphore, #tpu.memory_space<semaphore_mem>>
        %dma_start3A_143 = arith.constant 0 : i32
        %dma_start3A_144 = tpu.memref_slice %arg18[%add3A_142, %dma_start3A_143] : memref<10240x32xf32, #tpu.memory_space<vmem_shared>> -> memref<128x32xf32, #tpu.memory_space<vmem_shared>>
        %dma_start3A_145 = arith.constant 0 : i32
        %dma_start3A_146 = tpu.memref_slice %arg18[%add3A_142, %dma_start3A_145] : memref<10240x32xf32, #tpu.memory_space<vmem_shared>> -> memref<128x32xf32, #tpu.memory_space<vmem_shared>>
        tpu.enqueue_dma source(%dma_start3A_146 : memref<128x32xf32, #tpu.memory_space<vmem_shared>>) target(%arg17 : memref<128x32xf32, #tpu.memory_space<vmem>>) target_semaphore(%run_scoped3A : memref<!tpu.dma_semaphore, #tpu.memory_space<semaphore_mem>>)
        %dma_wait3A_147 = arith.constant 0 : i32
        %dma_wait3A_148 = tpu.memref_slice %arg18[%add3A_142, %dma_wait3A_147] : memref<10240x32xf32, #tpu.memory_space<vmem_shared>> -> memref<128x32xf32, #tpu.memory_space<vmem_shared>>
        %dma_wait3A_149 = arith.constant 0 : i32
        %dma_wait3A_150 = tpu.memref_slice %arg18[%add3A_142, %dma_wait3A_149] : memref<10240x32xf32, #tpu.memory_space<vmem_shared>> -> memref<128x32xf32, #tpu.memory_space<vmem_shared>>
        tpu.wait_dma2 semaphore(%run_scoped3A : memref<!tpu.dma_semaphore, #tpu.memory_space<semaphore_mem>>) src(%dma_wait3A_150 : memref<128x32xf32, #tpu.memory_space<vmem_shared>>) dst(%arg17 : memref<128x32xf32, #tpu.memory_space<vmem>>)
        tpu.yield
      }) : () -> ()
      "tpu.region"() ({
        %run_scoped3A = tpu.sem_alloc : memref<!tpu.dma_semaphore, #tpu.memory_space<semaphore_mem>>
        %dma_start3A_143 = arith.constant 0 : i32
        %dma_start3A_144 = tpu.memref_slice %arg6[%arg0, %add3A_142, %dma_start3A_143] : memref<2x10240x32xf32, #tpu.memory_space<hbm>> -> memref<1x128x32xf32, #tpu.memory_space<hbm>>
        %dma_start3A_145 = tpu.memref_squeeze %dma_start3A_144 : memref<1x128x32xf32, #tpu.memory_space<hbm>> -> memref<128x32xf32, #tpu.memory_space<hbm>>
        %dma_start3A_146 = arith.constant 0 : i32
        %dma_start3A_147 = tpu.memref_slice %arg6[%arg0, %add3A_142, %dma_start3A_146] : memref<2x10240x32xf32, #tpu.memory_space<hbm>> -> memref<1x128x32xf32, #tpu.memory_space<hbm>>
        %dma_start3A_148 = tpu.memref_squeeze %dma_start3A_147 : memref<1x128x32xf32, #tpu.memory_space<hbm>> -> memref<128x32xf32, #tpu.memory_space<hbm>>
        tpu.enqueue_dma source(%arg17 : memref<128x32xf32, #tpu.memory_space<vmem>>) target(%dma_start3A_148 : memref<128x32xf32, #tpu.memory_space<hbm>>) target_semaphore(%run_scoped3A : memref<!tpu.dma_semaphore, #tpu.memory_space<semaphore_mem>>)
        %dma_wait3A_149 = arith.constant 0 : i32
        %dma_wait3A_150 = tpu.memref_slice %arg6[%arg0, %add3A_142, %dma_wait3A_149] : memref<2x10240x32xf32, #tpu.memory_space<hbm>> -> memref<1x128x32xf32, #tpu.memory_space<hbm>>
        %dma_wait3A_151 = tpu.memref_squeeze %dma_wait3A_150 : memref<1x128x32xf32, #tpu.memory_space<hbm>> -> memref<128x32xf32, #tpu.memory_space<hbm>>
        %dma_wait3A_152 = arith.constant 0 : i32
        %dma_wait3A_153 = tpu.memref_slice %arg6[%arg0, %add3A_142, %dma_wait3A_152] : memref<2x10240x32xf32, #tpu.memory_space<hbm>> -> memref<1x128x32xf32, #tpu.memory_space<hbm>>
        %dma_wait3A_154 = tpu.memref_squeeze %dma_wait3A_153 : memref<1x128x32xf32, #tpu.memory_space<hbm>> -> memref<128x32xf32, #tpu.memory_space<hbm>>
        tpu.wait_dma2 semaphore(%run_scoped3A : memref<!tpu.dma_semaphore, #tpu.memory_space<semaphore_mem>>) src(%arg17 : memref<128x32xf32, #tpu.memory_space<vmem>>) dst(%dma_wait3A_154 : memref<128x32xf32, #tpu.memory_space<hbm>>)
        tpu.yield
      }) : () -> ()
    }
    %scan3A_138 = arith.constant 5 : i32
    return
  }
}

module attributes {stable_mosaic.version = 14 : i64} {
  func.func @body(%arg0: memref<10000x128xf32, #tpu.memory_space<vmem>>, %arg1: memref<128x32xf32, #tpu.memory_space<vmem>>, %arg2: memref<128x32xf32, #tpu.memory_space<vmem>>, %arg3: memref<10000x32xf32, #tpu.memory_space<vmem>>, %arg4: memref<10000x32xf32, #tpu.memory_space<vmem>>) attributes {dimension_semantics = [], scalar_prefetch = 0 : i64, scratch_operands = 0 : i64, tpu.core_type = #tpu.core_type<tc>} {
    %get3A = arith.constant 0 : index
    %get3A_0 = arith.constant 0 : index
    %get3A_1 = vector.load %arg0[%get3A, %get3A_0] : memref<10000x128xf32, #tpu.memory_space<vmem>>, vector<10000x128xf32>
    %get3A_2 = arith.constant 0 : index
    %get3A_3 = arith.constant 0 : index
    %get3A_4 = vector.load %arg1[%get3A_2, %get3A_3] : memref<128x32xf32, #tpu.memory_space<vmem>>, vector<128x32xf32>
    %dot_general3A = arith.constant dense<0.000000e+00> : vector<10000x32xf32>
    %dot_general3A_5 = tpu.matmul %get3A_1, %get3A_4, %dot_general3A {dimension_numbers = #tpu.dot_dimension_numbers<[1], [0], [0], [1], [0, 0, 1, 1], [], []>, transpose_lhs_hint = false} : vector<10000x128xf32>, vector<128x32xf32>, vector<10000x32xf32> -> vector<10000x32xf32>
    %swap3A = arith.constant 0 : index
    %swap3A_6 = arith.constant 0 : index
    %swap3A_7 = vector.load %arg3[%swap3A, %swap3A_6] : memref<10000x32xf32, #tpu.memory_space<vmem>>, vector<10000x32xf32>
    tpu.vector_store %arg3[%swap3A, %swap3A_6], %dot_general3A_5 {strides = array<i32>} : memref<10000x32xf32, #tpu.memory_space<vmem>>, vector<10000x32xf32>,
    %get3A_8 = arith.constant 0 : index
    %get3A_9 = arith.constant 0 : index
    %get3A_10 = vector.load %arg2[%get3A_8, %get3A_9] : memref<128x32xf32, #tpu.memory_space<vmem>>, vector<128x32xf32>
    %dot_general3A_11 = arith.constant dense<0.000000e+00> : vector<10000x32xf32>
    %dot_general3A_12 = tpu.matmul %get3A_1, %get3A_10, %dot_general3A_11 {dimension_numbers = #tpu.dot_dimension_numbers<[1], [0], [0], [1], [0, 0, 1, 1], [], []>, transpose_lhs_hint = false} : vector<10000x128xf32>, vector<128x32xf32>, vector<10000x32xf32> -> vector<10000x32xf32>
    %swap3A_13 = arith.constant 0 : index
    %swap3A_14 = arith.constant 0 : index
    %swap3A_15 = vector.load %arg4[%swap3A_13, %swap3A_14] : memref<10000x32xf32, #tpu.memory_space<vmem>>, vector<10000x32xf32>
    tpu.vector_store %arg4[%swap3A_13, %swap3A_14], %dot_general3A_12 {strides = array<i32>} : memref<10000x32xf32, #tpu.memory_space<vmem>>, vector<10000x32xf32>,
    return
  }
}

module attributes {stable_mosaic.version = 14 : i64} {
  func.func @body(%arg0: memref<10000x32xf32, #tpu.memory_space<vmem>>, %arg1: memref<2x10240x8xf32, #tpu.memory_space<vmem>>, %arg2: memref<10000x32xf32, #tpu.memory_space<vmem>>) attributes {dimension_semantics = [], scalar_prefetch = 0 : i64, scratch_operands = 0 : i64, tpu.core_type = #tpu.core_type<tc>} {
    %get3A = arith.constant 0 : index
    %get3A_0 = arith.constant 0 : index
    %get3A_1 = arith.constant 0 : index
    %get3A_2 = vector.load %arg1[%get3A, %get3A_0, %get3A_1] : memref<2x10240x8xf32, #tpu.memory_space<vmem>>, vector<2x10240x8xf32>
    %slice3A = vector.extract_strided_slice %get3A_2 {offsets = [0, 0, 0], sizes = [1, 10000, 1], strides = [1, 1, 1]} : vector<2x10240x8xf32> to vector<1x10000x1xf32>
    %squeeze3A = vector.shape_cast %slice3A : vector<1x10000x1xf32> to vector<10000x1xf32>
    %slice3A_3 = vector.extract_strided_slice %get3A_2 {offsets = [1, 0, 0], sizes = [1, 10000, 1], strides = [1, 1, 1]} : vector<2x10240x8xf32> to vector<1x10000x1xf32>
    %squeeze3A_4 = vector.shape_cast %slice3A_3 : vector<1x10000x1xf32> to vector<10000x1xf32>
    %add3A = arith.addf %squeeze3A, %squeeze3A_4 : vector<10000x1xf32>
    %gt3A = arith.constant 0.000000e+00 : f32
    %gt3A_5 = vector.broadcast %gt3A : f32 to vector<10000x1xf32>
    %gt3A_6 = arith.cmpf ogt, %add3A, %gt3A_5 : vector<10000x1xf32>
    %rsqrt3A = math.rsqrt %add3A : vector<10000x1xf32>
    %jit3A = arith.constant 0.000000e+00 : f32
    %broadcast_in_dim3A = vector.broadcast %jit3A : f32 to vector<10000x1xf32>
    %select_n3A = arith.select %gt3A_6, %rsqrt3A, %broadcast_in_dim3A : vector<10000x1xi1>, vector<10000x1xf32>
    %get3A_7 = arith.constant 0 : index
    %get3A_8 = arith.constant 0 : index
    %get3A_9 = vector.load %arg0[%get3A_7, %get3A_8] : memref<10000x32xf32, #tpu.memory_space<vmem>>, vector<10000x32xf32>
    %mul3A = vector.broadcast %select_n3A : vector<10000x1xf32> to vector<10000x32xf32>
    %mul3A_10 = arith.mulf %get3A_9, %mul3A : vector<10000x32xf32>
    %swap3A = arith.constant 0 : index
    %swap3A_11 = arith.constant 0 : index
    %swap3A_12 = vector.load %arg2[%swap3A, %swap3A_11] : memref<10000x32xf32, #tpu.memory_space<vmem>>, vector<10000x32xf32>
    tpu.vector_store %arg2[%swap3A, %swap3A_11], %mul3A_10 {strides = array<i32>} : memref<10000x32xf32, #tpu.memory_space<vmem>>, vector<10000x32xf32>,
    return
  }
}

module attributes {stable_mosaic.version = 14 : i64} {
  func.func @body(%arg0: memref<2x10240x8xf32, #tpu.memory_space<vmem>>, %arg1: memref<2x10240x32xf32, #tpu.memory_space<vmem>>, %arg2: memref<10000x32xf32, #tpu.memory_space<vmem>>, %arg3: memref<1x32xf32, #tpu.memory_space<vmem>>, %arg4: memref<32x32xf32, #tpu.memory_space<vmem>>, %arg5: memref<32x32xf32, #tpu.memory_space<vmem>>, %arg6: memref<10000x32xf32, #tpu.memory_space<vmem>>, %arg7: memref<10000x32xf32, #tpu.memory_space<vmem>>) attributes {dimension_semantics = [], scalar_prefetch = 0 : i64, scratch_operands = 0 : i64, tpu.core_type = #tpu.core_type<tc>} {
    %get3A = arith.constant 0 : index
    %get3A_0 = arith.constant 0 : index
    %get3A_1 = arith.constant 0 : index
    %get3A_2 = vector.load %arg0[%get3A, %get3A_0, %get3A_1] : memref<2x10240x8xf32, #tpu.memory_space<vmem>>, vector<2x10240x8xf32>
    %slice3A = vector.extract_strided_slice %get3A_2 {offsets = [0, 0, 0], sizes = [1, 10000, 1], strides = [1, 1, 1]} : vector<2x10240x8xf32> to vector<1x10000x1xf32>
    %squeeze3A = vector.shape_cast %slice3A : vector<1x10000x1xf32> to vector<10000x1xf32>
    %slice3A_3 = vector.extract_strided_slice %get3A_2 {offsets = [1, 0, 0], sizes = [1, 10000, 1], strides = [1, 1, 1]} : vector<2x10240x8xf32> to vector<1x10000x1xf32>
    %squeeze3A_4 = vector.shape_cast %slice3A_3 : vector<1x10000x1xf32> to vector<10000x1xf32>
    %add3A = arith.addf %squeeze3A, %squeeze3A_4 : vector<10000x1xf32>
    %gt3A = arith.constant 0.000000e+00 : f32
    %gt3A_5 = vector.broadcast %gt3A : f32 to vector<10000x1xf32>
    %gt3A_6 = arith.cmpf ogt, %add3A, %gt3A_5 : vector<10000x1xf32>
    %rsqrt3A = math.rsqrt %add3A : vector<10000x1xf32>
    %jit3A = arith.constant 0.000000e+00 : f32
    %broadcast_in_dim3A = vector.broadcast %jit3A : f32 to vector<10000x1xf32>
    %select_n3A = arith.select %gt3A_6, %rsqrt3A, %broadcast_in_dim3A : vector<10000x1xi1>, vector<10000x1xf32>
    %get3A_7 = arith.constant 0 : index
    %get3A_8 = arith.constant 0 : index
    %get3A_9 = arith.constant 0 : index
    %get3A_10 = vector.load %arg1[%get3A_7, %get3A_8, %get3A_9] : memref<2x10240x32xf32, #tpu.memory_space<vmem>>, vector<2x10240x32xf32>
    %slice3A_11 = vector.extract_strided_slice %get3A_10 {offsets = [0, 0, 0], sizes = [1, 10000, 32], strides = [1, 1, 1]} : vector<2x10240x32xf32> to vector<1x10000x32xf32>
    %squeeze3A_12 = vector.shape_cast %slice3A_11 : vector<1x10000x32xf32> to vector<10000x32xf32>
    %slice3A_13 = vector.extract_strided_slice %get3A_10 {offsets = [1, 0, 0], sizes = [1, 10000, 32], strides = [1, 1, 1]} : vector<2x10240x32xf32> to vector<1x10000x32xf32>
    %squeeze3A_14 = vector.shape_cast %slice3A_13 : vector<1x10000x32xf32> to vector<10000x32xf32>
    %add3A_15 = arith.addf %squeeze3A_12, %squeeze3A_14 : vector<10000x32xf32>
    %mul3A = vector.broadcast %select_n3A : vector<10000x1xf32> to vector<10000x32xf32>
    %mul3A_16 = arith.mulf %add3A_15, %mul3A : vector<10000x32xf32>
    %get3A_17 = arith.constant 0 : index
    %get3A_18 = arith.constant 0 : index
    %get3A_19 = vector.load %arg2[%get3A_17, %get3A_18] : memref<10000x32xf32, #tpu.memory_space<vmem>>, vector<10000x32xf32>
    %add3A_20 = arith.addf %mul3A_16, %get3A_19 : vector<10000x32xf32>
    %get3A_21 = arith.constant 0 : index
    %get3A_22 = arith.constant 0 : index
    %get3A_23 = vector.load %arg3[%get3A_21, %get3A_22] : memref<1x32xf32, #tpu.memory_space<vmem>>, vector<1x32xf32>
    %add3A_24 = vector.broadcast %get3A_23 : vector<1x32xf32> to vector<10000x32xf32>
    %add3A_25 = arith.addf %add3A_20, %add3A_24 : vector<10000x32xf32>
    %max3A = arith.constant 0.000000e+00 : f32
    %max3A_26 = vector.broadcast %max3A : f32 to vector<10000x32xf32>
    %max3A_27 = arith.maximumf %add3A_25, %max3A_26 : vector<10000x32xf32>
    %get3A_28 = arith.constant 0 : index
    %get3A_29 = arith.constant 0 : index
    %get3A_30 = vector.load %arg4[%get3A_28, %get3A_29] : memref<32x32xf32, #tpu.memory_space<vmem>>, vector<32x32xf32>
    %dot_general3A = arith.constant dense<0.000000e+00> : vector<10000x32xf32>
    %dot_general3A_31 = tpu.matmul %max3A_27, %get3A_30, %dot_general3A {dimension_numbers = #tpu.dot_dimension_numbers<[1], [0], [0], [1], [0, 0, 1, 1], [], []>, transpose_lhs_hint = false} : vector<10000x32xf32>, vector<32x32xf32>, vector<10000x32xf32> -> vector<10000x32xf32>
    %mul3A_32 = vector.broadcast %select_n3A : vector<10000x1xf32> to vector<10000x32xf32>
    %mul3A_33 = arith.mulf %dot_general3A_31, %mul3A_32 : vector<10000x32xf32>
    %swap3A = arith.constant 0 : index
    %swap3A_34 = arith.constant 0 : index
    %swap3A_35 = vector.load %arg6[%swap3A, %swap3A_34] : memref<10000x32xf32, #tpu.memory_space<vmem>>, vector<10000x32xf32>
    tpu.vector_store %arg6[%swap3A, %swap3A_34], %mul3A_33 {strides = array<i32>} : memref<10000x32xf32, #tpu.memory_space<vmem>>, vector<10000x32xf32>,
    %get3A_36 = arith.constant 0 : index
    %get3A_37 = arith.constant 0 : index
    %get3A_38 = vector.load %arg5[%get3A_36, %get3A_37] : memref<32x32xf32, #tpu.memory_space<vmem>>, vector<32x32xf32>
    %dot_general3A_39 = arith.constant dense<0.000000e+00> : vector<10000x32xf32>
    %dot_general3A_40 = tpu.matmul %max3A_27, %get3A_38, %dot_general3A_39 {dimension_numbers = #tpu.dot_dimension_numbers<[1], [0], [0], [1], [0, 0, 1, 1], [], []>, transpose_lhs_hint = false} : vector<10000x32xf32>, vector<32x32xf32>, vector<10000x32xf32> -> vector<10000x32xf32>
    %swap3A_41 = arith.constant 0 : index
    %swap3A_42 = arith.constant 0 : index
    %swap3A_43 = vector.load %arg7[%swap3A_41, %swap3A_42] : memref<10000x32xf32, #tpu.memory_space<vmem>>, vector<10000x32xf32>
    tpu.vector_store %arg7[%swap3A_41, %swap3A_42], %dot_general3A_40 {strides = array<i32>} : memref<10000x32xf32, #tpu.memory_space<vmem>>, vector<10000x32xf32>,
    return
  }
}

module attributes {stable_mosaic.version = 14 : i64} {
  func.func @body(%arg0: memref<2x10240x8xf32, #tpu.memory_space<vmem>>, %arg1: memref<2x10240x32xf32, #tpu.memory_space<vmem>>, %arg2: memref<10000x32xf32, #tpu.memory_space<vmem>>, %arg3: memref<1x32xf32, #tpu.memory_space<vmem>>, %arg4: memref<32x1xf32, #tpu.memory_space<vmem>>, %arg5: memref<1x1xf32, #tpu.memory_space<vmem>>, %arg6: memref<10000x1xf32, #tpu.memory_space<vmem>>) attributes {dimension_semantics = [], scalar_prefetch = 0 : i64, scratch_operands = 0 : i64, tpu.core_type = #tpu.core_type<tc>} {
    %get3A = arith.constant 0 : index
    %get3A_0 = arith.constant 0 : index
    %get3A_1 = arith.constant 0 : index
    %get3A_2 = vector.load %arg0[%get3A, %get3A_0, %get3A_1] : memref<2x10240x8xf32, #tpu.memory_space<vmem>>, vector<2x10240x8xf32>
    %slice3A = vector.extract_strided_slice %get3A_2 {offsets = [0, 0, 0], sizes = [1, 10000, 1], strides = [1, 1, 1]} : vector<2x10240x8xf32> to vector<1x10000x1xf32>
    %squeeze3A = vector.shape_cast %slice3A : vector<1x10000x1xf32> to vector<10000x1xf32>
    %slice3A_3 = vector.extract_strided_slice %get3A_2 {offsets = [1, 0, 0], sizes = [1, 10000, 1], strides = [1, 1, 1]} : vector<2x10240x8xf32> to vector<1x10000x1xf32>
    %squeeze3A_4 = vector.shape_cast %slice3A_3 : vector<1x10000x1xf32> to vector<10000x1xf32>
    %add3A = arith.addf %squeeze3A, %squeeze3A_4 : vector<10000x1xf32>
    %gt3A = arith.constant 0.000000e+00 : f32
    %gt3A_5 = vector.broadcast %gt3A : f32 to vector<10000x1xf32>
    %gt3A_6 = arith.cmpf ogt, %add3A, %gt3A_5 : vector<10000x1xf32>
    %rsqrt3A = math.rsqrt %add3A : vector<10000x1xf32>
    %jit3A = arith.constant 0.000000e+00 : f32
    %broadcast_in_dim3A = vector.broadcast %jit3A : f32 to vector<10000x1xf32>
    %select_n3A = arith.select %gt3A_6, %rsqrt3A, %broadcast_in_dim3A : vector<10000x1xi1>, vector<10000x1xf32>
    %get3A_7 = arith.constant 0 : index
    %get3A_8 = arith.constant 0 : index
    %get3A_9 = arith.constant 0 : index
    %get3A_10 = vector.load %arg1[%get3A_7, %get3A_8, %get3A_9] : memref<2x10240x32xf32, #tpu.memory_space<vmem>>, vector<2x10240x32xf32>
    %slice3A_11 = vector.extract_strided_slice %get3A_10 {offsets = [0, 0, 0], sizes = [1, 10000, 32], strides = [1, 1, 1]} : vector<2x10240x32xf32> to vector<1x10000x32xf32>
    %squeeze3A_12 = vector.shape_cast %slice3A_11 : vector<1x10000x32xf32> to vector<10000x32xf32>
    %slice3A_13 = vector.extract_strided_slice %get3A_10 {offsets = [1, 0, 0], sizes = [1, 10000, 32], strides = [1, 1, 1]} : vector<2x10240x32xf32> to vector<1x10000x32xf32>
    %squeeze3A_14 = vector.shape_cast %slice3A_13 : vector<1x10000x32xf32> to vector<10000x32xf32>
    %add3A_15 = arith.addf %squeeze3A_12, %squeeze3A_14 : vector<10000x32xf32>
    %mul3A = vector.broadcast %select_n3A : vector<10000x1xf32> to vector<10000x32xf32>
    %mul3A_16 = arith.mulf %add3A_15, %mul3A : vector<10000x32xf32>
    %get3A_17 = arith.constant 0 : index
    %get3A_18 = arith.constant 0 : index
    %get3A_19 = vector.load %arg2[%get3A_17, %get3A_18] : memref<10000x32xf32, #tpu.memory_space<vmem>>, vector<10000x32xf32>
    %add3A_20 = arith.addf %mul3A_16, %get3A_19 : vector<10000x32xf32>
    %get3A_21 = arith.constant 0 : index
    %get3A_22 = arith.constant 0 : index
    %get3A_23 = vector.load %arg3[%get3A_21, %get3A_22] : memref<1x32xf32, #tpu.memory_space<vmem>>, vector<1x32xf32>
    %add3A_24 = vector.broadcast %get3A_23 : vector<1x32xf32> to vector<10000x32xf32>
    %add3A_25 = arith.addf %add3A_20, %add3A_24 : vector<10000x32xf32>
    %max3A = arith.constant 0.000000e+00 : f32
    %max3A_26 = vector.broadcast %max3A : f32 to vector<10000x32xf32>
    %max3A_27 = arith.maximumf %add3A_25, %max3A_26 : vector<10000x32xf32>
    %get3A_28 = arith.constant 0 : index
    %get3A_29 = arith.constant 0 : index
    %get3A_30 = vector.load %arg4[%get3A_28, %get3A_29] : memref<32x1xf32, #tpu.memory_space<vmem>>, vector<32x1xf32>
    %dot_general3A = arith.constant dense<0.000000e+00> : vector<10000x1xf32>
    %dot_general3A_31 = tpu.matmul %max3A_27, %get3A_30, %dot_general3A {dimension_numbers = #tpu.dot_dimension_numbers<[1], [0], [0], [1], [0, 0, 1, 1], [], []>, transpose_lhs_hint = false} : vector<10000x32xf32>, vector<32x1xf32>, vector<10000x1xf32> -> vector<10000x1xf32>
    %get3A_32 = arith.constant 0 : index
    %get3A_33 = arith.constant 0 : index
    %get3A_34 = vector.load %arg5[%get3A_32, %get3A_33] : memref<1x1xf32, #tpu.memory_space<vmem>>, vector<1x1xf32>
    %get3A_35 = vector.extract %get3A_34[0, 0] : f32 from vector<1x1xf32>
    %add3A_36 = vector.broadcast %get3A_35 : f32 to vector<10000x1xf32>
    %add3A_37 = arith.addf %dot_general3A_31, %add3A_36 : vector<10000x1xf32>
    %swap3A = arith.constant 0 : index
    %swap3A_38 = arith.constant 0 : index
    %swap3A_39 = vector.load %arg6[%swap3A, %swap3A_38] : memref<10000x1xf32, #tpu.memory_space<vmem>>, vector<10000x1xf32>
    tpu.vector_store %arg6[%swap3A, %swap3A_38], %add3A_37 {strides = array<i32>} : memref<10000x1xf32, #tpu.memory_space<vmem>>, vector<10000x1xf32>,
    return
  }
}

</mosaic_0001>

<sc_bundles>
// kernel: kernel.12.cloned.1.call-start
scs
__scs_entry_jumppad:
0x0: {  	(pc) =	sbr.rel $0x88, $3  }
0x1: {  	(tag) =	ssettag $0x0;
	lr =	simm.s32 $0x1  }
0x2: {  	[smem:$0x3F97] =	sst lr;
	_ =	strace $0xD0000000  }
0x3: {  	_ = 	snop  }
0x4: {  	_ = 	snop  }
0x5: {  	_ = 	snop  }
0x6: {  	_ = 	snop  }
0x7: {  	_ = 	snop  }
__scs_overlays_trampoline_lowered:
0x8: {  	[smem:$0x3FA6] =	sst s0  }
0x9: {  	[smem:$0x3FA7] =	sst s1  }
0xa: {  	[smem:$0x3FA8] =	sst s2  }
0xb: {  	[smem:$0x3FA9] =	sst s3  }
0xc: {  	[smem:$0x3FAA] =	sst s4  }
0xd: {  	[smem:$0x3FAB] =	sst s5  }
0xe: {  	[smem:$0x3FAC] =	sst s6  }
0xf: {  	[smem:$0x3FAD] =	sst s7  }
0x10: {  	[smem:$0x3FAE] =	sst s8  }
0x11: {  	[smem:$0x3FAF] =	sst s9;
	s0 =	simm.s32 @!p0 $0x0  }
0x12: {  	s1 =	sld [smem:$0x3F95];
	s0 =	simm.s32 @p0 $0x1  }
0x13: {  	[smem:$0x3FB0] =	sst s0;
	s0 =	simm.s32 @!p1 $0x0  }
0x14: {  	s2 =	sld [smem:$0x3F94];
	s0 =	simm.s32 @p1 $0x1  }
0x15: {  	[smem:$0x3FB1] =	sst s0;
	s0 =	simm.s32 @!p2 $0x0  }
0x16: {  	s3 =	sld [smem:$0x3FDB];
	s0 =	simm.s32 @p2 $0x1  }
0x17: {  	s4 =	simm.s32 $0x1BF5;
	[smem:$0x3FB3] =	sst s0  }
0x18: {  	s0 =	sld [smem:$0x3F96];
	_ =	swait.ge [sflag:s4], $0x0  }
0x19: {  	s7 =	sld [smem:$0x3F97]  }
0x1a: {  	s8 =	sadd.s32 $0xFFFFE003, lr  }
0x1b: {  	s9 =	sadd.s32 $0xFFFFFEF7, lr;
	s5 =	simm.s32 $0xFFFFFFFF;
	p2 =	slt.u32 s8, $0xFFFFF086  }
0x1c: {  	p1 =	slt.u32 s9, $0xF7A;
	s5 =	simm.s32 @!p2 $0x0  }
0x1d: {  	s5 =	simm.s32 @p1 $0x1;
	p0 =	seq.s32 s7, s2  }
0x1e: {  	s7 =	smul.u32 @!p0 $0xF7A, s2;
	p2 =	seq.s32 @!p0 s5, $0x0  }
0x1f: {  	s9 =	smul.u32 $0xF7A, s1;
	s8 =	simm.s32 @!p0 $0x1BF5;
	p2 =	por !p2, p0  }
0x20: {  	[sflag:s8] =	ssyncset.s32 @!p0 $0xFFFFF086;
	s6 =	sadd.s32 @!p0 s3, s7;
	s7 =	simm.s32 @!p0 $0x108  }
0x21: {  	s3 =	sadd.s32 s3, s9;
	s6 =	sadd.s32 @!p0 $0x88, s6;
	s7 =	simm.s32 @p2 $0x1082  }
0x22: {  	[simem:s7], [sflag:s8] =	dma.local @!p0 [hbm:s6], $0xF7A  }
0x23: {  	s9 =	sor.u32 $0xD0000000, s2;
	s6 =	simm.s32 $0x108;
	_ =	swait.ge @!p0 [sflag:s8], $0x0  }
0x24: {  	s3 =	sadd.s32 $0x88, s3;
	s6 =	simm.s32 @!p1 $0x1082;
	[sflag:s4] =	ssyncset.s32 $0xFFFFF086  }
0x25: {  	[simem:s6], [sflag:s4] =	dma.local [hbm:s3], $0xF7A  }
0x26: {  	[smem:$0x3F97] =	sst s1;
	(tag) =	ssettag s2;
	_ =	strace s9  }
0x27: {  	s1 =	sld [smem:$0x3FA7]  }
0x28: {  	s2 =	sld [smem:$0x3FA8]  }
0x29: {  	s4 =	sld [smem:$0x3FAA]  }
0x2a: {  	p0 =	seq.s32 s5, $0x0;
	s5 =	sld [smem:$0x3FAB]  }
0x2b: {  	s6 =	sld [smem:$0x3FAC]  }
0x2c: {  	s7 =	sld [smem:$0x3FAD]  }
0x2d: {  	s3 =	simm.s32 $0x108;
	s8 =	sld [smem:$0x3FAE]  }
0x2e: {  	s3 =	simm.s32 @!p0 $0x1082;
	s9 =	sld [smem:$0x3FAF]  }
0x2f: {  	lr =	sadd.s32 s0, s3;
	s0 =	sld [smem:$0x3FA6]  }
0x30: {  	s3 =	sld [smem:$0x3FA9]  }
0x31: {  	[smem:$0x3FB2] =	sst s10  }
0x32: {  	s10 =	sld [smem:$0x3FB0];
	_ =	sdelay $0x3  }
0x33: {  	p0 =	seq.s32 s10, $0x1;
	s10 =	sld [smem:$0x3FB2];
	_ =	sdelay $0x3  }
0x34: {  	[smem:$0x3FB2] =	sst s10  }
0x35: {  	s10 =	sld [smem:$0x3FB1];
	_ =	sdelay $0x3  }
0x36: {  	p1 =	seq.s32 s10, $0x1;
	s10 =	sld [smem:$0x3FB2];
	_ =	sdelay $0x3  }
0x37: {  	[smem:$0x3FB2] =	sst s10  }
0x38: {  	s10 =	sld [smem:$0x3FB3]  }
0x39: {  	_ = 	snop;
	(pc) =	sbr.ind lr, $3  }
0x3a: {  	_ = 	snop  }
0x3b: {  	_ = 	snop  }
0x3c: {  	p2 =	seq.s32 s10, $0x1;
	s10 =	sld [smem:$0x3FB2]  }
0x3d: {  	_ =	shalt  }
0x3e: {  	_ =	shalt  }
0x3f: {  	_ =	shalt  }
0x40: {  	_ =	shalt  }
0x41: {  	_ =	shalt  }
0x42: {  	_ =	shalt  }
0x43: {  	_ =	shalt  }
0x44: {  	_ =	shalt  }
0x45: {  	_ =	shalt  }
0x46: {  	_ =	shalt  }
0x47: {  	_ =	shalt  }
0x48: {  	_ =	shalt  }
0x49: {  	_ =	shalt  }
0x4a: {  	_ =	shalt  }
0x4b: {  	_ =	shalt  }
0x4c: {  	_ =	shalt  }
0x4d: {  	_ =	shalt  }
0x4e: {  	_ =	shalt  }
0x4f: {  	_ =	shalt  }
0x50: {  	_ =	shalt  }
0x51: {  	_ =	shalt  }
0x52: {  	_ =	shalt  }
0x53: {  	_ =	shalt  }
0x54: {  	_ =	shalt  }
0x55: {  	_ =	shalt  }
0x56: {  	_ =	shalt  }
0x57: {  	_ =	shalt  }
0x58: {  	_ =	shalt  }
0x59: {  	_ =	shalt  }
0x5a: {  	_ =	shalt  }
0x5b: {  	_ =	shalt  }
0x5c: {  	_ =	shalt  }
0x5d: {  	_ =	shalt  }
0x5e: {  	_ =	shalt  }
0x5f: {  	_ =	shalt  }
0x60: {  	_ =	shalt  }
0x61: {  	_ =	shalt  }
0x62: {  	_ =	shalt  }
0x63: {  	_ =	shalt  }
0x64: {  	_ =	shalt  }
0x65: {  	_ =	shalt  }
0x66: {  	_ =	shalt  }
0x67: {  	_ =	shalt  }
0x68: {  	_ =	shalt  }
0x69: {  	_ =	shalt  }
0x6a: {  	_ =	shalt  }
0x6b: {  	_ =	shalt  }
0x6c: {  	_ =	shalt  }
0x6d: {  	_ =	shalt  }
0x6e: {  	_ =	shalt  }
0x6f: {  	_ =	shalt  }
0x70: {  	_ =	shalt  }
0x71: {  	_ =	shalt  }
0x72: {  	_ =	shalt  }
0x73: {  	_ =	shalt  }
0x74: {  	_ =	shalt  }
0x75: {  	_ =	shalt  }
0x76: {  	_ =	shalt  }
0x77: {  	_ =	shalt  }
0x78: {  	_ =	shalt  }
0x79: {  	_ =	shalt  }
0x7a: {  	_ =	shalt  }
0x7b: {  	_ =	shalt  }
0x7c: {  	_ =	shalt  }
0x7d: {  	_ =	shalt  }
0x7e: {  	_ =	shalt  }
0x7f: {  	_ =	shalt  }
0x80: {  	_ =	shalt  }
0x81: {  	_ =	shalt  }
0x82: {  	_ =	shalt  }
0x83: {  	_ =	shalt  }
0x84: {  	_ =	shalt  }
0x85: {  	_ =	shalt  }
0x86: {  	_ =	shalt  }
0x87: {  	_ =	shalt  }
.Lfunc_end0:
.L_simem_size_0:
called_computation.1_lowered:
.L_overlay_start_0:
0x88: {  	s2 =	sld [smem:$0x3FD9]  }
0x89: {  	s3 =	sld [smem:$0x3FFE];
	_ =	sdelay $0x1  }
0x8a: {  	s1 =	srdreg.scid  }
0x8b: {  	s0 =	sand.u32 $0x1, s1  }
0x8c: {  	s17 =	sshll.u32 s0, $0xA;
	s2 =	sadd.s32 s3, s2  }
0x8d: {  	s2 =	sadd.s32 s2, s17  }
0x8e: {  	[smem:$0x3FBE] =	sst s2  }
0x8f: {  	_ = 	snop  }
0x90: {  	s2 =	sld [smem:$0x3FD0];
	(tm) =	ssettm $0x1  }
0x91: {  	s18 =	sld [smem:$0x3FFB];
	_ =	sdelay $0x3  }
0x92: {  	_ =	strace s18  }
0x93: {  	s3 =	sld [smem:$0x3FFC];
	_ =	sdelay $0x3  }
0x94: {  	_ =	strace s3  }
0x95: {  	s3 =	sld [smem:$0x3FFD];
	_ =	sdelay $0x3  }
0x96: {  	_ =	strace s3  }
0x97: {  	_ =	strace $0x8FFFFFFF  }
0x98: {  	s19 =	sld [smem:$0x3FDB];
	_ =	sdelay $0x1  }
0x99: {  	s4 =	simm.s32 $_scs_section_size  }
0x9a: {  	s5 =	simm.s32 $_size__tile_overlayer_lowered;
	s6 =	simm.s32 $_tile_overlayer_lowered  }
0x9b: {  	s22 =	simm.s32 $0x1BFF;
	s21 =	sshll.u32 s6, $0x1;
	s3 =	sadd.s32 s4, s19  }
0x9c: {  	s7 =	simm.s32 $0x0;
	s20 =	sshll.u32 s5, $0x1;
	s5 =	sadd.s32 s21, s3  }
0x9d: {  	[timem:s7], [sflag:s22] =	dma.local [hbm:s5], s20  }
0x9e: {  	_ =	swait.ge [sflag:s22], s20  }
0x9f: {  	s4 =	ssub.s32 $0x0, s20;
	[sflag:s22] =	ssyncset.done $0x0  }
0xa0: {  	[sflag:s22] =	ssyncadd.s32 s4;
	_ =	sdelay $0x1  }
0xa1: {  	s23 =	simm.s32 $0x1B8B  }
0xa2: {  	_ =	swait.ge [sflag:s23], $0x1  }
0xa3: {  	[sflag:s23] =	ssyncset.done $0x0  }
0xa4: {  	s25 =	simm.s32 $0x1B8E;
	s24 =	sld [smem:$0x3FFE];
	[sflag:s23] =	ssyncadd.s32 $0xFFFFFFFF  }
0xa5: {  	s26 =	simm.s32 $execute0_lowered;
	[smem:$0x3FD2] =	sst s25  }
0xa6: {  	s5 =	sshll.u32 s26, $0x1;
	_ =	strace $0x80000049;
	[dreg:$0x1] =	wrdreg $0xFFFFFFFF  }
0xa7: {  	s28 =	simm.s32 $_size_execute0_lowered;
	s3 =	sadd.s32 s3, s5;
	[dreg:$0x0] =	wrdreg $0x0  }
0xa8: {  	s5 =	sshll.u32 s28, $0x1;
	[dreg:$0x2] =	wrdreg s3  }
0xa9: {  	[dreg:$0x3] =	wrdreg s5  }
0xaa: {  	[dreg:$0x4] =	wrdreg $0xC0  }
0xab: {  	_ =	task [dreg:s7], $0x5FFFF  }
0xac: {  	[dreg:$0x1] =	wrdreg $0xFFFFFFFF  }
0xad: {  	[dreg:$0x0] =	wrdreg $0x60  }
0xae: {  	[dreg:$0x2] =	wrdreg s24  }
0xaf: {  	[dreg:$0x3] =	wrdreg s2  }
0xb0: {  	[dreg:$0x4] =	wrdreg $0xE8000  }
0xb1: {  	[dreg:$0x5] =	wrdreg $0x138000  }
0xb2: {  	[dreg:$0x6] =	wrdreg $0x9  }
0xb3: {  	_ =	task.clear_ibuf [dreg:s7], $0x7FFFF;
	_ =	strace $0x90000049  }
0xb4: {  	s29 =	simm.s32 $0x9;
	_ =	strace $0x8000004B  }
0xb5: {  	_ =	swait.ge [sflag:s29], $0x1  }
0xb6: {  	[sflag:s29] =	ssyncadd.s32 $0xFFFFFFFF  }
0xb7: {  	_ =	strace $0x9000004B  }
0xb8: {  	_ =	sfence  }
0xb9: {  	s30 =	sld [smem:$0x0];
	_ =	sdelay $0x2  }
0xba: {  	s31 =	sshll.u32 s1, $0xD;
	s1 =	sshrl.u32 s1, $0x2  }
0xbb: {  	s3 =	sand.u32 $0x4000, s31;
	s1 =	sadd.s32 s1, s30  }
0xbc: {  	s0 =	sor.u32 s3, s0;
	s1 =	sshll.u32 s1, $0x11  }
0xbd: {  	s0 =	sor.u32 s1, s0  }
0xbe: {  	s0 =	sadd.s32 $0x8F2B, s0  }
0xbf: {  	[sflag:s0] =	ssyncadd.remote.s32 $0x1  }
0xc0: {  	_ =	sfence.sel $0xFFFF  }
0xc1: {  	[dreg:$0x0] =	wrdreg $0xFFFFFFFF;
	(pc) =	sbr.abs _section_cstart, $3  }
0xc2: {  	[dreg:$0x1] =	wrdreg $0xFFFFFFFF  }
0xc3: {  	_ =	task.clear_ibuf [dreg:s7], $0x2FFFF;
	_ =	strace $0x9FFFFFFF  }
0xc4: {  	(tm) =	ssettm $0x7FFFFFFF  }
0xc5: {  	_ =	shalt  }
tec
execute0_lowered:
.L_overlay_start_1:
0x0: {  	(tag) =	ssettag $0x1  }
0x1: {  	s0 =	rddreg [dreg:$0x0]  }
0x2: {  	s2 =	rddreg [dreg:$0x2]  }
0x3: {  	s3 =	rddreg [dreg:$0x3];
	s1 =	srdreg.scid  }
0x4: {  	s5 =	simm.s32 $0x0;
	s10 =	stileid.u32;
	s1 =	sand.u32 $0x1, s1  }
0x5: {  	[smem:$0x7FF] =	sst s5;
	s7 =	sadd.s32 $0x6C200, s0;
	s8 =	smul.u32 $0x14000, s10  }
0x6: {  	s4 =	sshll.u32 s1, $0x4;
	_ =	strace $0x8000004A;
	s6 =	ssub.s32 $0x2, s1  }
0x7: {  	s1 =	smul.u32 $0x50000, s1;
	s4 =	sor.u32 s10, s4;
	s9 =	sshrl.u32 s6, $0x1  }
0x8: {  	s10 =	smul.u32 $0x5000, s10;
	s20 =	sshrl.u32 s8, $0x2;
	s8 =	simm.s32 $0x9  }
0x9: {  	s4 =	smul.u32 $0x500, s4;
	s9 =	ssub.s32 s6, s9;
	s6 =	sadd.s32 s20, s2  }
0xa: {  	s22 =	sshrl.u32 s10, $0x3;
	s24 =	sadd.s32 $0x1000, s10;
	s25 =	sadd.s32 $0x2000, s10  }
0xb: {  	s11 =	sadd.s32 $0x3000, s10;
	s29 =	sadd.s32 s1, s10;
	s19 =	sadd.s32 s10, s2  }
0xc: {  	s20 =	smax.u32 s9, $0x1;
	s31 =	sadd.s32 $0x1000, s6;
	s9 =	simm.s32 $0x5800  }
0xd: {  	s4 =	sadd.s32 s4, s0;
	s0 =	sadd.s32 $0x76200, s0;
	s23 =	sadd.s32 s7, s22  }
0xe: {  	s12 =	sshrl.u32 s24, $0x3;
	s13 =	sshrl.u32 s25, $0x3;
	[dreg:$0x11] =	wrdreg s19  }
0xf: {  	s14 =	sshrl.u32 s11, $0x3;
	s30 =	sadd.s32 s1, s24;
	[dreg:$0x12] =	wrdreg s20  }
0x10: {  	s16 =	sadd.s32 s1, s25;
	s22 =	sadd.s32 s24, s3;
	[dreg:$0x7] =	wrdreg s23  }
0x11: {  	s17 =	sadd.s32 s1, s11;
	s21 =	sadd.s32 $0x12000, s4;
	[dreg:$0x14] =	wrdreg s22  }
0x12: {  	s19 =	simm.s32 $0x2;
	s4 =	sadd.s32 $0x2C00, s4;
	[dreg:$0x5] =	wrdreg s21  }
0x13: {  	s20 =	simm.s32 $0x3;
	s12 =	sadd.s32 s7, s12;
	[dreg:$0x6] =	wrdreg s4  }
0x14: {  	s26 =	sadd.s32 s7, s13;
	s28 =	sadd.s32 s7, s14;
	[dreg:$0x8] =	wrdreg s12  }
0x15: {  	s13 =	sshrl.u32 s29, $0x3;
	s14 =	sshrl.u32 s30, $0x3;
	[dreg:$0x9] =	wrdreg s26  }
0x16: {  	s23 =	sadd.s32 s24, s2;
	s24 =	sadd.s32 s25, s3;
	[dreg:$0xa] =	wrdreg s28  }
0x17: {  	s25 =	sadd.s32 s25, s2;
	s22 =	simm.s32 $0x5;
	[dreg:$0x15] =	wrdreg s23  }
0x18: {  	s12 =	sadd.s32 $0x4000, s10;
	s13 =	sadd.s32 s0, s13;
	[dreg:$0x16] =	wrdreg s24  }
0x19: {  	s21 =	sadd.s32 s10, s3;
	[dreg:$0x17] =	wrdreg s25;
	s26 =	sadd.s32 s11, s3  }
0x1a: {  	s28 =	sadd.s32 s11, s2;
	s4 =	sadd.s32 $0x3000, s6;
	s10 =	simm.s32 $0x80  }
0x1b: {  	s11 =	simm.s32 $0x6800;
	s23 =	simm.s32 $0x6;
	[dreg:$0xc] =	wrdreg s13  }
0x1c: {  	s24 =	simm.s32 $0x7;
	s25 =	simm.s32 $0x8;
	[dreg:$0x13] =	wrdreg s21  }
0x1d: {  	s15 =	sshrl.u32 s12, $0x3;
	s1 =	sadd.s32 s1, s12;
	[dreg:$0x18] =	wrdreg s26  }
0x1e: {  	s13 =	sshrl.u32 s17, $0x3;
	[dreg:$0x19] =	wrdreg s28;
	s29 =	sadd.s32 s12, s3  }
0x1f: {  	s30 =	sadd.s32 s12, s2;
	s12 =	simm.s32 $0x7800;
	s17 =	simm.s32 $0xC800  }
0x20: {  	s21 =	simm.s32 $0x4;
	s26 =	simm.s32 $0x0;
	[dreg:$0x1a] =	wrdreg s29  }
0x21: {  	s7 =	sadd.s32 s7, s15;
	s15 =	sadd.s32 s0, s14;
	[dreg:$0x1b] =	wrdreg s30  }
0x22: {  	s1 =	sshrl.u32 s1, $0x3;
	s18 =	sadd.s32 s0, s13;
	[dreg:$0xb] =	wrdreg s7  }
0x23: {  	s13 =	simm.s32 $0x8800;
	s14 =	simm.s32 $0x9800;
	[dreg:$0xd] =	wrdreg s15  }
0x24: {  	s7 =	sshrl.u32 s16, $0x3;
	[dreg:$0xf] =	wrdreg s18;
	s15 =	simm.s32 $0xA800  }
0x25: {  	s16 =	simm.s32 $0xB800;
	s18 =	simm.s32 $0x1;
	s7 =	sadd.s32 s0, s7  }
0x26: {  	s0 =	sadd.s32 s0, s1;
	s1 =	sadd.s32 $0x4000, s6;
	[dreg:$0xe] =	wrdreg s7  }
0x27: {  	[dreg:$0x10] =	wrdreg s0;
	s0 =	sadd.s32 $0x2000, s6;
	s7 =	simm.s32 $0xD800  }
.LBB2_1:
0x28: {  	s28 =	rddreg [dreg:$0x1]  }
0x29: {  	[tilespmem:s7], [sflag:$0x9] =	stream.linear.gather [hbm4b:s28+s5], $0x1000, $0x38;
	[tilespmem:$0x18800] =	vst v63  }
0x2a: {  	_ =	swait.ge [sflag:s8], $0x1000  }
0x2b: {  	[sflag:s8] =	ssyncset.done $0x0  }
0x2c: {  	[sflag:s8] =	ssyncadd.s32 $0xFFFFF000  }
0x2d: {  	[spmem:s6] =	stream.linear.scatter [tilespmem:s7], [sflag:$0x9], $0x1000, $0x38;
	[tilespmem:$0x18800] =	vst v63  }
0x2e: {  	_ =	swait.ge [sflag:s8], $0x1000  }
0x2f: {  	[sflag:s8] =	ssyncset.done $0x0  }
0x30: {  	[sflag:s8] =	ssyncadd.s32 $0xFFFFF000  }
0x31: {  	[spmem:s31] =	stream.linear.scatter [tilespmem:s7], [sflag:$0x9], $0x1000, $0x38;
	[tilespmem:$0x18800] =	vst v63  }
0x32: {  	_ =	swait.ge [sflag:s8], $0x1000  }
0x33: {  	[sflag:s8] =	ssyncset.done $0x0  }
0x34: {  	[sflag:s8] =	ssyncadd.s32 $0xFFFFF000  }
0x35: {  	[spmem:s0] =	stream.linear.scatter [tilespmem:s7], [sflag:$0x9], $0x1000, $0x38;
	[tilespmem:$0x18800] =	vst v63  }
0x36: {  	_ =	swait.ge [sflag:s8], $0x1000  }
0x37: {  	[sflag:s8] =	ssyncset.done $0x0  }
0x38: {  	[sflag:s8] =	ssyncadd.s32 $0xFFFFF000  }
0x39: {  	[spmem:s4] =	stream.linear.scatter [tilespmem:s7], [sflag:$0x9], $0x1000, $0x38;
	[tilespmem:$0x18800] =	vst v63  }
0x3a: {  	_ =	swait.ge [sflag:s8], $0x1000  }
0x3b: {  	[sflag:s8] =	ssyncset.done $0x0  }
0x3c: {  	[sflag:s8] =	ssyncadd.s32 $0xFFFFF000  }
0x3d: {  	[spmem:s1] =	stream.linear.scatter [tilespmem:s7], [sflag:$0x9], $0x1000, $0x38;
	[tilespmem:$0x18800] =	vst v63  }
0x3e: {  	_ =	swait.ge [sflag:s8], $0x1000  }
0x3f: {  	[sflag:s8] =	ssyncset.done $0x0  }
0x40: {  	s28 =	rddreg [dreg:$0x7];
	[sflag:s8] =	ssyncadd.s32 $0xFFFFF000  }
0x41: {  	[tilespmem:s9], [sflag:$0x9] =	stream.linear.gather [hbm4b:s28+s5], $0x1000, $0x38;
	[tilespmem:$0x18800] =	vst v63  }
0x42: {  	_ =	swait.ge [sflag:s8], $0x1000  }
0x43: {  	[sflag:s8] =	ssyncset.done $0x0  }
0x44: {  	s28 =	rddreg [dreg:$0x13];
	[sflag:s8] =	ssyncadd.s32 $0xFFFFF000  }
0x45: {  	[spmem:s28] =	stream.linear.scatter [tilespmem:s9], [sflag:$0x9], $0x1000, $0x38;
	[tilespmem:$0x18800] =	vst v63  }
0x46: {  	_ =	swait.ge [sflag:s8], $0x1000  }
0x47: {  	[sflag:s8] =	ssyncset.done $0x0  }
0x48: {  	s28 =	rddreg [dreg:$0x8];
	[sflag:s8] =	ssyncadd.s32 $0xFFFFF000  }
0x49: {  	[tilespmem:s9], [sflag:$0x9] =	stream.linear.gather [hbm4b:s28+s5], $0x1000, $0x38;
	[tilespmem:$0x18800] =	vst v63  }
0x4a: {  	_ =	swait.ge [sflag:s8], $0x1000  }
0x4b: {  	[sflag:s8] =	ssyncset.done $0x0  }
0x4c: {  	s28 =	rddreg [dreg:$0x14];
	[sflag:s8] =	ssyncadd.s32 $0xFFFFF000  }
0x4d: {  	[spmem:s28] =	stream.linear.scatter [tilespmem:s9], [sflag:$0x9], $0x1000, $0x38;
	[tilespmem:$0x18800] =	vst v63  }
0x4e: {  	_ =	swait.ge [sflag:s8], $0x1000  }
0x4f: {  	[sflag:s8] =	ssyncset.done $0x0  }
0x50: {  	s28 =	rddreg [dreg:$0x9];
	[sflag:s8] =	ssyncadd.s32 $0xFFFFF000  }
0x51: {  	[tilespmem:s9], [sflag:$0x9] =	stream.linear.gather [hbm4b:s28+s5], $0x1000, $0x38;
	[tilespmem:$0x18800] =	vst v63  }
0x52: {  	_ =	swait.ge [sflag:s8], $0x1000  }
0x53: {  	[sflag:s8] =	ssyncset.done $0x0  }
0x54: {  	s28 =	rddreg [dreg:$0x16];
	[sflag:s8] =	ssyncadd.s32 $0xFFFFF000  }
0x55: {  	[spmem:s28] =	stream.linear.scatter [tilespmem:s9], [sflag:$0x9], $0x1000, $0x38;
	[tilespmem:$0x18800] =	vst v63  }
0x56: {  	_ =	swait.ge [sflag:s8], $0x1000  }
0x57: {  	[sflag:s8] =	ssyncset.done $0x0  }
0x58: {  	s28 =	rddreg [dreg:$0xa];
	[sflag:s8] =	ssyncadd.s32 $0xFFFFF000  }
0x59: {  	[tilespmem:s9], [sflag:$0x9] =	stream.linear.gather [hbm4b:s28+s5], $0x1000, $0x38;
	[tilespmem:$0x18800] =	vst v63  }
0x5a: {  	_ =	swait.ge [sflag:s8], $0x1000  }
0x5b: {  	[sflag:s8] =	ssyncset.done $0x0  }
0x5c: {  	s28 =	rddreg [dreg:$0x18];
	[sflag:s8] =	ssyncadd.s32 $0xFFFFF000  }
0x5d: {  	[spmem:s28] =	stream.linear.scatter [tilespmem:s9], [sflag:$0x9], $0x1000, $0x38;
	[tilespmem:$0x18800] =	vst v63  }
0x5e: {  	_ =	swait.ge [sflag:s8], $0x1000  }
0x5f: {  	[sflag:s8] =	ssyncset.done $0x0  }
0x60: {  	s28 =	rddreg [dreg:$0xb];
	[sflag:s8] =	ssyncadd.s32 $0xFFFFF000  }
0x61: {  	[tilespmem:s9], [sflag:$0x9] =	stream.linear.gather [hbm4b:s28+s5], $0x1000, $0x38;
	[tilespmem:$0x18800] =	vst v63  }
0x62: {  	_ =	swait.ge [sflag:s8], $0x1000  }
0x63: {  	[sflag:s8] =	ssyncset.done $0x0  }
0x64: {  	s28 =	rddreg [dreg:$0x1a];
	[sflag:s8] =	ssyncadd.s32 $0xFFFFF000  }
0x65: {  	[spmem:s28] =	stream.linear.scatter [tilespmem:s9], [sflag:$0x9], $0x1000, $0x38;
	[tilespmem:$0x18800] =	vst v63  }
0x66: {  	_ =	swait.ge [sflag:s8], $0x1000  }
0x67: {  	[sflag:s8] =	ssyncset.done $0x0  }
0x68: {  	s28 =	rddreg [dreg:$0x5];
	[sflag:s8] =	ssyncadd.s32 $0xFFFFF000  }
0x69: {  	[tilespmem:s5], [sflag:$0x9] =	stream.linear.gather [hbm4b:s28+s5], $0x2C00, $0x38;
	[tilespmem:$0x18800] =	vst v63  }
0x6a: {  	_ =	swait.ge [sflag:s8], $0x2C00  }
0x6b: {  	[sflag:s8] =	ssyncset.done $0x0  }
0x6c: {  	s29 =	simm.s32 $0x2C00;
	s28 =	rddreg [dreg:$0x6];
	[sflag:s8] =	ssyncadd.s32 $0xFFFFD400  }
0x6d: {  	[tilespmem:s29], [sflag:$0x9] =	stream.linear.gather [hbm4b:s28+s5], $0x2C00, $0x38;
	[tilespmem:$0x18800] =	vst v63  }
0x6e: {  	_ =	swait.ge [sflag:s8], $0x2C00  }
0x6f: {  	[sflag:s8] =	ssyncset.done $0x0  }
0x70: {  	[sflag:s8] =	ssyncadd.s32 $0xFFFFD400  }
0x71: {  	[bflag:$0x0] =	sbarrier.arrive $0xFFFF  }
0x72: {  	[tilespmem:s9], [sflag:$0x1] =	stream.indirect.gather [spmem:s3], $0x20, s5, s10, $0xb8;
	[tilespmem:$0x18800] =	vst v63  }
0x73: {  	_ = 	snop  }
0x74: {  	[tilespmem:s11], [sflag:$0x2] =	stream.indirect.gather [spmem:s3], $0x20, s10, s10, $0xb8;
	[tilespmem:$0x18800] =	vst v63  }
0x75: {  	s28 =	simm.s32 $0x100  }
0x76: {  	[tilespmem:s12], [sflag:$0x3] =	stream.indirect.gather [spmem:s3], $0x20, s28, s10, $0xb8;
	[tilespmem:$0x18800] =	vst v63  }
0x77: {  	s28 =	simm.s32 $0x180  }
0x78: {  	[tilespmem:s13], [sflag:$0x4] =	stream.indirect.gather [spmem:s3], $0x20, s28, s10, $0xb8;
	[tilespmem:$0x18800] =	vst v63  }
0x79: {  	s28 =	simm.s32 $0x200  }
0x7a: {  	[tilespmem:s14], [sflag:$0x5] =	stream.indirect.gather [spmem:s3], $0x20, s28, s10, $0xb8;
	[tilespmem:$0x18800] =	vst v63  }
0x7b: {  	s28 =	simm.s32 $0x280  }
0x7c: {  	[tilespmem:s15], [sflag:$0x6] =	stream.indirect.gather [spmem:s3], $0x20, s28, s10, $0xb8;
	[tilespmem:$0x18800] =	vst v63  }
0x7d: {  	s28 =	simm.s32 $0x300  }
0x7e: {  	[tilespmem:s16], [sflag:$0x7] =	stream.indirect.gather [spmem:s3], $0x20, s28, s10, $0xb8;
	[tilespmem:$0x18800] =	vst v63  }
0x7f: {  	s28 =	simm.s32 $0x380  }
0x80: {  	[tilespmem:s17], [sflag:$0x8] =	stream.indirect.gather [spmem:s3], $0x20, s28, s10, $0xb8;
	[tilespmem:$0x18800] =	vst v63  }
0x81: {  	_ =	swait.ge [sflag:s18], $0x1000  }
0x82: {  	[sflag:s18] =	ssyncset.done $0x0  }
0x83: {  	s28 =	simm.s32 $0x2C00;
	[sflag:s18] =	ssyncadd.s32 $0xFFFFF000  }
0x84: {  	[spmem:s2] =	stream.indirect.scatter.add.f32 [tilespmem:s9], [sflag:$0x9], $0x20, s28, s10, $0xb8;
	[tilespmem:$0x18800] =	vst v63  }
0x85: {  	_ =	swait.ge [sflag:s8], $0x1000  }
0x86: {  	[sflag:s8] =	ssyncset.done $0x0  }
0x87: {  	s28 =	simm.s32 $0x400;
	[sflag:s8] =	ssyncadd.s32 $0xFFFFF000  }
0x88: {  	[tilespmem:s9], [sflag:$0x1] =	stream.indirect.gather [spmem:s3], $0x20, s28, s10, $0xb8;
	[tilespmem:$0x18800] =	vst v63  }
0x89: {  	_ =	swait.ge [sflag:s19], $0x1000  }
0x8a: {  	[sflag:s19] =	ssyncset.done $0x0  }
0x8b: {  	s28 =	simm.s32 $0x2C80;
	[sflag:s19] =	ssyncadd.s32 $0xFFFFF000  }
0x8c: {  	[spmem:s2] =	stream.indirect.scatter.add.f32 [tilespmem:s11], [sflag:$0x9], $0x20, s28, s10, $0xb8;
	[tilespmem:$0x18800] =	vst v63  }
0x8d: {  	_ =	swait.ge [sflag:s8], $0x1000  }
0x8e: {  	[sflag:s8] =	ssyncset.done $0x0  }
0x8f: {  	s28 =	simm.s32 $0x480;
	[sflag:s8] =	ssyncadd.s32 $0xFFFFF000  }
0x90: {  	[tilespmem:s11], [sflag:$0x2] =	stream.indirect.gather [spmem:s3], $0x20, s28, s10, $0xb8;
	[tilespmem:$0x18800] =	vst v63  }
0x91: {  	_ =	swait.ge [sflag:s20], $0x1000  }
0x92: {  	[sflag:s20] =	ssyncset.done $0x0  }
0x93: {  	s28 =	simm.s32 $0x2D00;
	[sflag:s20] =	ssyncadd.s32 $0xFFFFF000  }
0x94: {  	[spmem:s2] =	stream.indirect.scatter.add.f32 [tilespmem:s12], [sflag:$0x9], $0x20, s28, s10, $0xb8;
	[tilespmem:$0x18800] =	vst v63  }
0x95: {  	_ =	swait.ge [sflag:s8], $0x1000  }
0x96: {  	[sflag:s8] =	ssyncset.done $0x0  }
0x97: {  	s28 =	simm.s32 $0x500;
	[sflag:s8] =	ssyncadd.s32 $0xFFFFF000  }
0x98: {  	[tilespmem:s12], [sflag:$0x3] =	stream.indirect.gather [spmem:s3], $0x20, s28, s10, $0xb8;
	[tilespmem:$0x18800] =	vst v63  }
0x99: {  	_ =	swait.ge [sflag:s21], $0x1000  }
0x9a: {  	[sflag:s21] =	ssyncset.done $0x0  }
0x9b: {  	s28 =	simm.s32 $0x2D80;
	[sflag:s21] =	ssyncadd.s32 $0xFFFFF000  }
0x9c: {  	[spmem:s2] =	stream.indirect.scatter.add.f32 [tilespmem:s13], [sflag:$0x9], $0x20, s28, s10, $0xb8;
	[tilespmem:$0x18800] =	vst v63  }
0x9d: {  	_ =	swait.ge [sflag:s8], $0x1000  }
0x9e: {  	[sflag:s8] =	ssyncset.done $0x0  }
0x9f: {  	s28 =	simm.s32 $0x580;
	[sflag:s8] =	ssyncadd.s32 $0xFFFFF000  }
0xa0: {  	[tilespmem:s13], [sflag:$0x4] =	stream.indirect.gather [spmem:s3], $0x20, s28, s10, $0xb8;
	[tilespmem:$0x18800] =	vst v63  }
0xa1: {  	_ =	swait.ge [sflag:s22], $0x1000  }
0xa2: {  	[sflag:s22] =	ssyncset.done $0x0  }
0xa3: {  	s28 =	simm.s32 $0x2E00;
	[sflag:s22] =	ssyncadd.s32 $0xFFFFF000  }
0xa4: {  	[spmem:s2] =	stream.indirect.scatter.add.f32 [tilespmem:s14], [sflag:$0x9], $0x20, s28, s10, $0xb8;
	[tilespmem:$0x18800] =	vst v63  }
0xa5: {  	_ =	swait.ge [sflag:s8], $0x1000  }
0xa6: {  	[sflag:s8] =	ssyncset.done $0x0  }
0xa7: {  	s28 =	simm.s32 $0x600;
	[sflag:s8] =	ssyncadd.s32 $0xFFFFF000  }
0xa8: {  	[tilespmem:s14], [sflag:$0x5] =	stream.indirect.gather [spmem:s3], $0x20, s28, s10, $0xb8;
	[tilespmem:$0x18800] =	vst v63  }
0xa9: {  	_ =	swait.ge [sflag:s23], $0x1000  }
0xaa: {  	[sflag:s23] =	ssyncset.done $0x0  }
0xab: {  	s28 =	simm.s32 $0x2E80;
	[sflag:s23] =	ssyncadd.s32 $0xFFFFF000  }
0xac: {  	[spmem:s2] =	stream.indirect.scatter.add.f32 [tilespmem:s15], [sflag:$0x9], $0x20, s28, s10, $0xb8;
	[tilespmem:$0x18800] =	vst v63  }
0xad: {  	_ =	swait.ge [sflag:s8], $0x1000  }
0xae: {  	[sflag:s8] =	ssyncset.done $0x0  }
0xaf: {  	s28 =	simm.s32 $0x680;
	[sflag:s8] =	ssyncadd.s32 $0xFFFFF000  }
0xb0: {  	[tilespmem:s15], [sflag:$0x6] =	stream.indirect.gather [spmem:s3], $0x20, s28, s10, $0xb8;
	[tilespmem:$0x18800] =	vst v63  }
0xb1: {  	_ =	swait.ge [sflag:s24], $0x1000  }
0xb2: {  	[sflag:s24] =	ssyncset.done $0x0  }
0xb3: {  	s28 =	simm.s32 $0x2F00;
	[sflag:s24] =	ssyncadd.s32 $0xFFFFF000  }
0xb4: {  	[spmem:s2] =	stream.indirect.scatter.add.f32 [tilespmem:s16], [sflag:$0x9], $0x20, s28, s10, $0xb8;
	[tilespmem:$0x18800] =	vst v63  }
0xb5: {  	_ =	swait.ge [sflag:s8], $0x1000  }
0xb6: {  	[sflag:s8] =	ssyncset.done $0x0  }
0xb7: {  	s28 =	simm.s32 $0x700;
	[sflag:s8] =	ssyncadd.s32 $0xFFFFF000  }
0xb8: {  	[tilespmem:s16], [sflag:$0x7] =	stream.indirect.gather [spmem:s3], $0x20, s28, s10, $0xb8;
	[tilespmem:$0x18800] =	vst v63  }
0xb9: {  	_ =	swait.ge [sflag:s25], $0x1000  }
0xba: {  	[sflag:s25] =	ssyncset.done $0x0  }
0xbb: {  	s28 =	simm.s32 $0x2F80;
	[sflag:s25] =	ssyncadd.s32 $0xFFFFF000  }
0xbc: {  	[spmem:s2] =	stream.indirect.scatter.add.f32 [tilespmem:s17], [sflag:$0x9], $0x20, s28, s10, $0xb8;
	[tilespmem:$0x18800] =	vst v63  }
0xbd: {  	_ =	swait.ge [sflag:s8], $0x1000  }
0xbe: {  	[sflag:s8] =	ssyncset.done $0x0  }
0xbf: {  	s29 =	simm.s32 $0x780;
	s28 =	simm.s32 $0x1000;
	[sflag:s8] =	ssyncadd.s32 $0xFFFFF000  }
.LBB2_2:
0xc0: {  	[tilespmem:s17], [sflag:$0x8] =	stream.indirect.gather [spmem:s3], $0x20, s29, s10, $0xb8;
	[tilespmem:$0x18800] =	vst v63  }
0xc1: {  	s29 =	smov.u32 s28  }
0xc2: {  	p0 =	sne.s32 s28, $0x9000;
	s28 =	sadd.s32 $0x1000, s28;
	_ =	swait.ge [sflag:s18], $0x1000  }
0xc3: {  	s29 =	sshra.s32 s29, $0x2;
	[sflag:s18] =	ssyncset.done $0x0  }
0xc4: {  	s30 =	sadd.s32 $0x2C00, s29;
	[sflag:s18] =	ssyncadd.s32 $0xFFFFF000  }
0xc5: {  	[spmem:s2] =	stream.indirect.scatter.add.f32 [tilespmem:s9], [sflag:$0x9], $0x20, s30, s10, $0xb8;
	[tilespmem:$0x18800] =	vst v63  }
0xc6: {  	_ =	swait.ge [sflag:s8], $0x1000  }
0xc7: {  	[sflag:s8] =	ssyncset.done $0x0  }
0xc8: {  	s30 =	sadd.s32 $0x400, s29;
	[sflag:s8] =	ssyncadd.s32 $0xFFFFF000  }
0xc9: {  	[tilespmem:s9], [sflag:$0x1] =	stream.indirect.gather [spmem:s3], $0x20, s30, s10, $0xb8;
	[tilespmem:$0x18800] =	vst v63  }
0xca: {  	_ =	swait.ge [sflag:s19], $0x1000  }
0xcb: {  	[sflag:s19] =	ssyncset.done $0x0  }
0xcc: {  	s30 =	sadd.s32 $0x2C80, s29;
	[sflag:s19] =	ssyncadd.s32 $0xFFFFF000  }
0xcd: {  	[spmem:s2] =	stream.indirect.scatter.add.f32 [tilespmem:s11], [sflag:$0x9], $0x20, s30, s10, $0xb8;
	[tilespmem:$0x18800] =	vst v63  }
0xce: {  	_ =	swait.ge [sflag:s8], $0x1000  }
0xcf: {  	[sflag:s8] =	ssyncset.done $0x0  }
0xd0: {  	s30 =	sadd.s32 $0x480, s29;
	[sflag:s8] =	ssyncadd.s32 $0xFFFFF000  }
0xd1: {  	[tilespmem:s11], [sflag:$0x2] =	stream.indirect.gather [spmem:s3], $0x20, s30, s10, $0xb8;
	[tilespmem:$0x18800] =	vst v63  }
0xd2: {  	_ =	swait.ge [sflag:s20], $0x1000  }
0xd3: {  	[sflag:s20] =	ssyncset.done $0x0  }
0xd4: {  	s30 =	sadd.s32 $0x2D00, s29;
	[sflag:s20] =	ssyncadd.s32 $0xFFFFF000  }
0xd5: {  	[spmem:s2] =	stream.indirect.scatter.add.f32 [tilespmem:s12], [sflag:$0x9], $0x20, s30, s10, $0xb8;
	[tilespmem:$0x18800] =	vst v63  }
0xd6: {  	_ =	swait.ge [sflag:s8], $0x1000  }
0xd7: {  	[sflag:s8] =	ssyncset.done $0x0  }
0xd8: {  	s30 =	sadd.s32 $0x500, s29;
	[sflag:s8] =	ssyncadd.s32 $0xFFFFF000  }
0xd9: {  	[tilespmem:s12], [sflag:$0x3] =	stream.indirect.gather [spmem:s3], $0x20, s30, s10, $0xb8;
	[tilespmem:$0x18800] =	vst v63  }
0xda: {  	_ =	swait.ge [sflag:s21], $0x1000  }
0xdb: {  	[sflag:s21] =	ssyncset.done $0x0  }
0xdc: {  	s30 =	sadd.s32 $0x2D80, s29;
	[sflag:s21] =	ssyncadd.s32 $0xFFFFF000  }
0xdd: {  	[spmem:s2] =	stream.indirect.scatter.add.f32 [tilespmem:s13], [sflag:$0x9], $0x20, s30, s10, $0xb8;
	[tilespmem:$0x18800] =	vst v63  }
0xde: {  	_ =	swait.ge [sflag:s8], $0x1000  }
0xdf: {  	[sflag:s8] =	ssyncset.done $0x0  }
0xe0: {  	s30 =	sadd.s32 $0x580, s29;
	[sflag:s8] =	ssyncadd.s32 $0xFFFFF000  }
0xe1: {  	[tilespmem:s13], [sflag:$0x4] =	stream.indirect.gather [spmem:s3], $0x20, s30, s10, $0xb8;
	[tilespmem:$0x18800] =	vst v63  }
0xe2: {  	_ =	swait.ge [sflag:s22], $0x1000  }
0xe3: {  	[sflag:s22] =	ssyncset.done $0x0  }
0xe4: {  	s30 =	sadd.s32 $0x2E00, s29;
	[sflag:s22] =	ssyncadd.s32 $0xFFFFF000  }
0xe5: {  	[spmem:s2] =	stream.indirect.scatter.add.f32 [tilespmem:s14], [sflag:$0x9], $0x20, s30, s10, $0xb8;
	[tilespmem:$0x18800] =	vst v63  }
0xe6: {  	_ =	swait.ge [sflag:s8], $0x1000  }
0xe7: {  	[sflag:s8] =	ssyncset.done $0x0  }
0xe8: {  	s30 =	sadd.s32 $0x600, s29;
	[sflag:s8] =	ssyncadd.s32 $0xFFFFF000  }
0xe9: {  	[tilespmem:s14], [sflag:$0x5] =	stream.indirect.gather [spmem:s3], $0x20, s30, s10, $0xb8;
	[tilespmem:$0x18800] =	vst v63  }
0xea: {  	_ =	swait.ge [sflag:s23], $0x1000  }
0xeb: {  	[sflag:s23] =	ssyncset.done $0x0  }
0xec: {  	s30 =	sadd.s32 $0x2E80, s29;
	[sflag:s23] =	ssyncadd.s32 $0xFFFFF000  }
0xed: {  	[spmem:s2] =	stream.indirect.scatter.add.f32 [tilespmem:s15], [sflag:$0x9], $0x20, s30, s10, $0xb8;
	[tilespmem:$0x18800] =	vst v63  }
0xee: {  	_ =	swait.ge [sflag:s8], $0x1000  }
0xef: {  	[sflag:s8] =	ssyncset.done $0x0  }
0xf0: {  	s30 =	sadd.s32 $0x680, s29;
	[sflag:s8] =	ssyncadd.s32 $0xFFFFF000  }
0xf1: {  	[tilespmem:s15], [sflag:$0x6] =	stream.indirect.gather [spmem:s3], $0x20, s30, s10, $0xb8;
	[tilespmem:$0x18800] =	vst v63  }
0xf2: {  	_ =	swait.ge [sflag:s24], $0x1000  }
0xf3: {  	[sflag:s24] =	ssyncset.done $0x0  }
0xf4: {  	s30 =	sadd.s32 $0x2F00, s29;
	[sflag:s24] =	ssyncadd.s32 $0xFFFFF000  }
0xf5: {  	[spmem:s2] =	stream.indirect.scatter.add.f32 [tilespmem:s16], [sflag:$0x9], $0x20, s30, s10, $0xb8;
	[tilespmem:$0x18800] =	vst v63  }
0xf6: {  	_ =	swait.ge [sflag:s8], $0x1000  }
0xf7: {  	[sflag:s8] =	ssyncset.done $0x0  }
0xf8: {  	s30 =	sadd.s32 $0x700, s29;
	[sflag:s8] =	ssyncadd.s32 $0xFFFFF000  }
0xf9: {  	[tilespmem:s16], [sflag:$0x7] =	stream.indirect.gather [spmem:s3], $0x20, s30, s10, $0xb8;
	[tilespmem:$0x18800] =	vst v63  }
0xfa: {  	_ =	swait.ge [sflag:s25], $0x1000  }
0xfb: {  	[sflag:s25] =	ssyncset.done $0x0  }
.Ltmp0:
0xfc: {  	s30 =	sadd.s32 $0x2F80, s29;
	[sflag:s25] =	ssyncadd.s32 $0xFFFFF000;
	(pc) =	sbr.rel @p0 .LBB2_2-.Ltmp0, $4  }
0xfd: {  	[spmem:s2] =	stream.indirect.scatter.add.f32 [tilespmem:s17], [sflag:$0x9], $0x20, s30, s10, $0xb8;
	[tilespmem:$0x18800] =	vst v63  }
0xfe: {  	_ =	swait.ge [sflag:s8], $0x1000  }
0xff: {  	[sflag:s8] =	ssyncset.done $0x0  }
0x100: {  	s29 =	sadd.s32 $0x780, s29;
	[sflag:s8] =	ssyncadd.s32 $0xFFFFF000  }
0x101: {  	[tilespmem:s17], [sflag:$0x8] =	stream.indirect.gather [spmem:s3], $0x20, s29, s10, $0xb8;
	[tilespmem:$0x18800] =	vst v63  }
0x102: {  	_ =	swait.ge [sflag:s18], $0x1000  }
0x103: {  	[sflag:s18] =	ssyncset.done $0x0  }
0x104: {  	[sflag:s18] =	ssyncadd.s32 $0xFFFFF000  }
0x105: {  	_ =	swait.ge [sflag:s19], $0x1000  }
0x106: {  	[sflag:s19] =	ssyncset.done $0x0  }
0x107: {  	[sflag:s19] =	ssyncadd.s32 $0xFFFFF000  }
0x108: {  	_ =	swait.ge [sflag:s20], $0x1000  }
0x109: {  	[sflag:s20] =	ssyncset.done $0x0  }
0x10a: {  	[sflag:s20] =	ssyncadd.s32 $0xFFFFF000  }
0x10b: {  	_ =	swait.ge [sflag:s21], $0x1000  }
0x10c: {  	[sflag:s21] =	ssyncset.done $0x0  }
0x10d: {  	[sflag:s21] =	ssyncadd.s32 $0xFFFFF000  }
0x10e: {  	_ =	swait.ge [sflag:s22], $0x1000  }
0x10f: {  	[sflag:s22] =	ssyncset.done $0x0  }
0x110: {  	[sflag:s22] =	ssyncadd.s32 $0xFFFFF000  }
0x111: {  	_ =	swait.ge [sflag:s23], $0x1000  }
0x112: {  	[sflag:s23] =	ssyncset.done $0x0  }
0x113: {  	[sflag:s23] =	ssyncadd.s32 $0xFFFFF000  }
0x114: {  	_ =	swait.ge [sflag:s24], $0x1000  }
0x115: {  	[sflag:s24] =	ssyncset.done $0x0  }
0x116: {  	[sflag:s24] =	ssyncadd.s32 $0xFFFFF000  }
0x117: {  	_ =	swait.ge [sflag:s25], $0x1000  }
0x118: {  	[sflag:s25] =	ssyncset.done $0x0  }
0x119: {  	[sflag:s25] =	ssyncadd.s32 $0xFFFFF000  }
0x11a: {  	[bflag:$0x0] =	sbarrier.arrive $0xFFFF  }
0x11b: {  	s28 =	rddreg [dreg:$0x11]  }
0x11c: {  	[tilespmem:s7], [sflag:$0x9] =	stream.linear.gather [spmem:s28], $0x1000, $0x38;
	[tilespmem:$0x18800] =	vst v63  }
0x11d: {  	_ =	swait.ge [sflag:s8], $0x1000  }
0x11e: {  	[sflag:s8] =	ssyncset.done $0x0  }
0x11f: {  	s29 =	rddreg [dreg:$0xc];
	[sflag:s8] =	ssyncadd.s32 $0xFFFFF000  }
0x120: {  	[hbm4b:s29+s5] =	stream.linear.scatter [tilespmem:s7], [sflag:$0x9], $0x1000, $0x38;
	[tilespmem:$0x18800] =	vst v63  }
0x121: {  	_ =	swait.ge [sflag:s8], $0x1000  }
0x122: {  	[sflag:s8] =	ssyncset.done $0x0  }
0x123: {  	s30 =	rddreg [dreg:$0x15];
	[sflag:s8] =	ssyncadd.s32 $0xFFFFF000  }
0x124: {  	[tilespmem:s7], [sflag:$0x9] =	stream.linear.gather [spmem:s30], $0x1000, $0x38;
	[tilespmem:$0x18800] =	vst v63  }
0x125: {  	_ =	swait.ge [sflag:s8], $0x1000  }
0x126: {  	[sflag:s8] =	ssyncset.done $0x0  }
0x127: {  	s29 =	rddreg [dreg:$0xd];
	[sflag:s8] =	ssyncadd.s32 $0xFFFFF000  }
0x128: {  	[hbm4b:s29+s5] =	stream.linear.scatter [tilespmem:s7], [sflag:$0x9], $0x1000, $0x38;
	[tilespmem:$0x18800] =	vst v63  }
0x129: {  	_ =	swait.ge [sflag:s8], $0x1000  }
0x12a: {  	[sflag:s8] =	ssyncset.done $0x0  }
0x12b: {  	s30 =	rddreg [dreg:$0x17];
	[sflag:s8] =	ssyncadd.s32 $0xFFFFF000  }
0x12c: {  	[tilespmem:s7], [sflag:$0x9] =	stream.linear.gather [spmem:s30], $0x1000, $0x38;
	[tilespmem:$0x18800] =	vst v63  }
0x12d: {  	_ =	swait.ge [sflag:s8], $0x1000  }
0x12e: {  	[sflag:s8] =	ssyncset.done $0x0  }
0x12f: {  	s29 =	rddreg [dreg:$0xe];
	[sflag:s8] =	ssyncadd.s32 $0xFFFFF000  }
0x130: {  	[hbm4b:s29+s5] =	stream.linear.scatter [tilespmem:s7], [sflag:$0x9], $0x1000, $0x38;
	[tilespmem:$0x18800] =	vst v63  }
0x131: {  	_ =	swait.ge [sflag:s8], $0x1000  }
0x132: {  	[sflag:s8] =	ssyncset.done $0x0  }
0x133: {  	s30 =	rddreg [dreg:$0x19];
	[sflag:s8] =	ssyncadd.s32 $0xFFFFF000  }
0x134: {  	[tilespmem:s7], [sflag:$0x9] =	stream.linear.gather [spmem:s30], $0x1000, $0x38;
	[tilespmem:$0x18800] =	vst v63  }
0x135: {  	_ =	swait.ge [sflag:s8], $0x1000  }
0x136: {  	[sflag:s8] =	ssyncset.done $0x0  }
0x137: {  	s29 =	rddreg [dreg:$0xf];
	[sflag:s8] =	ssyncadd.s32 $0xFFFFF000  }
0x138: {  	[hbm4b:s29+s5] =	stream.linear.scatter [tilespmem:s7], [sflag:$0x9], $0x1000, $0x38;
	[tilespmem:$0x18800] =	vst v63  }
0x139: {  	_ =	swait.ge [sflag:s8], $0x1000  }
0x13a: {  	[sflag:s8] =	ssyncset.done $0x0  }
0x13b: {  	s30 =	rddreg [dreg:$0x1b];
	[sflag:s8] =	ssyncadd.s32 $0xFFFFF000  }
0x13c: {  	[tilespmem:s7], [sflag:$0x9] =	stream.linear.gather [spmem:s30], $0x1000, $0x38;
	[tilespmem:$0x18800] =	vst v63  }
0x13d: {  	_ =	swait.ge [sflag:s8], $0x1000  }
0x13e: {  	[sflag:s8] =	ssyncset.done $0x0  }
0x13f: {  	s29 =	rddreg [dreg:$0x10];
	[sflag:s8] =	ssyncadd.s32 $0xFFFFF000  }
0x140: {  	[hbm4b:s29+s5] =	stream.linear.scatter [tilespmem:s7], [sflag:$0x9], $0x1000, $0x38;
	[tilespmem:$0x18800] =	vst v63  }
0x141: {  	_ =	swait.ge [sflag:s8], $0x1000  }
0x142: {  	s26 =	sadd.s32 $0x1, s26;
	s30 =	rddreg [dreg:$0x12]  }
0x143: {  	p0 =	sne.s32 s26, s30  }
.Ltmp1:
0x144: {  	_ = 	snop;
	(pc) =	sbr.rel @p0 .LBB2_1-.Ltmp1, $3  }
0x145: {  	_ =	sdelay $0x1  }
0x146: {  	[sflag:s8] =	ssyncset.done $0x0  }
0x147: {  	[sflag:s8] =	ssyncadd.s32 $0xFFFFF000  }
0x148: {  	_ =	sfence.sel $0x180000  }
0x149: {  	[bflag:$0x0] =	sbarrier.arrive $0xFFFF  }
0x14a: {  	_ =	strace $0x9000004A  }
0x14b: {  	s0 =	stileid.u32;
	[bflag:$0x2] =	sbarrier.arrive $0xFFFF  }
0x14c: {  	p0 =	sne.s32 s0, $0x0;
	s0 =	rddreg [dreg:$0x4]  }
0x14d: {  	s0 =	sadd.s32 @!p0 $0x100000, s0  }
0x14e: {  	[sflag:s0] =	ssyncadd.tile.s32 @!p0 $0x1;
	_ =	shalt  }
.Lfunc_end2:
_tile_overlayer_lowered:
.L_overlay_start_2:
0x14f: {  	(tag) =	ssettag $0x2  }
0x150: {  	s0 =	rddreg [dreg:$0x0];
	s2 =	stileid.u32  }
0x151: {  	s1 =	rddreg [dreg:$0x1];
	p0 =	sne.s32 s2, $0x0  }
0x152: {  	s3 =	rddreg [dreg:$0x2];
	[bflag:$0x3] =	sbarrier.arrive $0xFFFF;
	s2 =	simm.s32 @!p0 $0x1C09  }
0x153: {  	[timem:s3], [sflag:s2] =	dma.local @!p0 [hbm:s0], s1  }
0x154: {  	s0 =	simm.s32 @!p0 $0x9  }
0x155: {  	_ =	swait.ge @!p0 [sflag:s0], s1  }
0x156: {  	s1 =	ssub.s32 @!p0 $0x0, s1;
	[sflag:s0] =	ssyncset.done @!p0 $0x0  }
0x157: {  	[sflag:s0] =	ssyncadd.s32 @!p0 s1  }
0x158: {  	[bflag:$0x3] =	sbarrier.arrive $0xFFFF  }
0x159: {  	_ =	shalt  }

// kernel: kernel.15.cloned.1.call-start
scs
__scs_entry_jumppad:
0x0: {  	(pc) =	sbr.rel $0x88, $3  }
0x1: {  	(tag) =	ssettag $0x0;
	lr =	simm.s32 $0x1  }
0x2: {  	[smem:$0x3F97] =	sst lr;
	_ =	strace $0xD0000000  }
0x3: {  	_ = 	snop  }
0x4: {  	_ = 	snop  }
0x5: {  	_ = 	snop  }
0x6: {  	_ = 	snop  }
0x7: {  	_ = 	snop  }
__scs_overlays_trampoline_lowered:
0x8: {  	[smem:$0x3FA6] =	sst s0  }
0x9: {  	[smem:$0x3FA7] =	sst s1  }
0xa: {  	[smem:$0x3FA8] =	sst s2  }
0xb: {  	[smem:$0x3FA9] =	sst s3  }
0xc: {  	[smem:$0x3FAA] =	sst s4  }
0xd: {  	[smem:$0x3FAB] =	sst s5  }
0xe: {  	[smem:$0x3FAC] =	sst s6  }
0xf: {  	[smem:$0x3FAD] =	sst s7  }
0x10: {  	[smem:$0x3FAE] =	sst s8  }
0x11: {  	[smem:$0x3FAF] =	sst s9;
	s0 =	simm.s32 @!p0 $0x0  }
0x12: {  	s1 =	sld [smem:$0x3F95];
	s0 =	simm.s32 @p0 $0x1  }
0x13: {  	[smem:$0x3FB0] =	sst s0;
	s0 =	simm.s32 @!p1 $0x0  }
0x14: {  	s2 =	sld [smem:$0x3F94];
	s0 =	simm.s32 @p1 $0x1  }
0x15: {  	[smem:$0x3FB1] =	sst s0;
	s0 =	simm.s32 @!p2 $0x0  }
0x16: {  	s3 =	sld [smem:$0x3FDB];
	s0 =	simm.s32 @p2 $0x1  }
0x17: {  	s4 =	simm.s32 $0x1BF5;
	[smem:$0x3FB3] =	sst s0  }
0x18: {  	s0 =	sld [smem:$0x3F96];
	_ =	swait.ge [sflag:s4], $0x0  }
0x19: {  	s7 =	sld [smem:$0x3F97]  }
0x1a: {  	s8 =	sadd.s32 $0xFFFFE003, lr  }
0x1b: {  	s9 =	sadd.s32 $0xFFFFFEF7, lr;
	s5 =	simm.s32 $0xFFFFFFFF;
	p2 =	slt.u32 s8, $0xFFFFF086  }
0x1c: {  	p1 =	slt.u32 s9, $0xF7A;
	s5 =	simm.s32 @!p2 $0x0  }
0x1d: {  	s5 =	simm.s32 @p1 $0x1;
	p0 =	seq.s32 s7, s2  }
0x1e: {  	s7 =	smul.u32 @!p0 $0xF7A, s2;
	p2 =	seq.s32 @!p0 s5, $0x0  }
0x1f: {  	s9 =	smul.u32 $0xF7A, s1;
	s8 =	simm.s32 @!p0 $0x1BF5;
	p2 =	por !p2, p0  }
0x20: {  	[sflag:s8] =	ssyncset.s32 @!p0 $0xFFFFF086;
	s6 =	sadd.s32 @!p0 s3, s7;
	s7 =	simm.s32 @!p0 $0x108  }
0x21: {  	s3 =	sadd.s32 s3, s9;
	s6 =	sadd.s32 @!p0 $0x88, s6;
	s7 =	simm.s32 @p2 $0x1082  }
0x22: {  	[simem:s7], [sflag:s8] =	dma.local @!p0 [hbm:s6], $0xF7A  }
0x23: {  	s9 =	sor.u32 $0xD0000000, s2;
	s6 =	simm.s32 $0x108;
	_ =	swait.ge @!p0 [sflag:s8], $0x0  }
0x24: {  	s3 =	sadd.s32 $0x88, s3;
	s6 =	simm.s32 @!p1 $0x1082;
	[sflag:s4] =	ssyncset.s32 $0xFFFFF086  }
0x25: {  	[simem:s6], [sflag:s4] =	dma.local [hbm:s3], $0xF7A  }
0x26: {  	[smem:$0x3F97] =	sst s1;
	(tag) =	ssettag s2;
	_ =	strace s9  }
0x27: {  	s1 =	sld [smem:$0x3FA7]  }
0x28: {  	s2 =	sld [smem:$0x3FA8]  }
0x29: {  	s4 =	sld [smem:$0x3FAA]  }
0x2a: {  	p0 =	seq.s32 s5, $0x0;
	s5 =	sld [smem:$0x3FAB]  }
0x2b: {  	s6 =	sld [smem:$0x3FAC]  }
0x2c: {  	s7 =	sld [smem:$0x3FAD]  }
0x2d: {  	s3 =	simm.s32 $0x108;
	s8 =	sld [smem:$0x3FAE]  }
0x2e: {  	s3 =	simm.s32 @!p0 $0x1082;
	s9 =	sld [smem:$0x3FAF]  }
0x2f: {  	lr =	sadd.s32 s0, s3;
	s0 =	sld [smem:$0x3FA6]  }
0x30: {  	s3 =	sld [smem:$0x3FA9]  }
0x31: {  	[smem:$0x3FB2] =	sst s10  }
0x32: {  	s10 =	sld [smem:$0x3FB0];
	_ =	sdelay $0x3  }
0x33: {  	p0 =	seq.s32 s10, $0x1;
	s10 =	sld [smem:$0x3FB2];
	_ =	sdelay $0x3  }
0x34: {  	[smem:$0x3FB2] =	sst s10  }
0x35: {  	s10 =	sld [smem:$0x3FB1];
	_ =	sdelay $0x3  }
0x36: {  	p1 =	seq.s32 s10, $0x1;
	s10 =	sld [smem:$0x3FB2];
	_ =	sdelay $0x3  }
0x37: {  	[smem:$0x3FB2] =	sst s10  }
0x38: {  	s10 =	sld [smem:$0x3FB3]  }
0x39: {  	_ = 	snop;
	(pc) =	sbr.ind lr, $3  }
0x3a: {  	_ = 	snop  }
0x3b: {  	_ = 	snop  }
0x3c: {  	p2 =	seq.s32 s10, $0x1;
	s10 =	sld [smem:$0x3FB2]  }
0x3d: {  	_ =	shalt  }
0x3e: {  	_ =	shalt  }
0x3f: {  	_ =	shalt  }
0x40: {  	_ =	shalt  }
0x41: {  	_ =	shalt  }
0x42: {  	_ =	shalt  }
0x43: {  	_ =	shalt  }
0x44: {  	_ =	shalt  }
0x45: {  	_ =	shalt  }
0x46: {  	_ =	shalt  }
0x47: {  	_ =	shalt  }
0x48: {  	_ =	shalt  }
0x49: {  	_ =	shalt  }
0x4a: {  	_ =	shalt  }
0x4b: {  	_ =	shalt  }
0x4c: {  	_ =	shalt  }
0x4d: {  	_ =	shalt  }
0x4e: {  	_ =	shalt  }
0x4f: {  	_ =	shalt  }
0x50: {  	_ =	shalt  }
0x51: {  	_ =	shalt  }
0x52: {  	_ =	shalt  }
0x53: {  	_ =	shalt  }
0x54: {  	_ =	shalt  }
0x55: {  	_ =	shalt  }
0x56: {  	_ =	shalt  }
0x57: {  	_ =	shalt  }
0x58: {  	_ =	shalt  }
0x59: {  	_ =	shalt  }
0x5a: {  	_ =	shalt  }
0x5b: {  	_ =	shalt  }
0x5c: {  	_ =	shalt  }
0x5d: {  	_ =	shalt  }
0x5e: {  	_ =	shalt  }
0x5f: {  	_ =	shalt  }
0x60: {  	_ =	shalt  }
0x61: {  	_ =	shalt  }
0x62: {  	_ =	shalt  }
0x63: {  	_ =	shalt  }
0x64: {  	_ =	shalt  }
0x65: {  	_ =	shalt  }
0x66: {  	_ =	shalt  }
0x67: {  	_ =	shalt  }
0x68: {  	_ =	shalt  }
0x69: {  	_ =	shalt  }
0x6a: {  	_ =	shalt  }
0x6b: {  	_ =	shalt  }
0x6c: {  	_ =	shalt  }
0x6d: {  	_ =	shalt  }
0x6e: {  	_ =	shalt  }
0x6f: {  	_ =	shalt  }
0x70: {  	_ =	shalt  }
0x71: {  	_ =	shalt  }
0x72: {  	_ =	shalt  }
0x73: {  	_ =	shalt  }
0x74: {  	_ =	shalt  }
0x75: {  	_ =	shalt  }
0x76: {  	_ =	shalt  }
0x77: {  	_ =	shalt  }
0x78: {  	_ =	shalt  }
0x79: {  	_ =	shalt  }
0x7a: {  	_ =	shalt  }
0x7b: {  	_ =	shalt  }
0x7c: {  	_ =	shalt  }
0x7d: {  	_ =	shalt  }
0x7e: {  	_ =	shalt  }
0x7f: {  	_ =	shalt  }
0x80: {  	_ =	shalt  }
0x81: {  	_ =	shalt  }
0x82: {  	_ =	shalt  }
0x83: {  	_ =	shalt  }
0x84: {  	_ =	shalt  }
0x85: {  	_ =	shalt  }
0x86: {  	_ =	shalt  }
0x87: {  	_ =	shalt  }
.Lfunc_end0:
.L_simem_size_0:
called_computation.2_lowered:
.L_overlay_start_0:
0x88: {  	s2 =	sld [smem:$0x3FD9]  }
0x89: {  	s3 =	sld [smem:$0x3FFE];
	_ =	sdelay $0x1  }
0x8a: {  	s1 =	srdreg.scid  }
0x8b: {  	s0 =	sand.u32 $0x1, s1  }
0x8c: {  	s17 =	sshll.u32 s0, $0xA;
	s2 =	sadd.s32 s3, s2  }
0x8d: {  	s2 =	sadd.s32 s2, s17  }
0x8e: {  	[smem:$0x3FBE] =	sst s2  }
0x8f: {  	_ = 	snop  }
0x90: {  	s2 =	sld [smem:$0x3FD0];
	(tm) =	ssettm $0x1  }
0x91: {  	s18 =	sld [smem:$0x3FFB];
	_ =	sdelay $0x3  }
0x92: {  	_ =	strace s18  }
0x93: {  	s3 =	sld [smem:$0x3FFC];
	_ =	sdelay $0x3  }
0x94: {  	_ =	strace s3  }
0x95: {  	s3 =	sld [smem:$0x3FFD];
	_ =	sdelay $0x3  }
0x96: {  	_ =	strace s3  }
0x97: {  	_ =	strace $0x8FFFFFFF  }
0x98: {  	s19 =	sld [smem:$0x3FDB];
	_ =	sdelay $0x1  }
0x99: {  	s4 =	simm.s32 $_scs_section_size  }
0x9a: {  	s5 =	simm.s32 $_size__tile_overlayer_lowered;
	s6 =	simm.s32 $_tile_overlayer_lowered  }
0x9b: {  	s22 =	simm.s32 $0x1BFF;
	s21 =	sshll.u32 s6, $0x1;
	s3 =	sadd.s32 s4, s19  }
0x9c: {  	s7 =	simm.s32 $0x0;
	s20 =	sshll.u32 s5, $0x1;
	s5 =	sadd.s32 s21, s3  }
0x9d: {  	[timem:s7], [sflag:s22] =	dma.local [hbm:s5], s20  }
0x9e: {  	_ =	swait.ge [sflag:s22], s20  }
0x9f: {  	s4 =	ssub.s32 $0x0, s20;
	[sflag:s22] =	ssyncset.done $0x0  }
0xa0: {  	[sflag:s22] =	ssyncadd.s32 s4;
	_ =	sdelay $0x1  }
0xa1: {  	s23 =	simm.s32 $0x1B8B  }
0xa2: {  	_ =	swait.ge [sflag:s23], $0x1  }
0xa3: {  	[sflag:s23] =	ssyncset.done $0x0  }
0xa4: {  	s25 =	simm.s32 $0x1B8E;
	s24 =	sld [smem:$0x3FFE];
	[sflag:s23] =	ssyncadd.s32 $0xFFFFFFFF  }
0xa5: {  	s26 =	simm.s32 $execute0_lowered;
	[smem:$0x3FD2] =	sst s25  }
0xa6: {  	s5 =	sshll.u32 s26, $0x1;
	_ =	strace $0x8000004C;
	[dreg:$0x1] =	wrdreg $0xFFFFFFFF  }
0xa7: {  	s28 =	simm.s32 $_size_execute0_lowered;
	s3 =	sadd.s32 s3, s5;
	[dreg:$0x0] =	wrdreg $0x0  }
0xa8: {  	s5 =	sshll.u32 s28, $0x1;
	[dreg:$0x2] =	wrdreg s3  }
0xa9: {  	[dreg:$0x3] =	wrdreg s5  }
0xaa: {  	[dreg:$0x4] =	wrdreg $0xC0  }
0xab: {  	_ =	task [dreg:s7], $0x5FFFF  }
0xac: {  	[dreg:$0x1] =	wrdreg $0xFFFFFFFF  }
0xad: {  	[dreg:$0x0] =	wrdreg $0x60  }
0xae: {  	[dreg:$0x2] =	wrdreg s24  }
0xaf: {  	[dreg:$0x3] =	wrdreg s2  }
0xb0: {  	[dreg:$0x4] =	wrdreg $0xE8000  }
0xb1: {  	[dreg:$0x5] =	wrdreg $0x138000  }
0xb2: {  	[dreg:$0x6] =	wrdreg $0x9  }
0xb3: {  	_ =	task.clear_ibuf [dreg:s7], $0x7FFFF;
	_ =	strace $0x9000004C  }
0xb4: {  	s29 =	simm.s32 $0x9;
	_ =	strace $0x8000004E  }
0xb5: {  	_ =	swait.ge [sflag:s29], $0x1  }
0xb6: {  	[sflag:s29] =	ssyncadd.s32 $0xFFFFFFFF  }
0xb7: {  	_ =	strace $0x9000004E  }
0xb8: {  	_ =	sfence  }
0xb9: {  	s30 =	sld [smem:$0x0];
	_ =	sdelay $0x2  }
0xba: {  	s31 =	sshll.u32 s1, $0xD;
	s1 =	sshrl.u32 s1, $0x2  }
0xbb: {  	s3 =	sand.u32 $0x4000, s31;
	s1 =	sadd.s32 s1, s30  }
0xbc: {  	s0 =	sor.u32 s3, s0;
	s1 =	sshll.u32 s1, $0x11  }
0xbd: {  	s0 =	sor.u32 s1, s0  }
0xbe: {  	s0 =	sadd.s32 $0x8F2B, s0  }
0xbf: {  	[sflag:s0] =	ssyncadd.remote.s32 $0x1  }
0xc0: {  	_ =	sfence.sel $0xFFFF  }
0xc1: {  	[dreg:$0x0] =	wrdreg $0xFFFFFFFF;
	(pc) =	sbr.abs _section_cstart, $3  }
0xc2: {  	[dreg:$0x1] =	wrdreg $0xFFFFFFFF  }
0xc3: {  	_ =	task.clear_ibuf [dreg:s7], $0x2FFFF;
	_ =	strace $0x9FFFFFFF  }
0xc4: {  	(tm) =	ssettm $0x7FFFFFFF  }
0xc5: {  	_ =	shalt  }
tec
execute0_lowered:
.L_overlay_start_1:
0x0: {  	(tag) =	ssettag $0x1  }
0x1: {  	s0 =	rddreg [dreg:$0x0]  }
0x2: {  	s2 =	rddreg [dreg:$0x2]  }
0x3: {  	s3 =	rddreg [dreg:$0x3];
	s1 =	srdreg.scid  }
0x4: {  	s5 =	simm.s32 $0x0;
	s10 =	stileid.u32;
	s1 =	sand.u32 $0x1, s1  }
0x5: {  	[smem:$0x7FF] =	sst s5;
	s7 =	sadd.s32 $0x6C200, s0;
	s8 =	smul.u32 $0x14000, s10  }
0x6: {  	s4 =	sshll.u32 s1, $0x4;
	_ =	strace $0x8000004D;
	s6 =	ssub.s32 $0x2, s1  }
0x7: {  	s1 =	smul.u32 $0x50000, s1;
	s4 =	sor.u32 s10, s4;
	s9 =	sshrl.u32 s6, $0x1  }
0x8: {  	s10 =	smul.u32 $0x5000, s10;
	s20 =	sshrl.u32 s8, $0x2;
	s8 =	simm.s32 $0x9  }
0x9: {  	s4 =	smul.u32 $0x500, s4;
	s9 =	ssub.s32 s6, s9;
	s6 =	sadd.s32 s20, s2  }
0xa: {  	s22 =	sshrl.u32 s10, $0x3;
	s24 =	sadd.s32 $0x1000, s10;
	s25 =	sadd.s32 $0x2000, s10  }
0xb: {  	s11 =	sadd.s32 $0x3000, s10;
	s29 =	sadd.s32 s1, s10;
	s19 =	sadd.s32 s10, s2  }
0xc: {  	s20 =	smax.u32 s9, $0x1;
	s31 =	sadd.s32 $0x1000, s6;
	s9 =	simm.s32 $0x5800  }
0xd: {  	s4 =	sadd.s32 s4, s0;
	s0 =	sadd.s32 $0x76200, s0;
	s23 =	sadd.s32 s7, s22  }
0xe: {  	s12 =	sshrl.u32 s24, $0x3;
	s13 =	sshrl.u32 s25, $0x3;
	[dreg:$0x11] =	wrdreg s19  }
0xf: {  	s14 =	sshrl.u32 s11, $0x3;
	s30 =	sadd.s32 s1, s24;
	[dreg:$0x12] =	wrdreg s20  }
0x10: {  	s16 =	sadd.s32 s1, s25;
	s22 =	sadd.s32 s24, s3;
	[dreg:$0x7] =	wrdreg s23  }
0x11: {  	s17 =	sadd.s32 s1, s11;
	s21 =	sadd.s32 $0x12000, s4;
	[dreg:$0x14] =	wrdreg s22  }
0x12: {  	s19 =	simm.s32 $0x2;
	s4 =	sadd.s32 $0x2C00, s4;
	[dreg:$0x5] =	wrdreg s21  }
0x13: {  	s20 =	simm.s32 $0x3;
	s12 =	sadd.s32 s7, s12;
	[dreg:$0x6] =	wrdreg s4  }
0x14: {  	s26 =	sadd.s32 s7, s13;
	s28 =	sadd.s32 s7, s14;
	[dreg:$0x8] =	wrdreg s12  }
0x15: {  	s13 =	sshrl.u32 s29, $0x3;
	s14 =	sshrl.u32 s30, $0x3;
	[dreg:$0x9] =	wrdreg s26  }
0x16: {  	s23 =	sadd.s32 s24, s2;
	s24 =	sadd.s32 s25, s3;
	[dreg:$0xa] =	wrdreg s28  }
0x17: {  	s25 =	sadd.s32 s25, s2;
	s22 =	simm.s32 $0x5;
	[dreg:$0x15] =	wrdreg s23  }
0x18: {  	s12 =	sadd.s32 $0x4000, s10;
	s13 =	sadd.s32 s0, s13;
	[dreg:$0x16] =	wrdreg s24  }
0x19: {  	s21 =	sadd.s32 s10, s3;
	[dreg:$0x17] =	wrdreg s25;
	s26 =	sadd.s32 s11, s3  }
0x1a: {  	s28 =	sadd.s32 s11, s2;
	s4 =	sadd.s32 $0x3000, s6;
	s10 =	simm.s32 $0x80  }
0x1b: {  	s11 =	simm.s32 $0x6800;
	s23 =	simm.s32 $0x6;
	[dreg:$0xc] =	wrdreg s13  }
0x1c: {  	s24 =	simm.s32 $0x7;
	s25 =	simm.s32 $0x8;
	[dreg:$0x13] =	wrdreg s21  }
0x1d: {  	s15 =	sshrl.u32 s12, $0x3;
	s1 =	sadd.s32 s1, s12;
	[dreg:$0x18] =	wrdreg s26  }
0x1e: {  	s13 =	sshrl.u32 s17, $0x3;
	[dreg:$0x19] =	wrdreg s28;
	s29 =	sadd.s32 s12, s3  }
0x1f: {  	s30 =	sadd.s32 s12, s2;
	s12 =	simm.s32 $0x7800;
	s17 =	simm.s32 $0xC800  }
0x20: {  	s21 =	simm.s32 $0x4;
	s26 =	simm.s32 $0x0;
	[dreg:$0x1a] =	wrdreg s29  }
0x21: {  	s7 =	sadd.s32 s7, s15;
	s15 =	sadd.s32 s0, s14;
	[dreg:$0x1b] =	wrdreg s30  }
0x22: {  	s1 =	sshrl.u32 s1, $0x3;
	s18 =	sadd.s32 s0, s13;
	[dreg:$0xb] =	wrdreg s7  }
0x23: {  	s13 =	simm.s32 $0x8800;
	s14 =	simm.s32 $0x9800;
	[dreg:$0xd] =	wrdreg s15  }
0x24: {  	s7 =	sshrl.u32 s16, $0x3;
	[dreg:$0xf] =	wrdreg s18;
	s15 =	simm.s32 $0xA800  }
0x25: {  	s16 =	simm.s32 $0xB800;
	s18 =	simm.s32 $0x1;
	s7 =	sadd.s32 s0, s7  }
0x26: {  	s0 =	sadd.s32 s0, s1;
	s1 =	sadd.s32 $0x4000, s6;
	[dreg:$0xe] =	wrdreg s7  }
0x27: {  	[dreg:$0x10] =	wrdreg s0;
	s0 =	sadd.s32 $0x2000, s6;
	s7 =	simm.s32 $0xD800  }
.LBB2_1:
0x28: {  	s28 =	rddreg [dreg:$0x1]  }
0x29: {  	[tilespmem:s7], [sflag:$0x9] =	stream.linear.gather [hbm4b:s28+s5], $0x1000, $0x38;
	[tilespmem:$0x18800] =	vst v63  }
0x2a: {  	_ =	swait.ge [sflag:s8], $0x1000  }
0x2b: {  	[sflag:s8] =	ssyncset.done $0x0  }
0x2c: {  	[sflag:s8] =	ssyncadd.s32 $0xFFFFF000  }
0x2d: {  	[spmem:s6] =	stream.linear.scatter [tilespmem:s7], [sflag:$0x9], $0x1000, $0x38;
	[tilespmem:$0x18800] =	vst v63  }
0x2e: {  	_ =	swait.ge [sflag:s8], $0x1000  }
0x2f: {  	[sflag:s8] =	ssyncset.done $0x0  }
0x30: {  	[sflag:s8] =	ssyncadd.s32 $0xFFFFF000  }
0x31: {  	[spmem:s31] =	stream.linear.scatter [tilespmem:s7], [sflag:$0x9], $0x1000, $0x38;
	[tilespmem:$0x18800] =	vst v63  }
0x32: {  	_ =	swait.ge [sflag:s8], $0x1000  }
0x33: {  	[sflag:s8] =	ssyncset.done $0x0  }
0x34: {  	[sflag:s8] =	ssyncadd.s32 $0xFFFFF000  }
0x35: {  	[spmem:s0] =	stream.linear.scatter [tilespmem:s7], [sflag:$0x9], $0x1000, $0x38;
	[tilespmem:$0x18800] =	vst v63  }
0x36: {  	_ =	swait.ge [sflag:s8], $0x1000  }
0x37: {  	[sflag:s8] =	ssyncset.done $0x0  }
0x38: {  	[sflag:s8] =	ssyncadd.s32 $0xFFFFF000  }
0x39: {  	[spmem:s4] =	stream.linear.scatter [tilespmem:s7], [sflag:$0x9], $0x1000, $0x38;
	[tilespmem:$0x18800] =	vst v63  }
0x3a: {  	_ =	swait.ge [sflag:s8], $0x1000  }
0x3b: {  	[sflag:s8] =	ssyncset.done $0x0  }
0x3c: {  	[sflag:s8] =	ssyncadd.s32 $0xFFFFF000  }
0x3d: {  	[spmem:s1] =	stream.linear.scatter [tilespmem:s7], [sflag:$0x9], $0x1000, $0x38;
	[tilespmem:$0x18800] =	vst v63  }
0x3e: {  	_ =	swait.ge [sflag:s8], $0x1000  }
0x3f: {  	[sflag:s8] =	ssyncset.done $0x0  }
0x40: {  	s28 =	rddreg [dreg:$0x7];
	[sflag:s8] =	ssyncadd.s32 $0xFFFFF000  }
0x41: {  	[tilespmem:s9], [sflag:$0x9] =	stream.linear.gather [hbm4b:s28+s5], $0x1000, $0x38;
	[tilespmem:$0x18800] =	vst v63  }
0x42: {  	_ =	swait.ge [sflag:s8], $0x1000  }
0x43: {  	[sflag:s8] =	ssyncset.done $0x0  }
0x44: {  	s28 =	rddreg [dreg:$0x13];
	[sflag:s8] =	ssyncadd.s32 $0xFFFFF000  }
0x45: {  	[spmem:s28] =	stream.linear.scatter [tilespmem:s9], [sflag:$0x9], $0x1000, $0x38;
	[tilespmem:$0x18800] =	vst v63  }
0x46: {  	_ =	swait.ge [sflag:s8], $0x1000  }
0x47: {  	[sflag:s8] =	ssyncset.done $0x0  }
0x48: {  	s28 =	rddreg [dreg:$0x8];
	[sflag:s8] =	ssyncadd.s32 $0xFFFFF000  }
0x49: {  	[tilespmem:s9], [sflag:$0x9] =	stream.linear.gather [hbm4b:s28+s5], $0x1000, $0x38;
	[tilespmem:$0x18800] =	vst v63  }
0x4a: {  	_ =	swait.ge [sflag:s8], $0x1000  }
0x4b: {  	[sflag:s8] =	ssyncset.done $0x0  }
0x4c: {  	s28 =	rddreg [dreg:$0x14];
	[sflag:s8] =	ssyncadd.s32 $0xFFFFF000  }
0x4d: {  	[spmem:s28] =	stream.linear.scatter [tilespmem:s9], [sflag:$0x9], $0x1000, $0x38;
	[tilespmem:$0x18800] =	vst v63  }
0x4e: {  	_ =	swait.ge [sflag:s8], $0x1000  }
0x4f: {  	[sflag:s8] =	ssyncset.done $0x0  }
0x50: {  	s28 =	rddreg [dreg:$0x9];
	[sflag:s8] =	ssyncadd.s32 $0xFFFFF000  }
0x51: {  	[tilespmem:s9], [sflag:$0x9] =	stream.linear.gather [hbm4b:s28+s5], $0x1000, $0x38;
	[tilespmem:$0x18800] =	vst v63  }
0x52: {  	_ =	swait.ge [sflag:s8], $0x1000  }
0x53: {  	[sflag:s8] =	ssyncset.done $0x0  }
0x54: {  	s28 =	rddreg [dreg:$0x16];
	[sflag:s8] =	ssyncadd.s32 $0xFFFFF000  }
0x55: {  	[spmem:s28] =	stream.linear.scatter [tilespmem:s9], [sflag:$0x9], $0x1000, $0x38;
	[tilespmem:$0x18800] =	vst v63  }
0x56: {  	_ =	swait.ge [sflag:s8], $0x1000  }
0x57: {  	[sflag:s8] =	ssyncset.done $0x0  }
0x58: {  	s28 =	rddreg [dreg:$0xa];
	[sflag:s8] =	ssyncadd.s32 $0xFFFFF000  }
0x59: {  	[tilespmem:s9], [sflag:$0x9] =	stream.linear.gather [hbm4b:s28+s5], $0x1000, $0x38;
	[tilespmem:$0x18800] =	vst v63  }
0x5a: {  	_ =	swait.ge [sflag:s8], $0x1000  }
0x5b: {  	[sflag:s8] =	ssyncset.done $0x0  }
0x5c: {  	s28 =	rddreg [dreg:$0x18];
	[sflag:s8] =	ssyncadd.s32 $0xFFFFF000  }
0x5d: {  	[spmem:s28] =	stream.linear.scatter [tilespmem:s9], [sflag:$0x9], $0x1000, $0x38;
	[tilespmem:$0x18800] =	vst v63  }
0x5e: {  	_ =	swait.ge [sflag:s8], $0x1000  }
0x5f: {  	[sflag:s8] =	ssyncset.done $0x0  }
0x60: {  	s28 =	rddreg [dreg:$0xb];
	[sflag:s8] =	ssyncadd.s32 $0xFFFFF000  }
0x61: {  	[tilespmem:s9], [sflag:$0x9] =	stream.linear.gather [hbm4b:s28+s5], $0x1000, $0x38;
	[tilespmem:$0x18800] =	vst v63  }
0x62: {  	_ =	swait.ge [sflag:s8], $0x1000  }
0x63: {  	[sflag:s8] =	ssyncset.done $0x0  }
0x64: {  	s28 =	rddreg [dreg:$0x1a];
	[sflag:s8] =	ssyncadd.s32 $0xFFFFF000  }
0x65: {  	[spmem:s28] =	stream.linear.scatter [tilespmem:s9], [sflag:$0x9], $0x1000, $0x38;
	[tilespmem:$0x18800] =	vst v63  }
0x66: {  	_ =	swait.ge [sflag:s8], $0x1000  }
0x67: {  	[sflag:s8] =	ssyncset.done $0x0  }
0x68: {  	s28 =	rddreg [dreg:$0x5];
	[sflag:s8] =	ssyncadd.s32 $0xFFFFF000  }
0x69: {  	[tilespmem:s5], [sflag:$0x9] =	stream.linear.gather [hbm4b:s28+s5], $0x2C00, $0x38;
	[tilespmem:$0x18800] =	vst v63  }
0x6a: {  	_ =	swait.ge [sflag:s8], $0x2C00  }
0x6b: {  	[sflag:s8] =	ssyncset.done $0x0  }
0x6c: {  	s29 =	simm.s32 $0x2C00;
	s28 =	rddreg [dreg:$0x6];
	[sflag:s8] =	ssyncadd.s32 $0xFFFFD400  }
0x6d: {  	[tilespmem:s29], [sflag:$0x9] =	stream.linear.gather [hbm4b:s28+s5], $0x2C00, $0x38;
	[tilespmem:$0x18800] =	vst v63  }
0x6e: {  	_ =	swait.ge [sflag:s8], $0x2C00  }
0x6f: {  	[sflag:s8] =	ssyncset.done $0x0  }
0x70: {  	[sflag:s8] =	ssyncadd.s32 $0xFFFFD400  }
0x71: {  	[bflag:$0x0] =	sbarrier.arrive $0xFFFF  }
0x72: {  	[tilespmem:s9], [sflag:$0x1] =	stream.indirect.gather [spmem:s3], $0x20, s5, s10, $0xb8;
	[tilespmem:$0x18800] =	vst v63  }
0x73: {  	_ = 	snop  }
0x74: {  	[tilespmem:s11], [sflag:$0x2] =	stream.indirect.gather [spmem:s3], $0x20, s10, s10, $0xb8;
	[tilespmem:$0x18800] =	vst v63  }
0x75: {  	s28 =	simm.s32 $0x100  }
0x76: {  	[tilespmem:s12], [sflag:$0x3] =	stream.indirect.gather [spmem:s3], $0x20, s28, s10, $0xb8;
	[tilespmem:$0x18800] =	vst v63  }
0x77: {  	s28 =	simm.s32 $0x180  }
0x78: {  	[tilespmem:s13], [sflag:$0x4] =	stream.indirect.gather [spmem:s3], $0x20, s28, s10, $0xb8;
	[tilespmem:$0x18800] =	vst v63  }
0x79: {  	s28 =	simm.s32 $0x200  }
0x7a: {  	[tilespmem:s14], [sflag:$0x5] =	stream.indirect.gather [spmem:s3], $0x20, s28, s10, $0xb8;
	[tilespmem:$0x18800] =	vst v63  }
0x7b: {  	s28 =	simm.s32 $0x280  }
0x7c: {  	[tilespmem:s15], [sflag:$0x6] =	stream.indirect.gather [spmem:s3], $0x20, s28, s10, $0xb8;
	[tilespmem:$0x18800] =	vst v63  }
0x7d: {  	s28 =	simm.s32 $0x300  }
0x7e: {  	[tilespmem:s16], [sflag:$0x7] =	stream.indirect.gather [spmem:s3], $0x20, s28, s10, $0xb8;
	[tilespmem:$0x18800] =	vst v63  }
0x7f: {  	s28 =	simm.s32 $0x380  }
0x80: {  	[tilespmem:s17], [sflag:$0x8] =	stream.indirect.gather [spmem:s3], $0x20, s28, s10, $0xb8;
	[tilespmem:$0x18800] =	vst v63  }
0x81: {  	_ =	swait.ge [sflag:s18], $0x1000  }
0x82: {  	[sflag:s18] =	ssyncset.done $0x0  }
0x83: {  	s28 =	simm.s32 $0x2C00;
	[sflag:s18] =	ssyncadd.s32 $0xFFFFF000  }
0x84: {  	[spmem:s2] =	stream.indirect.scatter.add.f32 [tilespmem:s9], [sflag:$0x9], $0x20, s28, s10, $0xb8;
	[tilespmem:$0x18800] =	vst v63  }
0x85: {  	_ =	swait.ge [sflag:s8], $0x1000  }
0x86: {  	[sflag:s8] =	ssyncset.done $0x0  }
0x87: {  	s28 =	simm.s32 $0x400;
	[sflag:s8] =	ssyncadd.s32 $0xFFFFF000  }
0x88: {  	[tilespmem:s9], [sflag:$0x1] =	stream.indirect.gather [spmem:s3], $0x20, s28, s10, $0xb8;
	[tilespmem:$0x18800] =	vst v63  }
0x89: {  	_ =	swait.ge [sflag:s19], $0x1000  }
0x8a: {  	[sflag:s19] =	ssyncset.done $0x0  }
0x8b: {  	s28 =	simm.s32 $0x2C80;
	[sflag:s19] =	ssyncadd.s32 $0xFFFFF000  }
0x8c: {  	[spmem:s2] =	stream.indirect.scatter.add.f32 [tilespmem:s11], [sflag:$0x9], $0x20, s28, s10, $0xb8;
	[tilespmem:$0x18800] =	vst v63  }
0x8d: {  	_ =	swait.ge [sflag:s8], $0x1000  }
0x8e: {  	[sflag:s8] =	ssyncset.done $0x0  }
0x8f: {  	s28 =	simm.s32 $0x480;
	[sflag:s8] =	ssyncadd.s32 $0xFFFFF000  }
0x90: {  	[tilespmem:s11], [sflag:$0x2] =	stream.indirect.gather [spmem:s3], $0x20, s28, s10, $0xb8;
	[tilespmem:$0x18800] =	vst v63  }
0x91: {  	_ =	swait.ge [sflag:s20], $0x1000  }
0x92: {  	[sflag:s20] =	ssyncset.done $0x0  }
0x93: {  	s28 =	simm.s32 $0x2D00;
	[sflag:s20] =	ssyncadd.s32 $0xFFFFF000  }
0x94: {  	[spmem:s2] =	stream.indirect.scatter.add.f32 [tilespmem:s12], [sflag:$0x9], $0x20, s28, s10, $0xb8;
	[tilespmem:$0x18800] =	vst v63  }
0x95: {  	_ =	swait.ge [sflag:s8], $0x1000  }
0x96: {  	[sflag:s8] =	ssyncset.done $0x0  }
0x97: {  	s28 =	simm.s32 $0x500;
	[sflag:s8] =	ssyncadd.s32 $0xFFFFF000  }
0x98: {  	[tilespmem:s12], [sflag:$0x3] =	stream.indirect.gather [spmem:s3], $0x20, s28, s10, $0xb8;
	[tilespmem:$0x18800] =	vst v63  }
0x99: {  	_ =	swait.ge [sflag:s21], $0x1000  }
0x9a: {  	[sflag:s21] =	ssyncset.done $0x0  }
0x9b: {  	s28 =	simm.s32 $0x2D80;
	[sflag:s21] =	ssyncadd.s32 $0xFFFFF000  }
0x9c: {  	[spmem:s2] =	stream.indirect.scatter.add.f32 [tilespmem:s13], [sflag:$0x9], $0x20, s28, s10, $0xb8;
	[tilespmem:$0x18800] =	vst v63  }
0x9d: {  	_ =	swait.ge [sflag:s8], $0x1000  }
0x9e: {  	[sflag:s8] =	ssyncset.done $0x0  }
0x9f: {  	s28 =	simm.s32 $0x580;
	[sflag:s8] =	ssyncadd.s32 $0xFFFFF000  }
0xa0: {  	[tilespmem:s13], [sflag:$0x4] =	stream.indirect.gather [spmem:s3], $0x20, s28, s10, $0xb8;
	[tilespmem:$0x18800] =	vst v63  }
0xa1: {  	_ =	swait.ge [sflag:s22], $0x1000  }
0xa2: {  	[sflag:s22] =	ssyncset.done $0x0  }
0xa3: {  	s28 =	simm.s32 $0x2E00;
	[sflag:s22] =	ssyncadd.s32 $0xFFFFF000  }
0xa4: {  	[spmem:s2] =	stream.indirect.scatter.add.f32 [tilespmem:s14], [sflag:$0x9], $0x20, s28, s10, $0xb8;
	[tilespmem:$0x18800] =	vst v63  }
0xa5: {  	_ =	swait.ge [sflag:s8], $0x1000  }
0xa6: {  	[sflag:s8] =	ssyncset.done $0x0  }
0xa7: {  	s28 =	simm.s32 $0x600;
	[sflag:s8] =	ssyncadd.s32 $0xFFFFF000  }
0xa8: {  	[tilespmem:s14], [sflag:$0x5] =	stream.indirect.gather [spmem:s3], $0x20, s28, s10, $0xb8;
	[tilespmem:$0x18800] =	vst v63  }
0xa9: {  	_ =	swait.ge [sflag:s23], $0x1000  }
0xaa: {  	[sflag:s23] =	ssyncset.done $0x0  }
0xab: {  	s28 =	simm.s32 $0x2E80;
	[sflag:s23] =	ssyncadd.s32 $0xFFFFF000  }
0xac: {  	[spmem:s2] =	stream.indirect.scatter.add.f32 [tilespmem:s15], [sflag:$0x9], $0x20, s28, s10, $0xb8;
	[tilespmem:$0x18800] =	vst v63  }
0xad: {  	_ =	swait.ge [sflag:s8], $0x1000  }
0xae: {  	[sflag:s8] =	ssyncset.done $0x0  }
0xaf: {  	s28 =	simm.s32 $0x680;
	[sflag:s8] =	ssyncadd.s32 $0xFFFFF000  }
0xb0: {  	[tilespmem:s15], [sflag:$0x6] =	stream.indirect.gather [spmem:s3], $0x20, s28, s10, $0xb8;
	[tilespmem:$0x18800] =	vst v63  }
0xb1: {  	_ =	swait.ge [sflag:s24], $0x1000  }
0xb2: {  	[sflag:s24] =	ssyncset.done $0x0  }
0xb3: {  	s28 =	simm.s32 $0x2F00;
	[sflag:s24] =	ssyncadd.s32 $0xFFFFF000  }
0xb4: {  	[spmem:s2] =	stream.indirect.scatter.add.f32 [tilespmem:s16], [sflag:$0x9], $0x20, s28, s10, $0xb8;
	[tilespmem:$0x18800] =	vst v63  }
0xb5: {  	_ =	swait.ge [sflag:s8], $0x1000  }
0xb6: {  	[sflag:s8] =	ssyncset.done $0x0  }
0xb7: {  	s28 =	simm.s32 $0x700;
	[sflag:s8] =	ssyncadd.s32 $0xFFFFF000  }
0xb8: {  	[tilespmem:s16], [sflag:$0x7] =	stream.indirect.gather [spmem:s3], $0x20, s28, s10, $0xb8;
	[tilespmem:$0x18800] =	vst v63  }
0xb9: {  	_ =	swait.ge [sflag:s25], $0x1000  }
0xba: {  	[sflag:s25] =	ssyncset.done $0x0  }
0xbb: {  	s28 =	simm.s32 $0x2F80;
	[sflag:s25] =	ssyncadd.s32 $0xFFFFF000  }
0xbc: {  	[spmem:s2] =	stream.indirect.scatter.add.f32 [tilespmem:s17], [sflag:$0x9], $0x20, s28, s10, $0xb8;
	[tilespmem:$0x18800] =	vst v63  }
0xbd: {  	_ =	swait.ge [sflag:s8], $0x1000  }
0xbe: {  	[sflag:s8] =	ssyncset.done $0x0  }
0xbf: {  	s29 =	simm.s32 $0x780;
	s28 =	simm.s32 $0x1000;
	[sflag:s8] =	ssyncadd.s32 $0xFFFFF000  }
.LBB2_2:
0xc0: {  	[tilespmem:s17], [sflag:$0x8] =	stream.indirect.gather [spmem:s3], $0x20, s29, s10, $0xb8;
	[tilespmem:$0x18800] =	vst v63  }
0xc1: {  	s29 =	smov.u32 s28  }
0xc2: {  	p0 =	sne.s32 s28, $0x9000;
	s28 =	sadd.s32 $0x1000, s28;
	_ =	swait.ge [sflag:s18], $0x1000  }
0xc3: {  	s29 =	sshra.s32 s29, $0x2;
	[sflag:s18] =	ssyncset.done $0x0  }
0xc4: {  	s30 =	sadd.s32 $0x2C00, s29;
	[sflag:s18] =	ssyncadd.s32 $0xFFFFF000  }
0xc5: {  	[spmem:s2] =	stream.indirect.scatter.add.f32 [tilespmem:s9], [sflag:$0x9], $0x20, s30, s10, $0xb8;
	[tilespmem:$0x18800] =	vst v63  }
0xc6: {  	_ =	swait.ge [sflag:s8], $0x1000  }
0xc7: {  	[sflag:s8] =	ssyncset.done $0x0  }
0xc8: {  	s30 =	sadd.s32 $0x400, s29;
	[sflag:s8] =	ssyncadd.s32 $0xFFFFF000  }
0xc9: {  	[tilespmem:s9], [sflag:$0x1] =	stream.indirect.gather [spmem:s3], $0x20, s30, s10, $0xb8;
	[tilespmem:$0x18800] =	vst v63  }
0xca: {  	_ =	swait.ge [sflag:s19], $0x1000  }
0xcb: {  	[sflag:s19] =	ssyncset.done $0x0  }
0xcc: {  	s30 =	sadd.s32 $0x2C80, s29;
	[sflag:s19] =	ssyncadd.s32 $0xFFFFF000  }
0xcd: {  	[spmem:s2] =	stream.indirect.scatter.add.f32 [tilespmem:s11], [sflag:$0x9], $0x20, s30, s10, $0xb8;
	[tilespmem:$0x18800] =	vst v63  }
0xce: {  	_ =	swait.ge [sflag:s8], $0x1000  }
0xcf: {  	[sflag:s8] =	ssyncset.done $0x0  }
0xd0: {  	s30 =	sadd.s32 $0x480, s29;
	[sflag:s8] =	ssyncadd.s32 $0xFFFFF000  }
0xd1: {  	[tilespmem:s11], [sflag:$0x2] =	stream.indirect.gather [spmem:s3], $0x20, s30, s10, $0xb8;
	[tilespmem:$0x18800] =	vst v63  }
0xd2: {  	_ =	swait.ge [sflag:s20], $0x1000  }
0xd3: {  	[sflag:s20] =	ssyncset.done $0x0  }
0xd4: {  	s30 =	sadd.s32 $0x2D00, s29;
	[sflag:s20] =	ssyncadd.s32 $0xFFFFF000  }
0xd5: {  	[spmem:s2] =	stream.indirect.scatter.add.f32 [tilespmem:s12], [sflag:$0x9], $0x20, s30, s10, $0xb8;
	[tilespmem:$0x18800] =	vst v63  }
0xd6: {  	_ =	swait.ge [sflag:s8], $0x1000  }
0xd7: {  	[sflag:s8] =	ssyncset.done $0x0  }
0xd8: {  	s30 =	sadd.s32 $0x500, s29;
	[sflag:s8] =	ssyncadd.s32 $0xFFFFF000  }
0xd9: {  	[tilespmem:s12], [sflag:$0x3] =	stream.indirect.gather [spmem:s3], $0x20, s30, s10, $0xb8;
	[tilespmem:$0x18800] =	vst v63  }
0xda: {  	_ =	swait.ge [sflag:s21], $0x1000  }
0xdb: {  	[sflag:s21] =	ssyncset.done $0x0  }
0xdc: {  	s30 =	sadd.s32 $0x2D80, s29;
	[sflag:s21] =	ssyncadd.s32 $0xFFFFF000  }
0xdd: {  	[spmem:s2] =	stream.indirect.scatter.add.f32 [tilespmem:s13], [sflag:$0x9], $0x20, s30, s10, $0xb8;
	[tilespmem:$0x18800] =	vst v63  }
0xde: {  	_ =	swait.ge [sflag:s8], $0x1000  }
0xdf: {  	[sflag:s8] =	ssyncset.done $0x0  }
0xe0: {  	s30 =	sadd.s32 $0x580, s29;
	[sflag:s8] =	ssyncadd.s32 $0xFFFFF000  }
0xe1: {  	[tilespmem:s13], [sflag:$0x4] =	stream.indirect.gather [spmem:s3], $0x20, s30, s10, $0xb8;
	[tilespmem:$0x18800] =	vst v63  }
0xe2: {  	_ =	swait.ge [sflag:s22], $0x1000  }
0xe3: {  	[sflag:s22] =	ssyncset.done $0x0  }
0xe4: {  	s30 =	sadd.s32 $0x2E00, s29;
	[sflag:s22] =	ssyncadd.s32 $0xFFFFF000  }
0xe5: {  	[spmem:s2] =	stream.indirect.scatter.add.f32 [tilespmem:s14], [sflag:$0x9], $0x20, s30, s10, $0xb8;
	[tilespmem:$0x18800] =	vst v63  }
0xe6: {  	_ =	swait.ge [sflag:s8], $0x1000  }
0xe7: {  	[sflag:s8] =	ssyncset.done $0x0  }
0xe8: {  	s30 =	sadd.s32 $0x600, s29;
	[sflag:s8] =	ssyncadd.s32 $0xFFFFF000  }
0xe9: {  	[tilespmem:s14], [sflag:$0x5] =	stream.indirect.gather [spmem:s3], $0x20, s30, s10, $0xb8;
	[tilespmem:$0x18800] =	vst v63  }
0xea: {  	_ =	swait.ge [sflag:s23], $0x1000  }
0xeb: {  	[sflag:s23] =	ssyncset.done $0x0  }
0xec: {  	s30 =	sadd.s32 $0x2E80, s29;
	[sflag:s23] =	ssyncadd.s32 $0xFFFFF000  }
0xed: {  	[spmem:s2] =	stream.indirect.scatter.add.f32 [tilespmem:s15], [sflag:$0x9], $0x20, s30, s10, $0xb8;
	[tilespmem:$0x18800] =	vst v63  }
0xee: {  	_ =	swait.ge [sflag:s8], $0x1000  }
0xef: {  	[sflag:s8] =	ssyncset.done $0x0  }
0xf0: {  	s30 =	sadd.s32 $0x680, s29;
	[sflag:s8] =	ssyncadd.s32 $0xFFFFF000  }
0xf1: {  	[tilespmem:s15], [sflag:$0x6] =	stream.indirect.gather [spmem:s3], $0x20, s30, s10, $0xb8;
	[tilespmem:$0x18800] =	vst v63  }
0xf2: {  	_ =	swait.ge [sflag:s24], $0x1000  }
0xf3: {  	[sflag:s24] =	ssyncset.done $0x0  }
0xf4: {  	s30 =	sadd.s32 $0x2F00, s29;
	[sflag:s24] =	ssyncadd.s32 $0xFFFFF000  }
0xf5: {  	[spmem:s2] =	stream.indirect.scatter.add.f32 [tilespmem:s16], [sflag:$0x9], $0x20, s30, s10, $0xb8;
	[tilespmem:$0x18800] =	vst v63  }
0xf6: {  	_ =	swait.ge [sflag:s8], $0x1000  }
0xf7: {  	[sflag:s8] =	ssyncset.done $0x0  }
0xf8: {  	s30 =	sadd.s32 $0x700, s29;
	[sflag:s8] =	ssyncadd.s32 $0xFFFFF000  }
0xf9: {  	[tilespmem:s16], [sflag:$0x7] =	stream.indirect.gather [spmem:s3], $0x20, s30, s10, $0xb8;
	[tilespmem:$0x18800] =	vst v63  }
0xfa: {  	_ =	swait.ge [sflag:s25], $0x1000  }
0xfb: {  	[sflag:s25] =	ssyncset.done $0x0  }
.Ltmp0:
0xfc: {  	s30 =	sadd.s32 $0x2F80, s29;
	[sflag:s25] =	ssyncadd.s32 $0xFFFFF000;
	(pc) =	sbr.rel @p0 .LBB2_2-.Ltmp0, $4  }
0xfd: {  	[spmem:s2] =	stream.indirect.scatter.add.f32 [tilespmem:s17], [sflag:$0x9], $0x20, s30, s10, $0xb8;
	[tilespmem:$0x18800] =	vst v63  }
0xfe: {  	_ =	swait.ge [sflag:s8], $0x1000  }
0xff: {  	[sflag:s8] =	ssyncset.done $0x0  }
0x100: {  	s29 =	sadd.s32 $0x780, s29;
	[sflag:s8] =	ssyncadd.s32 $0xFFFFF000  }
0x101: {  	[tilespmem:s17], [sflag:$0x8] =	stream.indirect.gather [spmem:s3], $0x20, s29, s10, $0xb8;
	[tilespmem:$0x18800] =	vst v63  }
0x102: {  	_ =	swait.ge [sflag:s18], $0x1000  }
0x103: {  	[sflag:s18] =	ssyncset.done $0x0  }
0x104: {  	[sflag:s18] =	ssyncadd.s32 $0xFFFFF000  }
0x105: {  	_ =	swait.ge [sflag:s19], $0x1000  }
0x106: {  	[sflag:s19] =	ssyncset.done $0x0  }
0x107: {  	[sflag:s19] =	ssyncadd.s32 $0xFFFFF000  }
0x108: {  	_ =	swait.ge [sflag:s20], $0x1000  }
0x109: {  	[sflag:s20] =	ssyncset.done $0x0  }
0x10a: {  	[sflag:s20] =	ssyncadd.s32 $0xFFFFF000  }
0x10b: {  	_ =	swait.ge [sflag:s21], $0x1000  }
0x10c: {  	[sflag:s21] =	ssyncset.done $0x0  }
0x10d: {  	[sflag:s21] =	ssyncadd.s32 $0xFFFFF000  }
0x10e: {  	_ =	swait.ge [sflag:s22], $0x1000  }
0x10f: {  	[sflag:s22] =	ssyncset.done $0x0  }
0x110: {  	[sflag:s22] =	ssyncadd.s32 $0xFFFFF000  }
0x111: {  	_ =	swait.ge [sflag:s23], $0x1000  }
0x112: {  	[sflag:s23] =	ssyncset.done $0x0  }
0x113: {  	[sflag:s23] =	ssyncadd.s32 $0xFFFFF000  }
0x114: {  	_ =	swait.ge [sflag:s24], $0x1000  }
0x115: {  	[sflag:s24] =	ssyncset.done $0x0  }
0x116: {  	[sflag:s24] =	ssyncadd.s32 $0xFFFFF000  }
0x117: {  	_ =	swait.ge [sflag:s25], $0x1000  }
0x118: {  	[sflag:s25] =	ssyncset.done $0x0  }
0x119: {  	[sflag:s25] =	ssyncadd.s32 $0xFFFFF000  }
0x11a: {  	[bflag:$0x0] =	sbarrier.arrive $0xFFFF  }
0x11b: {  	s28 =	rddreg [dreg:$0x11]  }
0x11c: {  	[tilespmem:s7], [sflag:$0x9] =	stream.linear.gather [spmem:s28], $0x1000, $0x38;
	[tilespmem:$0x18800] =	vst v63  }
0x11d: {  	_ =	swait.ge [sflag:s8], $0x1000  }
0x11e: {  	[sflag:s8] =	ssyncset.done $0x0  }
0x11f: {  	s29 =	rddreg [dreg:$0xc];
	[sflag:s8] =	ssyncadd.s32 $0xFFFFF000  }
0x120: {  	[hbm4b:s29+s5] =	stream.linear.scatter [tilespmem:s7], [sflag:$0x9], $0x1000, $0x38;
	[tilespmem:$0x18800] =	vst v63  }
0x121: {  	_ =	swait.ge [sflag:s8], $0x1000  }
0x122: {  	[sflag:s8] =	ssyncset.done $0x0  }
0x123: {  	s30 =	rddreg [dreg:$0x15];
	[sflag:s8] =	ssyncadd.s32 $0xFFFFF000  }
0x124: {  	[tilespmem:s7], [sflag:$0x9] =	stream.linear.gather [spmem:s30], $0x1000, $0x38;
	[tilespmem:$0x18800] =	vst v63  }
0x125: {  	_ =	swait.ge [sflag:s8], $0x1000  }
0x126: {  	[sflag:s8] =	ssyncset.done $0x0  }
0x127: {  	s29 =	rddreg [dreg:$0xd];
	[sflag:s8] =	ssyncadd.s32 $0xFFFFF000  }
0x128: {  	[hbm4b:s29+s5] =	stream.linear.scatter [tilespmem:s7], [sflag:$0x9], $0x1000, $0x38;
	[tilespmem:$0x18800] =	vst v63  }
0x129: {  	_ =	swait.ge [sflag:s8], $0x1000  }
0x12a: {  	[sflag:s8] =	ssyncset.done $0x0  }
0x12b: {  	s30 =	rddreg [dreg:$0x17];
	[sflag:s8] =	ssyncadd.s32 $0xFFFFF000  }
0x12c: {  	[tilespmem:s7], [sflag:$0x9] =	stream.linear.gather [spmem:s30], $0x1000, $0x38;
	[tilespmem:$0x18800] =	vst v63  }
0x12d: {  	_ =	swait.ge [sflag:s8], $0x1000  }
0x12e: {  	[sflag:s8] =	ssyncset.done $0x0  }
0x12f: {  	s29 =	rddreg [dreg:$0xe];
	[sflag:s8] =	ssyncadd.s32 $0xFFFFF000  }
0x130: {  	[hbm4b:s29+s5] =	stream.linear.scatter [tilespmem:s7], [sflag:$0x9], $0x1000, $0x38;
	[tilespmem:$0x18800] =	vst v63  }
0x131: {  	_ =	swait.ge [sflag:s8], $0x1000  }
0x132: {  	[sflag:s8] =	ssyncset.done $0x0  }
0x133: {  	s30 =	rddreg [dreg:$0x19];
	[sflag:s8] =	ssyncadd.s32 $0xFFFFF000  }
0x134: {  	[tilespmem:s7], [sflag:$0x9] =	stream.linear.gather [spmem:s30], $0x1000, $0x38;
	[tilespmem:$0x18800] =	vst v63  }
0x135: {  	_ =	swait.ge [sflag:s8], $0x1000  }
0x136: {  	[sflag:s8] =	ssyncset.done $0x0  }
0x137: {  	s29 =	rddreg [dreg:$0xf];
	[sflag:s8] =	ssyncadd.s32 $0xFFFFF000  }
0x138: {  	[hbm4b:s29+s5] =	stream.linear.scatter [tilespmem:s7], [sflag:$0x9], $0x1000, $0x38;
	[tilespmem:$0x18800] =	vst v63  }
0x139: {  	_ =	swait.ge [sflag:s8], $0x1000  }
0x13a: {  	[sflag:s8] =	ssyncset.done $0x0  }
0x13b: {  	s30 =	rddreg [dreg:$0x1b];
	[sflag:s8] =	ssyncadd.s32 $0xFFFFF000  }
0x13c: {  	[tilespmem:s7], [sflag:$0x9] =	stream.linear.gather [spmem:s30], $0x1000, $0x38;
	[tilespmem:$0x18800] =	vst v63  }
0x13d: {  	_ =	swait.ge [sflag:s8], $0x1000  }
0x13e: {  	[sflag:s8] =	ssyncset.done $0x0  }
0x13f: {  	s29 =	rddreg [dreg:$0x10];
	[sflag:s8] =	ssyncadd.s32 $0xFFFFF000  }
0x140: {  	[hbm4b:s29+s5] =	stream.linear.scatter [tilespmem:s7], [sflag:$0x9], $0x1000, $0x38;
	[tilespmem:$0x18800] =	vst v63  }
0x141: {  	_ =	swait.ge [sflag:s8], $0x1000  }
0x142: {  	s26 =	sadd.s32 $0x1, s26;
	s30 =	rddreg [dreg:$0x12]  }
0x143: {  	p0 =	sne.s32 s26, s30  }
.Ltmp1:
0x144: {  	_ = 	snop;
	(pc) =	sbr.rel @p0 .LBB2_1-.Ltmp1, $3  }
0x145: {  	_ =	sdelay $0x1  }
0x146: {  	[sflag:s8] =	ssyncset.done $0x0  }
0x147: {  	[sflag:s8] =	ssyncadd.s32 $0xFFFFF000  }
0x148: {  	_ =	sfence.sel $0x180000  }
0x149: {  	[bflag:$0x0] =	sbarrier.arrive $0xFFFF  }
0x14a: {  	_ =	strace $0x9000004D  }
0x14b: {  	s0 =	stileid.u32;
	[bflag:$0x2] =	sbarrier.arrive $0xFFFF  }
0x14c: {  	p0 =	sne.s32 s0, $0x0;
	s0 =	rddreg [dreg:$0x4]  }
0x14d: {  	s0 =	sadd.s32 @!p0 $0x100000, s0  }
0x14e: {  	[sflag:s0] =	ssyncadd.tile.s32 @!p0 $0x1;
	_ =	shalt  }
.Lfunc_end2:
_tile_overlayer_lowered:
.L_overlay_start_2:
0x14f: {  	(tag) =	ssettag $0x2  }
0x150: {  	s0 =	rddreg [dreg:$0x0];
	s2 =	stileid.u32  }
0x151: {  	s1 =	rddreg [dreg:$0x1];
	p0 =	sne.s32 s2, $0x0  }
0x152: {  	s3 =	rddreg [dreg:$0x2];
	[bflag:$0x3] =	sbarrier.arrive $0xFFFF;
	s2 =	simm.s32 @!p0 $0x1C09  }
0x153: {  	[timem:s3], [sflag:s2] =	dma.local @!p0 [hbm:s0], s1  }
0x154: {  	s0 =	simm.s32 @!p0 $0x9  }
0x155: {  	_ =	swait.ge @!p0 [sflag:s0], s1  }
0x156: {  	s1 =	ssub.s32 @!p0 $0x0, s1;
	[sflag:s0] =	ssyncset.done @!p0 $0x0  }
0x157: {  	[sflag:s0] =	ssyncadd.s32 @!p0 s1  }
0x158: {  	[bflag:$0x3] =	sbarrier.arrive $0xFFFF  }
0x159: {  	_ =	shalt  }

// kernel: kernel.9.cloned.1.call-start
scs
__scs_entry_jumppad:
0x0: {  	(pc) =	sbr.rel $0x88, $3  }
0x1: {  	(tag) =	ssettag $0x0;
	lr =	simm.s32 $0x1  }
0x2: {  	[smem:$0x3F97] =	sst lr;
	_ =	strace $0xD0000000  }
0x3: {  	_ = 	snop  }
0x4: {  	_ = 	snop  }
0x5: {  	_ = 	snop  }
0x6: {  	_ = 	snop  }
0x7: {  	_ = 	snop  }
__scs_overlays_trampoline_lowered:
0x8: {  	[smem:$0x3FA6] =	sst s0  }
0x9: {  	[smem:$0x3FA7] =	sst s1  }
0xa: {  	[smem:$0x3FA8] =	sst s2  }
0xb: {  	[smem:$0x3FA9] =	sst s3  }
0xc: {  	[smem:$0x3FAA] =	sst s4  }
0xd: {  	[smem:$0x3FAB] =	sst s5  }
0xe: {  	[smem:$0x3FAC] =	sst s6  }
0xf: {  	[smem:$0x3FAD] =	sst s7  }
0x10: {  	[smem:$0x3FAE] =	sst s8  }
0x11: {  	[smem:$0x3FAF] =	sst s9;
	s0 =	simm.s32 @!p0 $0x0  }
0x12: {  	s1 =	sld [smem:$0x3F95];
	s0 =	simm.s32 @p0 $0x1  }
0x13: {  	[smem:$0x3FB0] =	sst s0;
	s0 =	simm.s32 @!p1 $0x0  }
0x14: {  	s2 =	sld [smem:$0x3F94];
	s0 =	simm.s32 @p1 $0x1  }
0x15: {  	[smem:$0x3FB1] =	sst s0;
	s0 =	simm.s32 @!p2 $0x0  }
0x16: {  	s3 =	sld [smem:$0x3FDB];
	s0 =	simm.s32 @p2 $0x1  }
0x17: {  	s4 =	simm.s32 $0x1BF5;
	[smem:$0x3FB3] =	sst s0  }
0x18: {  	s0 =	sld [smem:$0x3F96];
	_ =	swait.ge [sflag:s4], $0x0  }
0x19: {  	s7 =	sld [smem:$0x3F97]  }
0x1a: {  	s8 =	sadd.s32 $0xFFFFE003, lr  }
0x1b: {  	s9 =	sadd.s32 $0xFFFFFEF7, lr;
	s5 =	simm.s32 $0xFFFFFFFF;
	p2 =	slt.u32 s8, $0xFFFFF086  }
0x1c: {  	p1 =	slt.u32 s9, $0xF7A;
	s5 =	simm.s32 @!p2 $0x0  }
0x1d: {  	s5 =	simm.s32 @p1 $0x1;
	p0 =	seq.s32 s7, s2  }
0x1e: {  	s7 =	smul.u32 @!p0 $0xF7A, s2;
	p2 =	seq.s32 @!p0 s5, $0x0  }
0x1f: {  	s9 =	smul.u32 $0xF7A, s1;
	s8 =	simm.s32 @!p0 $0x1BF5;
	p2 =	por !p2, p0  }
0x20: {  	[sflag:s8] =	ssyncset.s32 @!p0 $0xFFFFF086;
	s6 =	sadd.s32 @!p0 s3, s7;
	s7 =	simm.s32 @!p0 $0x108  }
0x21: {  	s3 =	sadd.s32 s3, s9;
	s6 =	sadd.s32 @!p0 $0x88, s6;
	s7 =	simm.s32 @p2 $0x1082  }
0x22: {  	[simem:s7], [sflag:s8] =	dma.local @!p0 [hbm:s6], $0xF7A  }
0x23: {  	s9 =	sor.u32 $0xD0000000, s2;
	s6 =	simm.s32 $0x108;
	_ =	swait.ge @!p0 [sflag:s8], $0x0  }
0x24: {  	s3 =	sadd.s32 $0x88, s3;
	s6 =	simm.s32 @!p1 $0x1082;
	[sflag:s4] =	ssyncset.s32 $0xFFFFF086  }
0x25: {  	[simem:s6], [sflag:s4] =	dma.local [hbm:s3], $0xF7A  }
0x26: {  	[smem:$0x3F97] =	sst s1;
	(tag) =	ssettag s2;
	_ =	strace s9  }
0x27: {  	s1 =	sld [smem:$0x3FA7]  }
0x28: {  	s2 =	sld [smem:$0x3FA8]  }
0x29: {  	s4 =	sld [smem:$0x3FAA]  }
0x2a: {  	p0 =	seq.s32 s5, $0x0;
	s5 =	sld [smem:$0x3FAB]  }
0x2b: {  	s6 =	sld [smem:$0x3FAC]  }
0x2c: {  	s7 =	sld [smem:$0x3FAD]  }
0x2d: {  	s3 =	simm.s32 $0x108;
	s8 =	sld [smem:$0x3FAE]  }
0x2e: {  	s3 =	simm.s32 @!p0 $0x1082;
	s9 =	sld [smem:$0x3FAF]  }
0x2f: {  	lr =	sadd.s32 s0, s3;
	s0 =	sld [smem:$0x3FA6]  }
0x30: {  	s3 =	sld [smem:$0x3FA9]  }
0x31: {  	[smem:$0x3FB2] =	sst s10  }
0x32: {  	s10 =	sld [smem:$0x3FB0];
	_ =	sdelay $0x3  }
0x33: {  	p0 =	seq.s32 s10, $0x1;
	s10 =	sld [smem:$0x3FB2];
	_ =	sdelay $0x3  }
0x34: {  	[smem:$0x3FB2] =	sst s10  }
0x35: {  	s10 =	sld [smem:$0x3FB1];
	_ =	sdelay $0x3  }
0x36: {  	p1 =	seq.s32 s10, $0x1;
	s10 =	sld [smem:$0x3FB2];
	_ =	sdelay $0x3  }
0x37: {  	[smem:$0x3FB2] =	sst s10  }
0x38: {  	s10 =	sld [smem:$0x3FB3]  }
0x39: {  	_ = 	snop;
	(pc) =	sbr.ind lr, $3  }
0x3a: {  	_ = 	snop  }
0x3b: {  	_ = 	snop  }
0x3c: {  	p2 =	seq.s32 s10, $0x1;
	s10 =	sld [smem:$0x3FB2]  }
0x3d: {  	_ =	shalt  }
0x3e: {  	_ =	shalt  }
0x3f: {  	_ =	shalt  }
0x40: {  	_ =	shalt  }
0x41: {  	_ =	shalt  }
0x42: {  	_ =	shalt  }
0x43: {  	_ =	shalt  }
0x44: {  	_ =	shalt  }
0x45: {  	_ =	shalt  }
0x46: {  	_ =	shalt  }
0x47: {  	_ =	shalt  }
0x48: {  	_ =	shalt  }
0x49: {  	_ =	shalt  }
0x4a: {  	_ =	shalt  }
0x4b: {  	_ =	shalt  }
0x4c: {  	_ =	shalt  }
0x4d: {  	_ =	shalt  }
0x4e: {  	_ =	shalt  }
0x4f: {  	_ =	shalt  }
0x50: {  	_ =	shalt  }
0x51: {  	_ =	shalt  }
0x52: {  	_ =	shalt  }
0x53: {  	_ =	shalt  }
0x54: {  	_ =	shalt  }
0x55: {  	_ =	shalt  }
0x56: {  	_ =	shalt  }
0x57: {  	_ =	shalt  }
0x58: {  	_ =	shalt  }
0x59: {  	_ =	shalt  }
0x5a: {  	_ =	shalt  }
0x5b: {  	_ =	shalt  }
0x5c: {  	_ =	shalt  }
0x5d: {  	_ =	shalt  }
0x5e: {  	_ =	shalt  }
0x5f: {  	_ =	shalt  }
0x60: {  	_ =	shalt  }
0x61: {  	_ =	shalt  }
0x62: {  	_ =	shalt  }
0x63: {  	_ =	shalt  }
0x64: {  	_ =	shalt  }
0x65: {  	_ =	shalt  }
0x66: {  	_ =	shalt  }
0x67: {  	_ =	shalt  }
0x68: {  	_ =	shalt  }
0x69: {  	_ =	shalt  }
0x6a: {  	_ =	shalt  }
0x6b: {  	_ =	shalt  }
0x6c: {  	_ =	shalt  }
0x6d: {  	_ =	shalt  }
0x6e: {  	_ =	shalt  }
0x6f: {  	_ =	shalt  }
0x70: {  	_ =	shalt  }
0x71: {  	_ =	shalt  }
0x72: {  	_ =	shalt  }
0x73: {  	_ =	shalt  }
0x74: {  	_ =	shalt  }
0x75: {  	_ =	shalt  }
0x76: {  	_ =	shalt  }
0x77: {  	_ =	shalt  }
0x78: {  	_ =	shalt  }
0x79: {  	_ =	shalt  }
0x7a: {  	_ =	shalt  }
0x7b: {  	_ =	shalt  }
0x7c: {  	_ =	shalt  }
0x7d: {  	_ =	shalt  }
0x7e: {  	_ =	shalt  }
0x7f: {  	_ =	shalt  }
0x80: {  	_ =	shalt  }
0x81: {  	_ =	shalt  }
0x82: {  	_ =	shalt  }
0x83: {  	_ =	shalt  }
0x84: {  	_ =	shalt  }
0x85: {  	_ =	shalt  }
0x86: {  	_ =	shalt  }
0x87: {  	_ =	shalt  }
.Lfunc_end0:
.L_simem_size_0:
called_computation_lowered:
.L_overlay_start_0:
0x88: {  	s2 =	sld [smem:$0x3FD9]  }
0x89: {  	s3 =	sld [smem:$0x3FFE];
	_ =	sdelay $0x1  }
0x8a: {  	s1 =	srdreg.scid  }
0x8b: {  	s0 =	sand.u32 $0x1, s1  }
0x8c: {  	s17 =	sshll.u32 s0, $0xA;
	s2 =	sadd.s32 s3, s2  }
0x8d: {  	s2 =	sadd.s32 s2, s17  }
0x8e: {  	[smem:$0x3FBE] =	sst s2  }
0x8f: {  	_ = 	snop  }
0x90: {  	s2 =	sld [smem:$0x3FD0];
	(tm) =	ssettm $0x1  }
0x91: {  	s18 =	sld [smem:$0x3FFB];
	_ =	sdelay $0x3  }
0x92: {  	_ =	strace s18  }
0x93: {  	s3 =	sld [smem:$0x3FFC];
	_ =	sdelay $0x3  }
0x94: {  	_ =	strace s3  }
0x95: {  	s3 =	sld [smem:$0x3FFD];
	_ =	sdelay $0x3  }
0x96: {  	_ =	strace s3  }
0x97: {  	_ =	strace $0x8FFFFFFF  }
0x98: {  	s19 =	sld [smem:$0x3FDB];
	_ =	sdelay $0x1  }
0x99: {  	s4 =	simm.s32 $_scs_section_size  }
0x9a: {  	s5 =	simm.s32 $_size__tile_overlayer_lowered;
	s6 =	simm.s32 $_tile_overlayer_lowered  }
0x9b: {  	s22 =	simm.s32 $0x1BFF;
	s21 =	sshll.u32 s6, $0x1;
	s3 =	sadd.s32 s4, s19  }
0x9c: {  	s7 =	simm.s32 $0x0;
	s20 =	sshll.u32 s5, $0x1;
	s5 =	sadd.s32 s21, s3  }
0x9d: {  	[timem:s7], [sflag:s22] =	dma.local [hbm:s5], s20  }
0x9e: {  	_ =	swait.ge [sflag:s22], s20  }
0x9f: {  	s4 =	ssub.s32 $0x0, s20;
	[sflag:s22] =	ssyncset.done $0x0  }
0xa0: {  	[sflag:s22] =	ssyncadd.s32 s4;
	_ =	sdelay $0x1  }
0xa1: {  	s23 =	simm.s32 $0x1B8B  }
0xa2: {  	_ =	swait.ge [sflag:s23], $0x1  }
0xa3: {  	[sflag:s23] =	ssyncset.done $0x0  }
0xa4: {  	s25 =	simm.s32 $0x1B8E;
	s24 =	sld [smem:$0x3FFE];
	[sflag:s23] =	ssyncadd.s32 $0xFFFFFFFF  }
0xa5: {  	s26 =	simm.s32 $execute0_lowered;
	[smem:$0x3FD2] =	sst s25  }
0xa6: {  	s5 =	sshll.u32 s26, $0x1;
	_ =	strace $0x80000046;
	[dreg:$0x1] =	wrdreg $0xFFFFFFFF  }
0xa7: {  	s28 =	simm.s32 $_size_execute0_lowered;
	s3 =	sadd.s32 s3, s5;
	[dreg:$0x0] =	wrdreg $0x0  }
0xa8: {  	s5 =	sshll.u32 s28, $0x1;
	[dreg:$0x2] =	wrdreg s3  }
0xa9: {  	[dreg:$0x3] =	wrdreg s5  }
0xaa: {  	[dreg:$0x4] =	wrdreg $0xC0  }
0xab: {  	_ =	task [dreg:s7], $0x5FFFF  }
0xac: {  	[dreg:$0x1] =	wrdreg $0xFFFFFFFF  }
0xad: {  	[dreg:$0x0] =	wrdreg $0x60  }
0xae: {  	[dreg:$0x2] =	wrdreg s24  }
0xaf: {  	[dreg:$0x3] =	wrdreg s2  }
0xb0: {  	[dreg:$0x4] =	wrdreg $0x30000  }
0xb1: {  	[dreg:$0x5] =	wrdreg $0x9  }
0xb2: {  	_ =	task.clear_ibuf [dreg:s7], $0x6FFFF;
	_ =	strace $0x90000046  }
0xb3: {  	s29 =	simm.s32 $0x9;
	_ =	strace $0x80000048  }
0xb4: {  	_ =	swait.ge [sflag:s29], $0x1  }
0xb5: {  	[sflag:s29] =	ssyncadd.s32 $0xFFFFFFFF  }
0xb6: {  	_ =	strace $0x90000048  }
0xb7: {  	_ =	sfence  }
0xb8: {  	s30 =	sld [smem:$0x0];
	_ =	sdelay $0x2  }
0xb9: {  	s31 =	sshll.u32 s1, $0xD;
	s1 =	sshrl.u32 s1, $0x2  }
0xba: {  	s3 =	sand.u32 $0x4000, s31;
	s1 =	sadd.s32 s1, s30  }
0xbb: {  	s0 =	sor.u32 s3, s0;
	s1 =	sshll.u32 s1, $0x11  }
0xbc: {  	s0 =	sor.u32 s1, s0  }
0xbd: {  	s0 =	sadd.s32 $0x8F2B, s0  }
0xbe: {  	[sflag:s0] =	ssyncadd.remote.s32 $0x1  }
0xbf: {  	_ =	sfence.sel $0xFFFF  }
0xc0: {  	[dreg:$0x0] =	wrdreg $0xFFFFFFFF;
	(pc) =	sbr.abs _section_cstart, $3  }
0xc1: {  	[dreg:$0x1] =	wrdreg $0xFFFFFFFF  }
0xc2: {  	_ =	task.clear_ibuf [dreg:s7], $0x2FFFF;
	_ =	strace $0x9FFFFFFF  }
0xc3: {  	(tm) =	ssettm $0x7FFFFFFF  }
tec
execute0_lowered:
.L_overlay_start_1:
0x0: {  	(tag) =	ssettag $0x1  }
0x1: {  	s6 =	rddreg [dreg:$0x0]  }
0x2: {  	s0 =	srdreg.scid;
	s2 =	rddreg [dreg:$0x1]  }
0x3: {  	s3 =	rddreg [dreg:$0x2];
	s1 =	stileid.u32  }
0x4: {  	s4 =	simm.s32 $0x0;
	s25 =	simm.s32 $0x2800;
	s26 =	simm.s32 $0x80  }
0x5: {  	s8 =	sand.u32 $0x1, s0;
	s0 =	rddreg [dreg:$0x3];
	s7 =	smul.u32 $0x5000, s1  }
0x6: {  	s28 =	simm.s32 $0x0;
	[smem:$0x7FF] =	sst s4;
	s19 =	smul.u32 $0x1400, s1  }
0x7: {  	s22 =	sadd.s32 $0xD000, s6;
	s5 =	sshll.u32 s8, $0x4;
	_ =	strace $0x80000047  }
0x8: {  	s10 =	ssub.s32 $0x2, s8;
	s20 =	smul.u32 $0x14000, s8;
	s5 =	sor.u32 s1, s5  }
0x9: {  	s11 =	sshrl.u32 s10, $0x1;
	s7 =	sshrl.u32 s7, $0x2;
	s8 =	sadd.s32 s19, s3  }
0xa: {  	s15 =	sadd.s32 $0x400, s19;
	s17 =	sadd.s32 $0x800, s19;
	s21 =	sadd.s32 $0xC00, s19  }
0xb: {  	s24 =	sadd.s32 $0x1000, s19;
	s5 =	smul.u32 $0x500, s5;
	s10 =	ssub.s32 s10, s11  }
0xc: {  	s14 =	sadd.s32 s20, s19;
	s16 =	sadd.s32 s20, s15;
	s15 =	sadd.s32 s15, s3  }
0xd: {  	s18 =	sadd.s32 s20, s17;
	s17 =	sadd.s32 s17, s3;
	s23 =	sadd.s32 s20, s21  }
0xe: {  	s19 =	sadd.s32 s21, s3;
	s31 =	sadd.s32 s20, s24;
	s21 =	sadd.s32 s24, s3  }
0xf: {  	s24 =	simm.s32 $0x1;
	s14 =	sshrl.u32 s14, $0x3;
	s16 =	sshrl.u32 s16, $0x3  }
0x10: {  	s18 =	sshrl.u32 s18, $0x3;
	s30 =	sshrl.u32 s23, $0x3;
	s23 =	sshrl.u32 s31, $0x3  }
0x11: {  	s9 =	sadd.s32 s5, s6;
	s5 =	sadd.s32 $0xCE00, s6;
	s6 =	sadd.s32 s7, s3  }
0x12: {  	s14 =	sadd.s32 s22, s14;
	s16 =	sadd.s32 s22, s16;
	s18 =	sadd.s32 s22, s18  }
0x13: {  	s20 =	sadd.s32 s22, s30;
	s22 =	sadd.s32 s22, s23;
	s23 =	simm.s32 $0x2C00  }
0x14: {  	s7 =	sadd.s32 $0x2C00, s9;
	s9 =	smax.u32 s10, $0x1;
	s10 =	sadd.s32 $0x400, s6  }
0x15: {  	s11 =	sadd.s32 $0x800, s6;
	s12 =	sadd.s32 $0xC00, s6;
	s13 =	sadd.s32 $0x1000, s6  }
.LBB2_1:
0x16: {  	[tilespmem:s23], [sflag:$0x1] =	stream.linear.gather [hbm4b:s5+s4], $0x400, $0x38;
	[tilespmem:$0x4400] =	vst v63  }
0x17: {  	_ =	swait.ge [sflag:s24], $0x400  }
0x18: {  	[sflag:s24] =	ssyncset.done $0x0  }
0x19: {  	[sflag:s24] =	ssyncadd.s32 $0xFFFFFC00  }
0x1a: {  	[spmem:s6] =	stream.linear.scatter [tilespmem:s23], [sflag:$0x1], $0x400, $0x38;
	[tilespmem:$0x4400] =	vst v63  }
0x1b: {  	_ =	swait.ge [sflag:s24], $0x400  }
0x1c: {  	[sflag:s24] =	ssyncset.done $0x0  }
0x1d: {  	[sflag:s24] =	ssyncadd.s32 $0xFFFFFC00  }
0x1e: {  	[spmem:s10] =	stream.linear.scatter [tilespmem:s23], [sflag:$0x1], $0x400, $0x38;
	[tilespmem:$0x4400] =	vst v63  }
0x1f: {  	_ =	swait.ge [sflag:s24], $0x400  }
0x20: {  	[sflag:s24] =	ssyncset.done $0x0  }
0x21: {  	[sflag:s24] =	ssyncadd.s32 $0xFFFFFC00  }
0x22: {  	[spmem:s11] =	stream.linear.scatter [tilespmem:s23], [sflag:$0x1], $0x400, $0x38;
	[tilespmem:$0x4400] =	vst v63  }
0x23: {  	_ =	swait.ge [sflag:s24], $0x400  }
0x24: {  	[sflag:s24] =	ssyncset.done $0x0  }
0x25: {  	[sflag:s24] =	ssyncadd.s32 $0xFFFFFC00  }
0x26: {  	[spmem:s12] =	stream.linear.scatter [tilespmem:s23], [sflag:$0x1], $0x400, $0x38;
	[tilespmem:$0x4400] =	vst v63  }
0x27: {  	_ =	swait.ge [sflag:s24], $0x400  }
0x28: {  	[sflag:s24] =	ssyncset.done $0x0  }
0x29: {  	[sflag:s24] =	ssyncadd.s32 $0xFFFFFC00  }
0x2a: {  	[spmem:s13] =	stream.linear.scatter [tilespmem:s23], [sflag:$0x1], $0x400, $0x38;
	[tilespmem:$0x4400] =	vst v63  }
0x2b: {  	_ =	swait.ge [sflag:s24], $0x400  }
0x2c: {  	[sflag:s24] =	ssyncset.done $0x0  }
0x2d: {  	[sflag:s24] =	ssyncadd.s32 $0xFFFFFC00  }
0x2e: {  	[tilespmem:s25], [sflag:$0x1] =	stream.linear.gather [hbm4b:s2+s4], $0x400, $0x38;
	[tilespmem:$0x4400] =	vst v63  }
0x2f: {  	_ =	swait.ge [sflag:s24], $0x400  }
0x30: {  	[sflag:s24] =	ssyncset.done $0x0  }
0x31: {  	[sflag:s24] =	ssyncadd.s32 $0xFFFFFC00  }
0x32: {  	[tilespmem:s4], [sflag:$0x1] =	stream.linear.gather [hbm4b:s7+s4], $0x2800, $0x38;
	[tilespmem:$0x4400] =	vst v63  }
0x33: {  	_ =	swait.ge [sflag:s24], $0x2800  }
0x34: {  	[sflag:s24] =	ssyncset.done $0x0  }
0x35: {  	[sflag:s24] =	ssyncadd.s32 $0xFFFFD800  }
0x36: {  	s29 =	simm.s32 $0x0;
	[bflag:$0x0] =	sbarrier.arrive $0xFFFF  }
0x37: {  	[spmem:s3] =	stream.indirect.scatter.add.f32 [tilespmem:s25], [sflag:$0x1], $0x8, s29, s26, $0xb8;
	[tilespmem:$0x4400] =	vst v63  }
0x38: {  	_ =	swait.ge [sflag:s24], $0x400  }
0x39: {  	s29 =	simm.s32 $0x200;
	[sflag:s24] =	ssyncset.done $0x0  }
.LBB2_2:
0x3a: {  	s30 =	sshra.s32 s29, $0x2;
	[sflag:s24] =	ssyncadd.s32 $0xFFFFFC00;
	p0 =	sne.s32 s29, $0x9E00  }
0x3b: {  	[spmem:s3] =	stream.indirect.scatter.add.f32 [tilespmem:s25], [sflag:$0x1], $0x8, s30, s26, $0xb8;
	[tilespmem:$0x4400] =	vst v63  }
.Ltmp0:
0x3c: {  	_ = 	snop;
	(pc) =	sbr.rel @p0 .LBB2_2-.Ltmp0, $4  }
0x3d: {  	_ = 	snop  }
0x3e: {  	s29 =	sadd.s32 $0x200, s29  }
0x3f: {  	_ =	swait.ge [sflag:s24], $0x400  }
0x40: {  	[sflag:s24] =	ssyncset.done $0x0  }
0x41: {  	[sflag:s24] =	ssyncadd.s32 $0xFFFFFC00  }
0x42: {  	[bflag:$0x0] =	sbarrier.arrive $0xFFFF  }
0x43: {  	[tilespmem:s23], [sflag:$0x1] =	stream.linear.gather [spmem:s8], $0x400, $0x38;
	[tilespmem:$0x4400] =	vst v63  }
0x44: {  	_ =	swait.ge [sflag:s24], $0x400  }
0x45: {  	[sflag:s24] =	ssyncset.done $0x0  }
0x46: {  	[sflag:s24] =	ssyncadd.s32 $0xFFFFFC00  }
0x47: {  	[hbm4b:s14+s4] =	stream.linear.scatter [tilespmem:s23], [sflag:$0x1], $0x400, $0x38;
	[tilespmem:$0x4400] =	vst v63  }
0x48: {  	_ =	swait.ge [sflag:s24], $0x400  }
0x49: {  	[sflag:s24] =	ssyncset.done $0x0  }
0x4a: {  	[sflag:s24] =	ssyncadd.s32 $0xFFFFFC00  }
0x4b: {  	[tilespmem:s23], [sflag:$0x1] =	stream.linear.gather [spmem:s15], $0x400, $0x38;
	[tilespmem:$0x4400] =	vst v63  }
0x4c: {  	_ =	swait.ge [sflag:s24], $0x400  }
0x4d: {  	[sflag:s24] =	ssyncset.done $0x0  }
0x4e: {  	[sflag:s24] =	ssyncadd.s32 $0xFFFFFC00  }
0x4f: {  	[hbm4b:s16+s4] =	stream.linear.scatter [tilespmem:s23], [sflag:$0x1], $0x400, $0x38;
	[tilespmem:$0x4400] =	vst v63  }
0x50: {  	_ =	swait.ge [sflag:s24], $0x400  }
0x51: {  	[sflag:s24] =	ssyncset.done $0x0  }
0x52: {  	[sflag:s24] =	ssyncadd.s32 $0xFFFFFC00  }
0x53: {  	[tilespmem:s23], [sflag:$0x1] =	stream.linear.gather [spmem:s17], $0x400, $0x38;
	[tilespmem:$0x4400] =	vst v63  }
0x54: {  	_ =	swait.ge [sflag:s24], $0x400  }
0x55: {  	[sflag:s24] =	ssyncset.done $0x0  }
0x56: {  	[sflag:s24] =	ssyncadd.s32 $0xFFFFFC00  }
0x57: {  	[hbm4b:s18+s4] =	stream.linear.scatter [tilespmem:s23], [sflag:$0x1], $0x400, $0x38;
	[tilespmem:$0x4400] =	vst v63  }
0x58: {  	_ =	swait.ge [sflag:s24], $0x400  }
0x59: {  	[sflag:s24] =	ssyncset.done $0x0  }
0x5a: {  	[sflag:s24] =	ssyncadd.s32 $0xFFFFFC00  }
0x5b: {  	[tilespmem:s23], [sflag:$0x1] =	stream.linear.gather [spmem:s19], $0x400, $0x38;
	[tilespmem:$0x4400] =	vst v63  }
0x5c: {  	_ =	swait.ge [sflag:s24], $0x400  }
0x5d: {  	[sflag:s24] =	ssyncset.done $0x0  }
0x5e: {  	[sflag:s24] =	ssyncadd.s32 $0xFFFFFC00  }
0x5f: {  	[hbm4b:s20+s4] =	stream.linear.scatter [tilespmem:s23], [sflag:$0x1], $0x400, $0x38;
	[tilespmem:$0x4400] =	vst v63  }
0x60: {  	_ =	swait.ge [sflag:s24], $0x400  }
0x61: {  	[sflag:s24] =	ssyncset.done $0x0  }
0x62: {  	[sflag:s24] =	ssyncadd.s32 $0xFFFFFC00  }
0x63: {  	[tilespmem:s23], [sflag:$0x1] =	stream.linear.gather [spmem:s21], $0x400, $0x38;
	[tilespmem:$0x4400] =	vst v63  }
0x64: {  	s28 =	sadd.s32 $0x1, s28;
	_ =	swait.ge [sflag:s24], $0x400  }
0x65: {  	p0 =	sne.s32 s28, s9;
	[sflag:s24] =	ssyncset.done $0x0  }
.Ltmp1:
0x66: {  	[sflag:s24] =	ssyncadd.s32 $0xFFFFFC00;
	(pc) =	sbr.rel @p0 .LBB2_1-.Ltmp1, $4  }
0x67: {  	[hbm4b:s22+s4] =	stream.linear.scatter [tilespmem:s23], [sflag:$0x1], $0x400, $0x38;
	[tilespmem:$0x4400] =	vst v63  }
0x68: {  	_ =	swait.ge [sflag:s24], $0x400  }
0x69: {  	[sflag:s24] =	ssyncset.done $0x0  }
0x6a: {  	[sflag:s24] =	ssyncadd.s32 $0xFFFFFC00  }
0x6b: {  	_ =	sfence.sel $0x180000  }
0x6c: {  	[bflag:$0x0] =	sbarrier.arrive $0xFFFF  }
0x6d: {  	p0 =	sne.s32 s1, $0x0;
	_ =	strace $0x90000047  }
0x6e: {  	s0 =	sadd.s32 @!p0 $0x100000, s0;
	[bflag:$0x2] =	sbarrier.arrive $0xFFFF  }
0x6f: {  	[sflag:s0] =	ssyncadd.tile.s32 @!p0 $0x1;
	_ =	shalt  }
.Lfunc_end2:
_tile_overlayer_lowered:
.L_overlay_start_2:
0x70: {  	(tag) =	ssettag $0x2  }
0x71: {  	s0 =	rddreg [dreg:$0x0];
	s2 =	stileid.u32  }
0x72: {  	s1 =	rddreg [dreg:$0x1];
	p0 =	sne.s32 s2, $0x0  }
0x73: {  	s3 =	rddreg [dreg:$0x2];
	[bflag:$0x3] =	sbarrier.arrive $0xFFFF;
	s2 =	simm.s32 @!p0 $0x1C01  }
0x74: {  	[timem:s3], [sflag:s2] =	dma.local @!p0 [hbm:s0], s1  }
0x75: {  	s0 =	simm.s32 @!p0 $0x1  }
0x76: {  	_ =	swait.ge @!p0 [sflag:s0], s1  }
0x77: {  	s1 =	ssub.s32 @!p0 $0x0, s1;
	[sflag:s0] =	ssyncset.done @!p0 $0x0  }
0x78: {  	[sflag:s0] =	ssyncadd.s32 @!p0 s1  }
0x79: {  	[bflag:$0x3] =	sbarrier.arrive $0xFFFF  }
0x7a: {  	_ =	shalt  }

</sc_bundles>
